<compile_context>
chip_gen: v7x
topology: tpu7x:2x2x1
jax: 0.10.2.dev20260603
libtpu: 0.0.44.dev20260713+nightly
codegen_flags: <defaults>
</compile_context>

<pallas_src>
import functools

import jax
import jax.numpy as jnp
from jax import lax
from jax.experimental import pallas as pl
from jax.experimental.pallas import tpu as pltpu
from jax.experimental.pallas import tpu_sc as plsc

_NC, _NS = 2, 16
_NW = _NC * _NS
_CHB = 4096


def _subtreeprod(x):
    while x.shape[1] > 1:
        h = x.shape[1] // 2
        x = x[:, :h, :] * x[:, h:, :]
    return x[:, 0, :]


def _unary_body(x_ref, w_ref, o_ref, cp_ref):
    x = x_ref[...]
    cp_ref[...] = x
    d = jnp.maximum(x[:, 1] - x[:, 0], 0.0)
    vol = _subtreeprod(d)
    w = w_ref[...]
    o_ref[...] = jnp.sum(vol * w, axis=0).reshape(o_ref.shape)


def _unary_call(bt, wcol, n, m, d2, bn):
    grid = (n + bn - 1) // bn
    return pl.pallas_call(
        _unary_body,
        grid=(grid,),
        in_specs=[
            pl.BlockSpec((m, 2, d2, bn), lambda i: (0, 0, 0, i)),
            pl.BlockSpec((m, 1), lambda i: (0, 0)),
        ],
        out_specs=[
            pl.BlockSpec((1, 1, bn), lambda i: (i, 0, 0)),
            pl.BlockSpec((m, 2, d2, bn), lambda i: (0, 0, 0, i)),
        ],
        out_shape=[
            jax.ShapeDtypeStruct((grid, 1, bn), jnp.float32),
            jax.ShapeDtypeStruct((m, 2, d2, n), jnp.float32),
        ],
    )(bt, wcol)


def _pba_body(a_ref, b_ref, w_ref, o_ref):
    a = a_ref[...]
    b = b_ref[...]
    iz = jnp.maximum(a[:, 0], b[:, 0])
    iZ = jnp.minimum(a[:, 1], b[:, 1])
    vol_i = _subtreeprod(jnp.maximum(iZ - iz, 0.0))
    vol_a = _subtreeprod(jnp.maximum(a[:, 1] - a[:, 0], 0.0))
    p = vol_i / (vol_a + 1e-38)
    w = w_ref[...]
    o_ref[...] = jnp.sum(p * w, axis=0).reshape(o_ref.shape)


def _pba_call(at, bt, wcol, nb, m, d2, bb):
    grid = nb // bb
    return pl.pallas_call(
        _pba_body,
        grid=(grid,),
        in_specs=[
            pl.BlockSpec((m, 2, d2, bb), lambda i: (0, 0, 0, i)),
            pl.BlockSpec((m, 2, d2, bb), lambda i: (0, 0, 0, i)),
            pl.BlockSpec((m, 1), lambda i: (0, 0)),
        ],
        out_specs=pl.BlockSpec((1, 1, bb), lambda i: (i, 0, 0)),
        out_shape=jax.ShapeDtypeStruct((grid, 1, bb), jnp.float32),
    )(at, bt, wcol)


def _sc_gather_body(planes_per_w, nb,
                    planes_hbm, idxa_hbm, idxb_hbm, outa_hbm, outb_hbm,
                    plane_v, i0, i1, o0, o1, ishared,
                    sem_p, si0, si1, so0, so1):
    sid = lax.axis_index("s")
    wid = sid * _NC + lax.axis_index("c")
    p0 = wid * planes_per_w
    ncb = nb // _CHB
    ntasks = 2 * ncb
    ibufs, isems = [i0, i1], [si0, si1]
    obufs, osems = [o0, o1], [so0, so1]

    @pl.when(sid == 0)
    def _stage():
        pltpu.sync_copy(idxa_hbm, ishared.at[0])
        pltpu.sync_copy(idxb_hbm, ishared.at[1])

    plsc.subcore_barrier()

    def task_src(t):
        side, c = divmod(t, ncb)
        oh = outa_hbm if side == 0 else outb_hbm
        return side, oh, c

    def plane_body(pi, _):
        p = p0 + pi
        cp_p = pltpu.async_copy(planes_hbm.at[p], plane_v, sem_p)
        s0, _, c0 = task_src(0)
        cps_i = [None, None]
        cps_o = [None, None]
        cps_i[0] = pltpu.async_copy(
            ishared.at[s0, pl.ds(c0 * _CHB, _CHB)], ibufs[0], isems[0])
        cp_p.wait()
        for t in range(ntasks):
            j = t & 1
            if t + 1 < ntasks:
                s2, _, c2 = task_src(t + 1)
                k = (t + 1) & 1
                cps_i[k] = pltpu.async_copy(
                    ishared.at[s2, pl.ds(c2 * _CHB, _CHB)], ibufs[k], isems[k])
            cps_i[j].wait()
            if cps_o[j] is not None:
                cps_o[j].wait()
            ib, ob = ibufs[j], obufs[j]

            def gbody(i, _, ib=ib, ob=ob):
                b0 = i * 256
                for u in range(16):
                    o = b0 + u * 16
                    ob[pl.ds(o, 16)] = plsc.load_gather(
                        plane_v, [ib[pl.ds(o, 16)]])
                return 0

            lax.fori_loop(0, _CHB // 256, gbody, 0)
            _, oh_t, c_t = task_src(t)
            cps_o[j] = pltpu.async_copy(
                obufs[j], oh_t.at[p, pl.ds(c_t * _CHB, _CHB)], osems[j])
        cps_o[0].wait()
        cps_o[1].wait()
        return 0

    lax.fori_loop(0, planes_per_w, plane_body, 0)


def _sc_gather(planes, idx_a, idx_b, n_planes, n, nb):
    planes_per_w = n_planes // _NW
    mesh = plsc.VectorSubcoreMesh(core_axis_name="c", subcore_axis_name="s")
    body = functools.partial(_sc_gather_body, planes_per_w, nb)
    f = pl.kernel(
        body,
        out_type=[jax.ShapeDtypeStruct((n_planes, nb), jnp.float32),
                  jax.ShapeDtypeStruct((n_planes, nb), jnp.float32)],
        mesh=mesh,
        scratch_types=[
            pltpu.VMEM((n,), jnp.float32),
            pltpu.VMEM((_CHB,), jnp.int32),
            pltpu.VMEM((_CHB,), jnp.int32),
            pltpu.VMEM((_CHB,), jnp.float32),
            pltpu.VMEM((_CHB,), jnp.float32),
            pltpu.VMEM_SHARED((2, nb), jnp.int32),
            pltpu.SemaphoreType.DMA,
            pltpu.SemaphoreType.DMA,
            pltpu.SemaphoreType.DMA,
            pltpu.SemaphoreType.DMA,
            pltpu.SemaphoreType.DMA,
        ],
        compiler_params=pltpu.CompilerParams(use_tc_tiling_on_sc=True,
                                             needs_layout_passes=False),
    )
    return f(planes, idx_a, idx_b)


def kernel(box_indices, boxes, mix_weights):
    m, n, _, d = boxes.shape
    nb = box_indices.shape[0]
    w = jax.nn.softmax(mix_weights.astype(jnp.float32))
    wcol = w.reshape(m, 1)

    bt = jnp.transpose(boxes, (0, 2, 3, 1))
    planes = bt.reshape(m * 2 * d, n)

    idx_a = box_indices[:, 0].astype(jnp.int32)
    idx_b = box_indices[:, 1].astype(jnp.int32)

    outa, outb = _sc_gather(planes, idx_a, idx_b, m * 2 * d, n, nb)
    at4 = outa.reshape(m, 2, d, nb)
    bt4 = outb.reshape(m, 2, d, nb)
    a4 = jnp.transpose(at4, (0, 3, 1, 2))
    b4 = jnp.transpose(bt4, (0, 3, 1, 2))

    bn = 1024
    grid = (n + bn - 1) // bn
    unary3, boxes_cp = _unary_call(bt, wcol, n, m, d, bn)
    unary = unary3.reshape(grid * bn)[:n]
    boxes_out = jnp.transpose(boxes_cp, (0, 3, 1, 2))

    pba = _pba_call(at4, bt4, wcol, nb, m, d, bb=2048).reshape(nb)

    return (unary, boxes_out, a4, b4, pba)

# --- scband reference (transcript-rebuilt; emitter-appended) ---
"""Pipeline reference for scband-box-model-71064528879947 (READ-ONLY COPY).

The authoritative reference and input builder live on the scoring server;
editing this copy changes nothing except your own understanding.
"""

import jax, jax.numpy as jnp
import numpy as np

M, N, D, B = 4, 100000, 32, 16384


def _vol(b):
    # b[..., 0, :] = lower corner z, b[..., 1, :] = upper corner Z
    return jnp.prod(jnp.clip(b[..., 1, :] - b[..., 0, :], 0.0, None), axis=-1)


def setup_inputs(seed: int = 0) -> dict:
    key = jax.random.key(seed)
    k1, k2, k3, k4 = jax.random.split(key, 4)
    box_indices = jax.random.randint(k1, (B, 2), 0, N)
    z = jax.random.uniform(k2, (M, N, 1, D), dtype=jnp.float32) * 0.5
    off = 0.1 + jax.random.uniform(k3, (M, N, 1, D), dtype=jnp.float32) * 0.4
    boxes = jnp.concatenate([z, z + off], axis=2)  # [M, N, 2, D]
    mix_weights = jax.random.uniform(k4, (M,), dtype=jnp.float32)
    return {"box_indices": box_indices, "boxes": boxes, "mix_weights": mix_weights}


def reference(box_indices, boxes, mix_weights):
    # BoxModel.forward with default universe_box (clamp=True)
    be = jnp.clip(boxes, 0.0, 1.0)
    unary_probs = _vol(be)  # [M, N]
    idx_a = box_indices[:, 0]
    idx_b = box_indices[:, 1]
    A = jnp.take(be, idx_a, axis=1)   # [M, B, 2, D]
    Bb = jnp.take(be, idx_b, axis=1)  # [M, B, 2, D]
    iz = jnp.maximum(A[..., 0, :], Bb[..., 0, :])
    iZ = jnp.minimum(A[..., 1, :], Bb[..., 1, :])
    inter = jnp.stack([iz, iZ], axis=-2)  # [M, B, 2, D]
    p_b_given_a = _vol(inter) / (jnp.take(unary_probs, idx_a, axis=1) + 1e-38)  # [M, B]
    universe = jnp.stack([jnp.zeros(D, jnp.float32), jnp.ones(D, jnp.float32)])[None, None]
    universe_vol = jnp.squeeze(_vol(universe))  # scalar = 1.0
    unary_norm = unary_probs / universe_vol
    w = jax.nn.softmax(mix_weights, axis=0)
    unary_out = jnp.einsum('m,mn->n', w, unary_norm)  # WeightedSum
    pba_out = jnp.einsum('m,mb->b', w, p_b_given_a)
    # dict in torch -> tuple here: (unary_probs, box_embeddings_orig, A, B, P(B|A))
    return (unary_out, boxes, A, Bb, pba_out)

if __name__ == "__main__":
    import jax
    _d = setup_inputs()
    print(jax.jit(kernel)(*tuple(_d.values())))

</pallas_src>

<mosaic_0001>
#map = affine_map<(d0, d1) -> (0, 0)>
#map1 = affine_map<(d0, d1) -> (0)>
module attributes {stable_mosaic.version = 14 : i64} {
  func.func @_sc_gather_body(%arg0: i32, %arg1: i32, %arg2: memref<256x100000xf32, #tpu.memory_space<hbm>>, %arg3: memref<16384xi32, #tpu.memory_space<hbm>>, %arg4: memref<16384xi32, #tpu.memory_space<hbm>>, %arg5: memref<256x16384xf32, #tpu.memory_space<hbm>>, %arg6: memref<256x16384xf32, #tpu.memory_space<hbm>>, %arg7: memref<100000xf32, #tpu.memory_space<vmem>>, %arg8: memref<4096xi32, #tpu.memory_space<vmem>>, %arg9: memref<4096xi32, #tpu.memory_space<vmem>>, %arg10: memref<4096xf32, #tpu.memory_space<vmem>>, %arg11: memref<4096xf32, #tpu.memory_space<vmem>>, %arg12: memref<2x16384xi32, #tpu.memory_space<vmem_shared>>, %arg13: memref<!tpu.dma_semaphore, #tpu.memory_space<semaphore_mem>>, %arg14: memref<!tpu.dma_semaphore, #tpu.memory_space<semaphore_mem>>, %arg15: memref<!tpu.dma_semaphore, #tpu.memory_space<semaphore_mem>>, %arg16: memref<!tpu.dma_semaphore, #tpu.memory_space<semaphore_mem>>, %arg17: memref<!tpu.dma_semaphore, #tpu.memory_space<semaphore_mem>>) attributes {dimension_semantics = [#tpu.dimension_semantics<core_parallel>, #tpu.dimension_semantics<subcore_parallel>], iteration_bounds = array<i64: 2, 16>, scalar_prefetch = 0 : i64, scratch_operands = 11 : i64, tpu.core_type = #tpu.core_type<sc_vector_subcore>, window_params = [{transform_indices = #map}, {transform_indices = #map1}, {transform_indices = #map1}, {transform_indices = #map}, {transform_indices = #map}]} {
    %mul3A = arith.constant 2 : i32
    %mul3A_0 = arith.muli %arg1, %mul3A : i32
    %add3A = arith.addi %mul3A_0, %arg0 : i32
    %mul3A_1 = arith.constant 8 : i32
    %mul3A_2 = arith.muli %add3A, %mul3A_1 : i32
    %eq3A = arith.constant 0 : i32
    %eq3A_3 = arith.cmpi eq, %arg1, %eq3A : i32
    %convert_element_type3A = arith.extui %eq3A_3 : i1 to i32
    %cond3A = arith.constant 0 : i32
    %cond3A_4 = arith.cmpi ne, %convert_element_type3A, %cond3A : i32
    scf.if %cond3A_4 {
      %run_scoped3A = arith.constant 0 : i32
      "tpu.region"() ({
        %run_scoped3A_12 = tpu.sem_alloc : memref<!tpu.dma_semaphore, #tpu.memory_space<semaphore_mem>>
        %dma_start3A = arith.constant 0 : i32
        %dma_start3A_13 = tpu.memref_slice %arg12[%run_scoped3A, %dma_start3A] : memref<2x16384xi32, #tpu.memory_space<vmem_shared>> -> memref<1x16384xi32, #tpu.memory_space<vmem_shared>>
        %dma_start3A_14 = tpu.memref_squeeze %dma_start3A_13 : memref<1x16384xi32, #tpu.memory_space<vmem_shared>> -> memref<16384xi32, #tpu.memory_space<vmem_shared>>
        tpu.enqueue_dma source(%arg3 : memref<16384xi32, #tpu.memory_space<hbm>>) target(%dma_start3A_14 : memref<16384xi32, #tpu.memory_space<vmem_shared>>) target_semaphore(%run_scoped3A_12 : memref<!tpu.dma_semaphore, #tpu.memory_space<semaphore_mem>>)
        %dma_wait3A = arith.constant 0 : i32
        %dma_wait3A_15 = tpu.memref_slice %arg12[%run_scoped3A, %dma_wait3A] : memref<2x16384xi32, #tpu.memory_space<vmem_shared>> -> memref<1x16384xi32, #tpu.memory_space<vmem_shared>>
        %dma_wait3A_16 = tpu.memref_squeeze %dma_wait3A_15 : memref<1x16384xi32, #tpu.memory_space<vmem_shared>> -> memref<16384xi32, #tpu.memory_space<vmem_shared>>
        tpu.wait_dma2 semaphore(%run_scoped3A_12 : memref<!tpu.dma_semaphore, #tpu.memory_space<semaphore_mem>>) src(%arg3 : memref<16384xi32, #tpu.memory_space<hbm>>) dst(%dma_wait3A_16 : memref<16384xi32, #tpu.memory_space<vmem_shared>>)
        tpu.yield
      }) : () -> ()
      %run_scoped3A_11 = arith.constant 1 : i32
      "tpu.region"() ({
        %run_scoped3A_12 = tpu.sem_alloc : memref<!tpu.dma_semaphore, #tpu.memory_space<semaphore_mem>>
        %dma_start3A = arith.constant 0 : i32
        %dma_start3A_13 = tpu.memref_slice %arg12[%run_scoped3A_11, %dma_start3A] : memref<2x16384xi32, #tpu.memory_space<vmem_shared>> -> memref<1x16384xi32, #tpu.memory_space<vmem_shared>>
        %dma_start3A_14 = tpu.memref_squeeze %dma_start3A_13 : memref<1x16384xi32, #tpu.memory_space<vmem_shared>> -> memref<16384xi32, #tpu.memory_space<vmem_shared>>
        tpu.enqueue_dma source(%arg4 : memref<16384xi32, #tpu.memory_space<hbm>>) target(%dma_start3A_14 : memref<16384xi32, #tpu.memory_space<vmem_shared>>) target_semaphore(%run_scoped3A_12 : memref<!tpu.dma_semaphore, #tpu.memory_space<semaphore_mem>>)
        %dma_wait3A = arith.constant 0 : i32
        %dma_wait3A_15 = tpu.memref_slice %arg12[%run_scoped3A_11, %dma_wait3A] : memref<2x16384xi32, #tpu.memory_space<vmem_shared>> -> memref<1x16384xi32, #tpu.memory_space<vmem_shared>>
        %dma_wait3A_16 = tpu.memref_squeeze %dma_wait3A_15 : memref<1x16384xi32, #tpu.memory_space<vmem_shared>> -> memref<16384xi32, #tpu.memory_space<vmem_shared>>
        tpu.wait_dma2 semaphore(%run_scoped3A_12 : memref<!tpu.dma_semaphore, #tpu.memory_space<semaphore_mem>>) src(%arg4 : memref<16384xi32, #tpu.memory_space<hbm>>) dst(%dma_wait3A_16 : memref<16384xi32, #tpu.memory_space<vmem_shared>>)
        tpu.yield
      }) : () -> ()
    } else {
    }
    %barrier3A = arith.constant 0 : index
    tpu.barrier barrier_id(%barrier3A)
    %scan3A = arith.constant 0 : i32
    %scan3A_5 = arith.constant 0 : i32
    %scan3A_6 = arith.constant 8 : i32
    %scan3A_7 = arith.addi %scan3A_5, %scan3A_6 : i32
    %scan3A_8 = arith.constant 1 : i32
    %scan3A_9 = scf.for %scan3A_11 = %scan3A_5 to %scan3A_7 step %scan3A_8 iter_args(%scan3A_12 = %scan3A) -> (i32)  : i32 {
      %add3A_13 = arith.addi %mul3A_2, %scan3A_11 : i32
      %dma_start3A = arith.constant 0 : i32
      %dma_start3A_14 = tpu.memref_slice %arg2[%add3A_13, %dma_start3A] : memref<256x100000xf32, #tpu.memory_space<hbm>> -> memref<1x100000xf32, #tpu.memory_space<hbm>>
      %dma_start3A_15 = tpu.memref_squeeze %dma_start3A_14 : memref<1x100000xf32, #tpu.memory_space<hbm>> -> memref<100000xf32, #tpu.memory_space<hbm>>
      %dma_start3A_16 = arith.constant 0 : i32
      %dma_start3A_17 = tpu.memref_slice %arg2[%add3A_13, %dma_start3A_16] : memref<256x100000xf32, #tpu.memory_space<hbm>> -> memref<1x100000xf32, #tpu.memory_space<hbm>>
      %dma_start3A_18 = tpu.memref_squeeze %dma_start3A_17 : memref<1x100000xf32, #tpu.memory_space<hbm>> -> memref<100000xf32, #tpu.memory_space<hbm>>
      tpu.enqueue_dma source(%dma_start3A_18 : memref<100000xf32, #tpu.memory_space<hbm>>) target(%arg7 : memref<100000xf32, #tpu.memory_space<vmem>>) target_semaphore(%arg13 : memref<!tpu.dma_semaphore, #tpu.memory_space<semaphore_mem>>)
      %dma_start3A_19 = arith.constant 0 : i32
      %dma_start3A_20 = arith.constant 0 : i32
      %dma_start3A_21 = tpu.memref_slice %arg12[%dma_start3A_19, %dma_start3A_20] : memref<2x16384xi32, #tpu.memory_space<vmem_shared>> -> memref<1x4096xi32, #tpu.memory_space<vmem_shared>>
      %dma_start3A_22 = tpu.memref_squeeze %dma_start3A_21 : memref<1x4096xi32, #tpu.memory_space<vmem_shared>> -> memref<4096xi32, #tpu.memory_space<vmem_shared>>
      %dma_start3A_23 = arith.constant 0 : i32
      %dma_start3A_24 = tpu.memref_slice %arg12[%dma_start3A_19, %dma_start3A_23] : memref<2x16384xi32, #tpu.memory_space<vmem_shared>> -> memref<1x4096xi32, #tpu.memory_space<vmem_shared>>
      %dma_start3A_25 = tpu.memref_squeeze %dma_start3A_24 : memref<1x4096xi32, #tpu.memory_space<vmem_shared>> -> memref<4096xi32, #tpu.memory_space<vmem_shared>>
      tpu.enqueue_dma source(%dma_start3A_25 : memref<4096xi32, #tpu.memory_space<vmem_shared>>) target(%arg8 : memref<4096xi32, #tpu.memory_space<vmem>>) target_semaphore(%arg14 : memref<!tpu.dma_semaphore, #tpu.memory_space<semaphore_mem>>)
      %dma_wait3A = arith.constant 0 : i32
      %dma_wait3A_26 = tpu.memref_slice %arg2[%add3A_13, %dma_wait3A] : memref<256x100000xf32, #tpu.memory_space<hbm>> -> memref<1x100000xf32, #tpu.memory_space<hbm>>
      %dma_wait3A_27 = tpu.memref_squeeze %dma_wait3A_26 : memref<1x100000xf32, #tpu.memory_space<hbm>> -> memref<100000xf32, #tpu.memory_space<hbm>>
      %dma_wait3A_28 = arith.constant 0 : i32
      %dma_wait3A_29 = tpu.memref_slice %arg2[%add3A_13, %dma_wait3A_28] : memref<256x100000xf32, #tpu.memory_space<hbm>> -> memref<1x100000xf32, #tpu.memory_space<hbm>>
      %dma_wait3A_30 = tpu.memref_squeeze %dma_wait3A_29 : memref<1x100000xf32, #tpu.memory_space<hbm>> -> memref<100000xf32, #tpu.memory_space<hbm>>
      tpu.wait_dma2 semaphore(%arg13 : memref<!tpu.dma_semaphore, #tpu.memory_space<semaphore_mem>>) src(%dma_wait3A_30 : memref<100000xf32, #tpu.memory_space<hbm>>) dst(%arg7 : memref<100000xf32, #tpu.memory_space<vmem>>)
      %dma_start3A_31 = arith.constant 0 : i32
      %dma_start3A_32 = arith.constant 4096 : i32
      %dma_start3A_33 = tpu.memref_slice %arg12[%dma_start3A_31, %dma_start3A_32] : memref<2x16384xi32, #tpu.memory_space<vmem_shared>> -> memref<1x4096xi32, #tpu.memory_space<vmem_shared>>
      %dma_start3A_34 = tpu.memref_squeeze %dma_start3A_33 : memref<1x4096xi32, #tpu.memory_space<vmem_shared>> -> memref<4096xi32, #tpu.memory_space<vmem_shared>>
      %dma_start3A_35 = arith.constant 4096 : i32
      %dma_start3A_36 = tpu.memref_slice %arg12[%dma_start3A_31, %dma_start3A_35] : memref<2x16384xi32, #tpu.memory_space<vmem_shared>> -> memref<1x4096xi32, #tpu.memory_space<vmem_shared>>
      %dma_start3A_37 = tpu.memref_squeeze %dma_start3A_36 : memref<1x4096xi32, #tpu.memory_space<vmem_shared>> -> memref<4096xi32, #tpu.memory_space<vmem_shared>>
      tpu.enqueue_dma source(%dma_start3A_37 : memref<4096xi32, #tpu.memory_space<vmem_shared>>) target(%arg9 : memref<4096xi32, #tpu.memory_space<vmem>>) target_semaphore(%arg15 : memref<!tpu.dma_semaphore, #tpu.memory_space<semaphore_mem>>)
      %dma_wait3A_38 = arith.constant 0 : i32
      %dma_wait3A_39 = arith.constant 0 : i32
      %dma_wait3A_40 = tpu.memref_slice %arg12[%dma_wait3A_38, %dma_wait3A_39] : memref<2x16384xi32, #tpu.memory_space<vmem_shared>> -> memref<1x4096xi32, #tpu.memory_space<vmem_shared>>
      %dma_wait3A_41 = tpu.memref_squeeze %dma_wait3A_40 : memref<1x4096xi32, #tpu.memory_space<vmem_shared>> -> memref<4096xi32, #tpu.memory_space<vmem_shared>>
      %dma_wait3A_42 = arith.constant 0 : i32
      %dma_wait3A_43 = tpu.memref_slice %arg12[%dma_wait3A_38, %dma_wait3A_42] : memref<2x16384xi32, #tpu.memory_space<vmem_shared>> -> memref<1x4096xi32, #tpu.memory_space<vmem_shared>>
      %dma_wait3A_44 = tpu.memref_squeeze %dma_wait3A_43 : memref<1x4096xi32, #tpu.memory_space<vmem_shared>> -> memref<4096xi32, #tpu.memory_space<vmem_shared>>
      tpu.wait_dma2 semaphore(%arg14 : memref<!tpu.dma_semaphore, #tpu.memory_space<semaphore_mem>>) src(%dma_wait3A_44 : memref<4096xi32, #tpu.memory_space<vmem_shared>>) dst(%arg8 : memref<4096xi32, #tpu.memory_space<vmem>>)
      %scan3A_45 = arith.constant 0 : i32
      %scan3A_46 = arith.constant 0 : i32
      %scan3A_47 = arith.constant 16 : i32
      %scan3A_48 = arith.addi %scan3A_46, %scan3A_47 : i32
      %scan3A_49 = arith.constant 1 : i32
      %scan3A_50 = scf.for %scan3A_289 = %scan3A_46 to %scan3A_48 step %scan3A_49 iter_args(%scan3A_290 = %scan3A_45) -> (i32)  : i32 {
        %mul3A_291 = arith.constant 256 : i32
        %mul3A_292 = arith.muli %scan3A_289, %mul3A_291 : i32
        %add3A_293 = arith.constant 0 : i32
        %add3A_294 = arith.addi %mul3A_292, %add3A_293 : i32
        %get3A = arith.index_cast %add3A_294 : i32 to index
        %get3A_295 = tpu.vector_load %arg8[%get3A] {strides = array<i32>} : memref<4096xi32, #tpu.memory_space<vmem>>, vector<16xi32>,
        %gather3A = tpu.vector_load_idx %arg7[%get3A_295] : memref<100000xf32, #tpu.memory_space<vmem>>[vector<16xi32>], vector<16xf32>,
        %swap3A = arith.index_cast %add3A_294 : i32 to index
        %swap3A_296 = tpu.vector_load %arg10[%swap3A] {strides = array<i32>} : memref<4096xf32, #tpu.memory_space<vmem>>, vector<16xf32>,
        tpu.vector_store %arg10[%swap3A], %gather3A {strides = array<i32>} : memref<4096xf32, #tpu.memory_space<vmem>>, vector<16xf32>,
        %add3A_297 = arith.constant 16 : i32
        %add3A_298 = arith.addi %mul3A_292, %add3A_297 : i32
        %get3A_299 = arith.index_cast %add3A_298 : i32 to index
        %get3A_300 = tpu.vector_load %arg8[%get3A_299] {strides = array<i32>} : memref<4096xi32, #tpu.memory_space<vmem>>, vector<16xi32>,
        %gather3A_301 = tpu.vector_load_idx %arg7[%get3A_300] : memref<100000xf32, #tpu.memory_space<vmem>>[vector<16xi32>], vector<16xf32>,
        %swap3A_302 = arith.index_cast %add3A_298 : i32 to index
        %swap3A_303 = tpu.vector_load %arg10[%swap3A_302] {strides = array<i32>} : memref<4096xf32, #tpu.memory_space<vmem>>, vector<16xf32>,
        tpu.vector_store %arg10[%swap3A_302], %gather3A_301 {strides = array<i32>} : memref<4096xf32, #tpu.memory_space<vmem>>, vector<16xf32>,
        %add3A_304 = arith.constant 32 : i32
        %add3A_305 = arith.addi %mul3A_292, %add3A_304 : i32
        %get3A_306 = arith.index_cast %add3A_305 : i32 to index
        %get3A_307 = tpu.vector_load %arg8[%get3A_306] {strides = array<i32>} : memref<4096xi32, #tpu.memory_space<vmem>>, vector<16xi32>,
        %gather3A_308 = tpu.vector_load_idx %arg7[%get3A_307] : memref<100000xf32, #tpu.memory_space<vmem>>[vector<16xi32>], vector<16xf32>,
        %swap3A_309 = arith.index_cast %add3A_305 : i32 to index
        %swap3A_310 = tpu.vector_load %arg10[%swap3A_309] {strides = array<i32>} : memref<4096xf32, #tpu.memory_space<vmem>>, vector<16xf32>,
        tpu.vector_store %arg10[%swap3A_309], %gather3A_308 {strides = array<i32>} : memref<4096xf32, #tpu.memory_space<vmem>>, vector<16xf32>,
        %add3A_311 = arith.constant 48 : i32
        %add3A_312 = arith.addi %mul3A_292, %add3A_311 : i32
        %get3A_313 = arith.index_cast %add3A_312 : i32 to index
        %get3A_314 = tpu.vector_load %arg8[%get3A_313] {strides = array<i32>} : memref<4096xi32, #tpu.memory_space<vmem>>, vector<16xi32>,
        %gather3A_315 = tpu.vector_load_idx %arg7[%get3A_314] : memref<100000xf32, #tpu.memory_space<vmem>>[vector<16xi32>], vector<16xf32>,
        %swap3A_316 = arith.index_cast %add3A_312 : i32 to index
        %swap3A_317 = tpu.vector_load %arg10[%swap3A_316] {strides = array<i32>} : memref<4096xf32, #tpu.memory_space<vmem>>, vector<16xf32>,
        tpu.vector_store %arg10[%swap3A_316], %gather3A_315 {strides = array<i32>} : memref<4096xf32, #tpu.memory_space<vmem>>, vector<16xf32>,
        %add3A_318 = arith.constant 64 : i32
        %add3A_319 = arith.addi %mul3A_292, %add3A_318 : i32
        %get3A_320 = arith.index_cast %add3A_319 : i32 to index
        %get3A_321 = tpu.vector_load %arg8[%get3A_320] {strides = array<i32>} : memref<4096xi32, #tpu.memory_space<vmem>>, vector<16xi32>,
        %gather3A_322 = tpu.vector_load_idx %arg7[%get3A_321] : memref<100000xf32, #tpu.memory_space<vmem>>[vector<16xi32>], vector<16xf32>,
        %swap3A_323 = arith.index_cast %add3A_319 : i32 to index
        %swap3A_324 = tpu.vector_load %arg10[%swap3A_323] {strides = array<i32>} : memref<4096xf32, #tpu.memory_space<vmem>>, vector<16xf32>,
        tpu.vector_store %arg10[%swap3A_323], %gather3A_322 {strides = array<i32>} : memref<4096xf32, #tpu.memory_space<vmem>>, vector<16xf32>,
        %add3A_325 = arith.constant 80 : i32
        %add3A_326 = arith.addi %mul3A_292, %add3A_325 : i32
        %get3A_327 = arith.index_cast %add3A_326 : i32 to index
        %get3A_328 = tpu.vector_load %arg8[%get3A_327] {strides = array<i32>} : memref<4096xi32, #tpu.memory_space<vmem>>, vector<16xi32>,
        %gather3A_329 = tpu.vector_load_idx %arg7[%get3A_328] : memref<100000xf32, #tpu.memory_space<vmem>>[vector<16xi32>], vector<16xf32>,
        %swap3A_330 = arith.index_cast %add3A_326 : i32 to index
        %swap3A_331 = tpu.vector_load %arg10[%swap3A_330] {strides = array<i32>} : memref<4096xf32, #tpu.memory_space<vmem>>, vector<16xf32>,
        tpu.vector_store %arg10[%swap3A_330], %gather3A_329 {strides = array<i32>} : memref<4096xf32, #tpu.memory_space<vmem>>, vector<16xf32>,
        %add3A_332 = arith.constant 96 : i32
        %add3A_333 = arith.addi %mul3A_292, %add3A_332 : i32
        %get3A_334 = arith.index_cast %add3A_333 : i32 to index
        %get3A_335 = tpu.vector_load %arg8[%get3A_334] {strides = array<i32>} : memref<4096xi32, #tpu.memory_space<vmem>>, vector<16xi32>,
        %gather3A_336 = tpu.vector_load_idx %arg7[%get3A_335] : memref<100000xf32, #tpu.memory_space<vmem>>[vector<16xi32>], vector<16xf32>,
        %swap3A_337 = arith.index_cast %add3A_333 : i32 to index
        %swap3A_338 = tpu.vector_load %arg10[%swap3A_337] {strides = array<i32>} : memref<4096xf32, #tpu.memory_space<vmem>>, vector<16xf32>,
        tpu.vector_store %arg10[%swap3A_337], %gather3A_336 {strides = array<i32>} : memref<4096xf32, #tpu.memory_space<vmem>>, vector<16xf32>,
        %add3A_339 = arith.constant 112 : i32
        %add3A_340 = arith.addi %mul3A_292, %add3A_339 : i32
        %get3A_341 = arith.index_cast %add3A_340 : i32 to index
        %get3A_342 = tpu.vector_load %arg8[%get3A_341] {strides = array<i32>} : memref<4096xi32, #tpu.memory_space<vmem>>, vector<16xi32>,
        %gather3A_343 = tpu.vector_load_idx %arg7[%get3A_342] : memref<100000xf32, #tpu.memory_space<vmem>>[vector<16xi32>], vector<16xf32>,
        %swap3A_344 = arith.index_cast %add3A_340 : i32 to index
        %swap3A_345 = tpu.vector_load %arg10[%swap3A_344] {strides = array<i32>} : memref<4096xf32, #tpu.memory_space<vmem>>, vector<16xf32>,
        tpu.vector_store %arg10[%swap3A_344], %gather3A_343 {strides = array<i32>} : memref<4096xf32, #tpu.memory_space<vmem>>, vector<16xf32>,
        %add3A_346 = arith.constant 128 : i32
        %add3A_347 = arith.addi %mul3A_292, %add3A_346 : i32
        %get3A_348 = arith.index_cast %add3A_347 : i32 to index
        %get3A_349 = tpu.vector_load %arg8[%get3A_348] {strides = array<i32>} : memref<4096xi32, #tpu.memory_space<vmem>>, vector<16xi32>,
        %gather3A_350 = tpu.vector_load_idx %arg7[%get3A_349] : memref<100000xf32, #tpu.memory_space<vmem>>[vector<16xi32>], vector<16xf32>,
        %swap3A_351 = arith.index_cast %add3A_347 : i32 to index
        %swap3A_352 = tpu.vector_load %arg10[%swap3A_351] {strides = array<i32>} : memref<4096xf32, #tpu.memory_space<vmem>>, vector<16xf32>,
        tpu.vector_store %arg10[%swap3A_351], %gather3A_350 {strides = array<i32>} : memref<4096xf32, #tpu.memory_space<vmem>>, vector<16xf32>,
        %add3A_353 = arith.constant 144 : i32
        %add3A_354 = arith.addi %mul3A_292, %add3A_353 : i32
        %get3A_355 = arith.index_cast %add3A_354 : i32 to index
        %get3A_356 = tpu.vector_load %arg8[%get3A_355] {strides = array<i32>} : memref<4096xi32, #tpu.memory_space<vmem>>, vector<16xi32>,
        %gather3A_357 = tpu.vector_load_idx %arg7[%get3A_356] : memref<100000xf32, #tpu.memory_space<vmem>>[vector<16xi32>], vector<16xf32>,
        %swap3A_358 = arith.index_cast %add3A_354 : i32 to index
        %swap3A_359 = tpu.vector_load %arg10[%swap3A_358] {strides = array<i32>} : memref<4096xf32, #tpu.memory_space<vmem>>, vector<16xf32>,
        tpu.vector_store %arg10[%swap3A_358], %gather3A_357 {strides = array<i32>} : memref<4096xf32, #tpu.memory_space<vmem>>, vector<16xf32>,
        %add3A_360 = arith.constant 160 : i32
        %add3A_361 = arith.addi %mul3A_292, %add3A_360 : i32
        %get3A_362 = arith.index_cast %add3A_361 : i32 to index
        %get3A_363 = tpu.vector_load %arg8[%get3A_362] {strides = array<i32>} : memref<4096xi32, #tpu.memory_space<vmem>>, vector<16xi32>,
        %gather3A_364 = tpu.vector_load_idx %arg7[%get3A_363] : memref<100000xf32, #tpu.memory_space<vmem>>[vector<16xi32>], vector<16xf32>,
        %swap3A_365 = arith.index_cast %add3A_361 : i32 to index
        %swap3A_366 = tpu.vector_load %arg10[%swap3A_365] {strides = array<i32>} : memref<4096xf32, #tpu.memory_space<vmem>>, vector<16xf32>,
        tpu.vector_store %arg10[%swap3A_365], %gather3A_364 {strides = array<i32>} : memref<4096xf32, #tpu.memory_space<vmem>>, vector<16xf32>,
        %add3A_367 = arith.constant 176 : i32
        %add3A_368 = arith.addi %mul3A_292, %add3A_367 : i32
        %get3A_369 = arith.index_cast %add3A_368 : i32 to index
        %get3A_370 = tpu.vector_load %arg8[%get3A_369] {strides = array<i32>} : memref<4096xi32, #tpu.memory_space<vmem>>, vector<16xi32>,
        %gather3A_371 = tpu.vector_load_idx %arg7[%get3A_370] : memref<100000xf32, #tpu.memory_space<vmem>>[vector<16xi32>], vector<16xf32>,
        %swap3A_372 = arith.index_cast %add3A_368 : i32 to index
        %swap3A_373 = tpu.vector_load %arg10[%swap3A_372] {strides = array<i32>} : memref<4096xf32, #tpu.memory_space<vmem>>, vector<16xf32>,
        tpu.vector_store %arg10[%swap3A_372], %gather3A_371 {strides = array<i32>} : memref<4096xf32, #tpu.memory_space<vmem>>, vector<16xf32>,
        %add3A_374 = arith.constant 192 : i32
        %add3A_375 = arith.addi %mul3A_292, %add3A_374 : i32
        %get3A_376 = arith.index_cast %add3A_375 : i32 to index
        %get3A_377 = tpu.vector_load %arg8[%get3A_376] {strides = array<i32>} : memref<4096xi32, #tpu.memory_space<vmem>>, vector<16xi32>,
        %gather3A_378 = tpu.vector_load_idx %arg7[%get3A_377] : memref<100000xf32, #tpu.memory_space<vmem>>[vector<16xi32>], vector<16xf32>,
        %swap3A_379 = arith.index_cast %add3A_375 : i32 to index
        %swap3A_380 = tpu.vector_load %arg10[%swap3A_379] {strides = array<i32>} : memref<4096xf32, #tpu.memory_space<vmem>>, vector<16xf32>,
        tpu.vector_store %arg10[%swap3A_379], %gather3A_378 {strides = array<i32>} : memref<4096xf32, #tpu.memory_space<vmem>>, vector<16xf32>,
        %add3A_381 = arith.constant 208 : i32
        %add3A_382 = arith.addi %mul3A_292, %add3A_381 : i32
        %get3A_383 = arith.index_cast %add3A_382 : i32 to index
        %get3A_384 = tpu.vector_load %arg8[%get3A_383] {strides = array<i32>} : memref<4096xi32, #tpu.memory_space<vmem>>, vector<16xi32>,
        %gather3A_385 = tpu.vector_load_idx %arg7[%get3A_384] : memref<100000xf32, #tpu.memory_space<vmem>>[vector<16xi32>], vector<16xf32>,
        %swap3A_386 = arith.index_cast %add3A_382 : i32 to index
        %swap3A_387 = tpu.vector_load %arg10[%swap3A_386] {strides = array<i32>} : memref<4096xf32, #tpu.memory_space<vmem>>, vector<16xf32>,
        tpu.vector_store %arg10[%swap3A_386], %gather3A_385 {strides = array<i32>} : memref<4096xf32, #tpu.memory_space<vmem>>, vector<16xf32>,
        %add3A_388 = arith.constant 224 : i32
        %add3A_389 = arith.addi %mul3A_292, %add3A_388 : i32
        %get3A_390 = arith.index_cast %add3A_389 : i32 to index
        %get3A_391 = tpu.vector_load %arg8[%get3A_390] {strides = array<i32>} : memref<4096xi32, #tpu.memory_space<vmem>>, vector<16xi32>,
        %gather3A_392 = tpu.vector_load_idx %arg7[%get3A_391] : memref<100000xf32, #tpu.memory_space<vmem>>[vector<16xi32>], vector<16xf32>,
        %swap3A_393 = arith.index_cast %add3A_389 : i32 to index
        %swap3A_394 = tpu.vector_load %arg10[%swap3A_393] {strides = array<i32>} : memref<4096xf32, #tpu.memory_space<vmem>>, vector<16xf32>,
        tpu.vector_store %arg10[%swap3A_393], %gather3A_392 {strides = array<i32>} : memref<4096xf32, #tpu.memory_space<vmem>>, vector<16xf32>,
        %add3A_395 = arith.constant 240 : i32
        %add3A_396 = arith.addi %mul3A_292, %add3A_395 : i32
        %get3A_397 = arith.index_cast %add3A_396 : i32 to index
        %get3A_398 = tpu.vector_load %arg8[%get3A_397] {strides = array<i32>} : memref<4096xi32, #tpu.memory_space<vmem>>, vector<16xi32>,
        %gather3A_399 = tpu.vector_load_idx %arg7[%get3A_398] : memref<100000xf32, #tpu.memory_space<vmem>>[vector<16xi32>], vector<16xf32>,
        %swap3A_400 = arith.index_cast %add3A_396 : i32 to index
        %swap3A_401 = tpu.vector_load %arg10[%swap3A_400] {strides = array<i32>} : memref<4096xf32, #tpu.memory_space<vmem>>, vector<16xf32>,
        tpu.vector_store %arg10[%swap3A_400], %gather3A_399 {strides = array<i32>} : memref<4096xf32, #tpu.memory_space<vmem>>, vector<16xf32>,
        %scan3A_402 = arith.constant 0 : i32
        scf.yield %scan3A_402 : i32
      }
      %scan3A_51 = arith.constant 16 : i32
      %dma_start3A_52 = arith.constant 0 : i32
      %dma_start3A_53 = tpu.memref_slice %arg5[%add3A_13, %dma_start3A_52] : memref<256x16384xf32, #tpu.memory_space<hbm>> -> memref<1x4096xf32, #tpu.memory_space<hbm>>
      %dma_start3A_54 = tpu.memref_squeeze %dma_start3A_53 : memref<1x4096xf32, #tpu.memory_space<hbm>> -> memref<4096xf32, #tpu.memory_space<hbm>>
      %dma_start3A_55 = arith.constant 0 : i32
      %dma_start3A_56 = tpu.memref_slice %arg5[%add3A_13, %dma_start3A_55] : memref<256x16384xf32, #tpu.memory_space<hbm>> -> memref<1x4096xf32, #tpu.memory_space<hbm>>
      %dma_start3A_57 = tpu.memref_squeeze %dma_start3A_56 : memref<1x4096xf32, #tpu.memory_space<hbm>> -> memref<4096xf32, #tpu.memory_space<hbm>>
      tpu.enqueue_dma source(%arg10 : memref<4096xf32, #tpu.memory_space<vmem>>) target(%dma_start3A_57 : memref<4096xf32, #tpu.memory_space<hbm>>) target_semaphore(%arg16 : memref<!tpu.dma_semaphore, #tpu.memory_space<semaphore_mem>>)
      %dma_start3A_58 = arith.constant 0 : i32
      %dma_start3A_59 = arith.constant 8192 : i32
      %dma_start3A_60 = tpu.memref_slice %arg12[%dma_start3A_58, %dma_start3A_59] : memref<2x16384xi32, #tpu.memory_space<vmem_shared>> -> memref<1x4096xi32, #tpu.memory_space<vmem_shared>>
      %dma_start3A_61 = tpu.memref_squeeze %dma_start3A_60 : memref<1x4096xi32, #tpu.memory_space<vmem_shared>> -> memref<4096xi32, #tpu.memory_space<vmem_shared>>
      %dma_start3A_62 = arith.constant 8192 : i32
      %dma_start3A_63 = tpu.memref_slice %arg12[%dma_start3A_58, %dma_start3A_62] : memref<2x16384xi32, #tpu.memory_space<vmem_shared>> -> memref<1x4096xi32, #tpu.memory_space<vmem_shared>>
      %dma_start3A_64 = tpu.memref_squeeze %dma_start3A_63 : memref<1x4096xi32, #tpu.memory_space<vmem_shared>> -> memref<4096xi32, #tpu.memory_space<vmem_shared>>
      tpu.enqueue_dma source(%dma_start3A_64 : memref<4096xi32, #tpu.memory_space<vmem_shared>>) target(%arg8 : memref<4096xi32, #tpu.memory_space<vmem>>) target_semaphore(%arg14 : memref<!tpu.dma_semaphore, #tpu.memory_space<semaphore_mem>>)
      %dma_wait3A_65 = arith.constant 0 : i32
      %dma_wait3A_66 = arith.constant 4096 : i32
      %dma_wait3A_67 = tpu.memref_slice %arg12[%dma_wait3A_65, %dma_wait3A_66] : memref<2x16384xi32, #tpu.memory_space<vmem_shared>> -> memref<1x4096xi32, #tpu.memory_space<vmem_shared>>
      %dma_wait3A_68 = tpu.memref_squeeze %dma_wait3A_67 : memref<1x4096xi32, #tpu.memory_space<vmem_shared>> -> memref<4096xi32, #tpu.memory_space<vmem_shared>>
      %dma_wait3A_69 = arith.constant 4096 : i32
      %dma_wait3A_70 = tpu.memref_slice %arg12[%dma_wait3A_65, %dma_wait3A_69] : memref<2x16384xi32, #tpu.memory_space<vmem_shared>> -> memref<1x4096xi32, #tpu.memory_space<vmem_shared>>
      %dma_wait3A_71 = tpu.memref_squeeze %dma_wait3A_70 : memref<1x4096xi32, #tpu.memory_space<vmem_shared>> -> memref<4096xi32, #tpu.memory_space<vmem_shared>>
      tpu.wait_dma2 semaphore(%arg15 : memref<!tpu.dma_semaphore, #tpu.memory_space<semaphore_mem>>) src(%dma_wait3A_71 : memref<4096xi32, #tpu.memory_space<vmem_shared>>) dst(%arg9 : memref<4096xi32, #tpu.memory_space<vmem>>)
      %scan3A_72 = arith.constant 0 : i32
      %scan3A_73 = arith.constant 0 : i32
      %scan3A_74 = arith.constant 16 : i32
      %scan3A_75 = arith.addi %scan3A_73, %scan3A_74 : i32
      %scan3A_76 = arith.constant 1 : i32
      %scan3A_77 = scf.for %scan3A_289 = %scan3A_73 to %scan3A_75 step %scan3A_76 iter_args(%scan3A_290 = %scan3A_72) -> (i32)  : i32 {
        %mul3A_291 = arith.constant 256 : i32
        %mul3A_292 = arith.muli %scan3A_289, %mul3A_291 : i32
        %add3A_293 = arith.constant 0 : i32
        %add3A_294 = arith.addi %mul3A_292, %add3A_293 : i32
        %get3A = arith.index_cast %add3A_294 : i32 to index
        %get3A_295 = tpu.vector_load %arg9[%get3A] {strides = array<i32>} : memref<4096xi32, #tpu.memory_space<vmem>>, vector<16xi32>,
        %gather3A = tpu.vector_load_idx %arg7[%get3A_295] : memref<100000xf32, #tpu.memory_space<vmem>>[vector<16xi32>], vector<16xf32>,
        %swap3A = arith.index_cast %add3A_294 : i32 to index
        %swap3A_296 = tpu.vector_load %arg11[%swap3A] {strides = array<i32>} : memref<4096xf32, #tpu.memory_space<vmem>>, vector<16xf32>,
        tpu.vector_store %arg11[%swap3A], %gather3A {strides = array<i32>} : memref<4096xf32, #tpu.memory_space<vmem>>, vector<16xf32>,
        %add3A_297 = arith.constant 16 : i32
        %add3A_298 = arith.addi %mul3A_292, %add3A_297 : i32
        %get3A_299 = arith.index_cast %add3A_298 : i32 to index
        %get3A_300 = tpu.vector_load %arg9[%get3A_299] {strides = array<i32>} : memref<4096xi32, #tpu.memory_space<vmem>>, vector<16xi32>,
        %gather3A_301 = tpu.vector_load_idx %arg7[%get3A_300] : memref<100000xf32, #tpu.memory_space<vmem>>[vector<16xi32>], vector<16xf32>,
        %swap3A_302 = arith.index_cast %add3A_298 : i32 to index
        %swap3A_303 = tpu.vector_load %arg11[%swap3A_302] {strides = array<i32>} : memref<4096xf32, #tpu.memory_space<vmem>>, vector<16xf32>,
        tpu.vector_store %arg11[%swap3A_302], %gather3A_301 {strides = array<i32>} : memref<4096xf32, #tpu.memory_space<vmem>>, vector<16xf32>,
        %add3A_304 = arith.constant 32 : i32
        %add3A_305 = arith.addi %mul3A_292, %add3A_304 : i32
        %get3A_306 = arith.index_cast %add3A_305 : i32 to index
        %get3A_307 = tpu.vector_load %arg9[%get3A_306] {strides = array<i32>} : memref<4096xi32, #tpu.memory_space<vmem>>, vector<16xi32>,
        %gather3A_308 = tpu.vector_load_idx %arg7[%get3A_307] : memref<100000xf32, #tpu.memory_space<vmem>>[vector<16xi32>], vector<16xf32>,
        %swap3A_309 = arith.index_cast %add3A_305 : i32 to index
        %swap3A_310 = tpu.vector_load %arg11[%swap3A_309] {strides = array<i32>} : memref<4096xf32, #tpu.memory_space<vmem>>, vector<16xf32>,
        tpu.vector_store %arg11[%swap3A_309], %gather3A_308 {strides = array<i32>} : memref<4096xf32, #tpu.memory_space<vmem>>, vector<16xf32>,
        %add3A_311 = arith.constant 48 : i32
        %add3A_312 = arith.addi %mul3A_292, %add3A_311 : i32
        %get3A_313 = arith.index_cast %add3A_312 : i32 to index
        %get3A_314 = tpu.vector_load %arg9[%get3A_313] {strides = array<i32>} : memref<4096xi32, #tpu.memory_space<vmem>>, vector<16xi32>,
        %gather3A_315 = tpu.vector_load_idx %arg7[%get3A_314] : memref<100000xf32, #tpu.memory_space<vmem>>[vector<16xi32>], vector<16xf32>,
        %swap3A_316 = arith.index_cast %add3A_312 : i32 to index
        %swap3A_317 = tpu.vector_load %arg11[%swap3A_316] {strides = array<i32>} : memref<4096xf32, #tpu.memory_space<vmem>>, vector<16xf32>,
        tpu.vector_store %arg11[%swap3A_316], %gather3A_315 {strides = array<i32>} : memref<4096xf32, #tpu.memory_space<vmem>>, vector<16xf32>,
        %add3A_318 = arith.constant 64 : i32
        %add3A_319 = arith.addi %mul3A_292, %add3A_318 : i32
        %get3A_320 = arith.index_cast %add3A_319 : i32 to index
        %get3A_321 = tpu.vector_load %arg9[%get3A_320] {strides = array<i32>} : memref<4096xi32, #tpu.memory_space<vmem>>, vector<16xi32>,
        %gather3A_322 = tpu.vector_load_idx %arg7[%get3A_321] : memref<100000xf32, #tpu.memory_space<vmem>>[vector<16xi32>], vector<16xf32>,
        %swap3A_323 = arith.index_cast %add3A_319 : i32 to index
        %swap3A_324 = tpu.vector_load %arg11[%swap3A_323] {strides = array<i32>} : memref<4096xf32, #tpu.memory_space<vmem>>, vector<16xf32>,
        tpu.vector_store %arg11[%swap3A_323], %gather3A_322 {strides = array<i32>} : memref<4096xf32, #tpu.memory_space<vmem>>, vector<16xf32>,
        %add3A_325 = arith.constant 80 : i32
        %add3A_326 = arith.addi %mul3A_292, %add3A_325 : i32
        %get3A_327 = arith.index_cast %add3A_326 : i32 to index
        %get3A_328 = tpu.vector_load %arg9[%get3A_327] {strides = array<i32>} : memref<4096xi32, #tpu.memory_space<vmem>>, vector<16xi32>,
        %gather3A_329 = tpu.vector_load_idx %arg7[%get3A_328] : memref<100000xf32, #tpu.memory_space<vmem>>[vector<16xi32>], vector<16xf32>,
        %swap3A_330 = arith.index_cast %add3A_326 : i32 to index
        %swap3A_331 = tpu.vector_load %arg11[%swap3A_330] {strides = array<i32>} : memref<4096xf32, #tpu.memory_space<vmem>>, vector<16xf32>,
        tpu.vector_store %arg11[%swap3A_330], %gather3A_329 {strides = array<i32>} : memref<4096xf32, #tpu.memory_space<vmem>>, vector<16xf32>,
        %add3A_332 = arith.constant 96 : i32
        %add3A_333 = arith.addi %mul3A_292, %add3A_332 : i32
        %get3A_334 = arith.index_cast %add3A_333 : i32 to index
        %get3A_335 = tpu.vector_load %arg9[%get3A_334] {strides = array<i32>} : memref<4096xi32, #tpu.memory_space<vmem>>, vector<16xi32>,
        %gather3A_336 = tpu.vector_load_idx %arg7[%get3A_335] : memref<100000xf32, #tpu.memory_space<vmem>>[vector<16xi32>], vector<16xf32>,
        %swap3A_337 = arith.index_cast %add3A_333 : i32 to index
        %swap3A_338 = tpu.vector_load %arg11[%swap3A_337] {strides = array<i32>} : memref<4096xf32, #tpu.memory_space<vmem>>, vector<16xf32>,
        tpu.vector_store %arg11[%swap3A_337], %gather3A_336 {strides = array<i32>} : memref<4096xf32, #tpu.memory_space<vmem>>, vector<16xf32>,
        %add3A_339 = arith.constant 112 : i32
        %add3A_340 = arith.addi %mul3A_292, %add3A_339 : i32
        %get3A_341 = arith.index_cast %add3A_340 : i32 to index
        %get3A_342 = tpu.vector_load %arg9[%get3A_341] {strides = array<i32>} : memref<4096xi32, #tpu.memory_space<vmem>>, vector<16xi32>,
        %gather3A_343 = tpu.vector_load_idx %arg7[%get3A_342] : memref<100000xf32, #tpu.memory_space<vmem>>[vector<16xi32>], vector<16xf32>,
        %swap3A_344 = arith.index_cast %add3A_340 : i32 to index
        %swap3A_345 = tpu.vector_load %arg11[%swap3A_344] {strides = array<i32>} : memref<4096xf32, #tpu.memory_space<vmem>>, vector<16xf32>,
        tpu.vector_store %arg11[%swap3A_344], %gather3A_343 {strides = array<i32>} : memref<4096xf32, #tpu.memory_space<vmem>>, vector<16xf32>,
        %add3A_346 = arith.constant 128 : i32
        %add3A_347 = arith.addi %mul3A_292, %add3A_346 : i32
        %get3A_348 = arith.index_cast %add3A_347 : i32 to index
        %get3A_349 = tpu.vector_load %arg9[%get3A_348] {strides = array<i32>} : memref<4096xi32, #tpu.memory_space<vmem>>, vector<16xi32>,
        %gather3A_350 = tpu.vector_load_idx %arg7[%get3A_349] : memref<100000xf32, #tpu.memory_space<vmem>>[vector<16xi32>], vector<16xf32>,
        %swap3A_351 = arith.index_cast %add3A_347 : i32 to index
        %swap3A_352 = tpu.vector_load %arg11[%swap3A_351] {strides = array<i32>} : memref<4096xf32, #tpu.memory_space<vmem>>, vector<16xf32>,
        tpu.vector_store %arg11[%swap3A_351], %gather3A_350 {strides = array<i32>} : memref<4096xf32, #tpu.memory_space<vmem>>, vector<16xf32>,
        %add3A_353 = arith.constant 144 : i32
        %add3A_354 = arith.addi %mul3A_292, %add3A_353 : i32
        %get3A_355 = arith.index_cast %add3A_354 : i32 to index
        %get3A_356 = tpu.vector_load %arg9[%get3A_355] {strides = array<i32>} : memref<4096xi32, #tpu.memory_space<vmem>>, vector<16xi32>,
        %gather3A_357 = tpu.vector_load_idx %arg7[%get3A_356] : memref<100000xf32, #tpu.memory_space<vmem>>[vector<16xi32>], vector<16xf32>,
        %swap3A_358 = arith.index_cast %add3A_354 : i32 to index
        %swap3A_359 = tpu.vector_load %arg11[%swap3A_358] {strides = array<i32>} : memref<4096xf32, #tpu.memory_space<vmem>>, vector<16xf32>,
        tpu.vector_store %arg11[%swap3A_358], %gather3A_357 {strides = array<i32>} : memref<4096xf32, #tpu.memory_space<vmem>>, vector<16xf32>,
        %add3A_360 = arith.constant 160 : i32
        %add3A_361 = arith.addi %mul3A_292, %add3A_360 : i32
        %get3A_362 = arith.index_cast %add3A_361 : i32 to index
        %get3A_363 = tpu.vector_load %arg9[%get3A_362] {strides = array<i32>} : memref<4096xi32, #tpu.memory_space<vmem>>, vector<16xi32>,
        %gather3A_364 = tpu.vector_load_idx %arg7[%get3A_363] : memref<100000xf32, #tpu.memory_space<vmem>>[vector<16xi32>], vector<16xf32>,
        %swap3A_365 = arith.index_cast %add3A_361 : i32 to index
        %swap3A_366 = tpu.vector_load %arg11[%swap3A_365] {strides = array<i32>} : memref<4096xf32, #tpu.memory_space<vmem>>, vector<16xf32>,
        tpu.vector_store %arg11[%swap3A_365], %gather3A_364 {strides = array<i32>} : memref<4096xf32, #tpu.memory_space<vmem>>, vector<16xf32>,
        %add3A_367 = arith.constant 176 : i32
        %add3A_368 = arith.addi %mul3A_292, %add3A_367 : i32
        %get3A_369 = arith.index_cast %add3A_368 : i32 to index
        %get3A_370 = tpu.vector_load %arg9[%get3A_369] {strides = array<i32>} : memref<4096xi32, #tpu.memory_space<vmem>>, vector<16xi32>,
        %gather3A_371 = tpu.vector_load_idx %arg7[%get3A_370] : memref<100000xf32, #tpu.memory_space<vmem>>[vector<16xi32>], vector<16xf32>,
        %swap3A_372 = arith.index_cast %add3A_368 : i32 to index
        %swap3A_373 = tpu.vector_load %arg11[%swap3A_372] {strides = array<i32>} : memref<4096xf32, #tpu.memory_space<vmem>>, vector<16xf32>,
        tpu.vector_store %arg11[%swap3A_372], %gather3A_371 {strides = array<i32>} : memref<4096xf32, #tpu.memory_space<vmem>>, vector<16xf32>,
        %add3A_374 = arith.constant 192 : i32
        %add3A_375 = arith.addi %mul3A_292, %add3A_374 : i32
        %get3A_376 = arith.index_cast %add3A_375 : i32 to index
        %get3A_377 = tpu.vector_load %arg9[%get3A_376] {strides = array<i32>} : memref<4096xi32, #tpu.memory_space<vmem>>, vector<16xi32>,
        %gather3A_378 = tpu.vector_load_idx %arg7[%get3A_377] : memref<100000xf32, #tpu.memory_space<vmem>>[vector<16xi32>], vector<16xf32>,
        %swap3A_379 = arith.index_cast %add3A_375 : i32 to index
        %swap3A_380 = tpu.vector_load %arg11[%swap3A_379] {strides = array<i32>} : memref<4096xf32, #tpu.memory_space<vmem>>, vector<16xf32>,
        tpu.vector_store %arg11[%swap3A_379], %gather3A_378 {strides = array<i32>} : memref<4096xf32, #tpu.memory_space<vmem>>, vector<16xf32>,
        %add3A_381 = arith.constant 208 : i32
        %add3A_382 = arith.addi %mul3A_292, %add3A_381 : i32
        %get3A_383 = arith.index_cast %add3A_382 : i32 to index
        %get3A_384 = tpu.vector_load %arg9[%get3A_383] {strides = array<i32>} : memref<4096xi32, #tpu.memory_space<vmem>>, vector<16xi32>,
        %gather3A_385 = tpu.vector_load_idx %arg7[%get3A_384] : memref<100000xf32, #tpu.memory_space<vmem>>[vector<16xi32>], vector<16xf32>,
        %swap3A_386 = arith.index_cast %add3A_382 : i32 to index
        %swap3A_387 = tpu.vector_load %arg11[%swap3A_386] {strides = array<i32>} : memref<4096xf32, #tpu.memory_space<vmem>>, vector<16xf32>,
        tpu.vector_store %arg11[%swap3A_386], %gather3A_385 {strides = array<i32>} : memref<4096xf32, #tpu.memory_space<vmem>>, vector<16xf32>,
        %add3A_388 = arith.constant 224 : i32
        %add3A_389 = arith.addi %mul3A_292, %add3A_388 : i32
        %get3A_390 = arith.index_cast %add3A_389 : i32 to index
        %get3A_391 = tpu.vector_load %arg9[%get3A_390] {strides = array<i32>} : memref<4096xi32, #tpu.memory_space<vmem>>, vector<16xi32>,
        %gather3A_392 = tpu.vector_load_idx %arg7[%get3A_391] : memref<100000xf32, #tpu.memory_space<vmem>>[vector<16xi32>], vector<16xf32>,
        %swap3A_393 = arith.index_cast %add3A_389 : i32 to index
        %swap3A_394 = tpu.vector_load %arg11[%swap3A_393] {strides = array<i32>} : memref<4096xf32, #tpu.memory_space<vmem>>, vector<16xf32>,
        tpu.vector_store %arg11[%swap3A_393], %gather3A_392 {strides = array<i32>} : memref<4096xf32, #tpu.memory_space<vmem>>, vector<16xf32>,
        %add3A_395 = arith.constant 240 : i32
        %add3A_396 = arith.addi %mul3A_292, %add3A_395 : i32
        %get3A_397 = arith.index_cast %add3A_396 : i32 to index
        %get3A_398 = tpu.vector_load %arg9[%get3A_397] {strides = array<i32>} : memref<4096xi32, #tpu.memory_space<vmem>>, vector<16xi32>,
        %gather3A_399 = tpu.vector_load_idx %arg7[%get3A_398] : memref<100000xf32, #tpu.memory_space<vmem>>[vector<16xi32>], vector<16xf32>,
        %swap3A_400 = arith.index_cast %add3A_396 : i32 to index
        %swap3A_401 = tpu.vector_load %arg11[%swap3A_400] {strides = array<i32>} : memref<4096xf32, #tpu.memory_space<vmem>>, vector<16xf32>,
        tpu.vector_store %arg11[%swap3A_400], %gather3A_399 {strides = array<i32>} : memref<4096xf32, #tpu.memory_space<vmem>>, vector<16xf32>,
        %scan3A_402 = arith.constant 0 : i32
        scf.yield %scan3A_402 : i32
      }
      %scan3A_78 = arith.constant 16 : i32
      %dma_start3A_79 = arith.constant 4096 : i32
      %dma_start3A_80 = tpu.memref_slice %arg5[%add3A_13, %dma_start3A_79] : memref<256x16384xf32, #tpu.memory_space<hbm>> -> memref<1x4096xf32, #tpu.memory_space<hbm>>
      %dma_start3A_81 = tpu.memref_squeeze %dma_start3A_80 : memref<1x4096xf32, #tpu.memory_space<hbm>> -> memref<4096xf32, #tpu.memory_space<hbm>>
      %dma_start3A_82 = arith.constant 4096 : i32
      %dma_start3A_83 = tpu.memref_slice %arg5[%add3A_13, %dma_start3A_82] : memref<256x16384xf32, #tpu.memory_space<hbm>> -> memref<1x4096xf32, #tpu.memory_space<hbm>>
      %dma_start3A_84 = tpu.memref_squeeze %dma_start3A_83 : memref<1x4096xf32, #tpu.memory_space<hbm>> -> memref<4096xf32, #tpu.memory_space<hbm>>
      tpu.enqueue_dma source(%arg11 : memref<4096xf32, #tpu.memory_space<vmem>>) target(%dma_start3A_84 : memref<4096xf32, #tpu.memory_space<hbm>>) target_semaphore(%arg17 : memref<!tpu.dma_semaphore, #tpu.memory_space<semaphore_mem>>)
      %dma_start3A_85 = arith.constant 0 : i32
      %dma_start3A_86 = arith.constant 12288 : i32
      %dma_start3A_87 = tpu.memref_slice %arg12[%dma_start3A_85, %dma_start3A_86] : memref<2x16384xi32, #tpu.memory_space<vmem_shared>> -> memref<1x4096xi32, #tpu.memory_space<vmem_shared>>
      %dma_start3A_88 = tpu.memref_squeeze %dma_start3A_87 : memref<1x4096xi32, #tpu.memory_space<vmem_shared>> -> memref<4096xi32, #tpu.memory_space<vmem_shared>>
      %dma_start3A_89 = arith.constant 12288 : i32
      %dma_start3A_90 = tpu.memref_slice %arg12[%dma_start3A_85, %dma_start3A_89] : memref<2x16384xi32, #tpu.memory_space<vmem_shared>> -> memref<1x4096xi32, #tpu.memory_space<vmem_shared>>
      %dma_start3A_91 = tpu.memref_squeeze %dma_start3A_90 : memref<1x4096xi32, #tpu.memory_space<vmem_shared>> -> memref<4096xi32, #tpu.memory_space<vmem_shared>>
      tpu.enqueue_dma source(%dma_start3A_91 : memref<4096xi32, #tpu.memory_space<vmem_shared>>) target(%arg9 : memref<4096xi32, #tpu.memory_space<vmem>>) target_semaphore(%arg15 : memref<!tpu.dma_semaphore, #tpu.memory_space<semaphore_mem>>)
      %dma_wait3A_92 = arith.constant 0 : i32
      %dma_wait3A_93 = arith.constant 8192 : i32
      %dma_wait3A_94 = tpu.memref_slice %arg12[%dma_wait3A_92, %dma_wait3A_93] : memref<2x16384xi32, #tpu.memory_space<vmem_shared>> -> memref<1x4096xi32, #tpu.memory_space<vmem_shared>>
      %dma_wait3A_95 = tpu.memref_squeeze %dma_wait3A_94 : memref<1x4096xi32, #tpu.memory_space<vmem_shared>> -> memref<4096xi32, #tpu.memory_space<vmem_shared>>
      %dma_wait3A_96 = arith.constant 8192 : i32
      %dma_wait3A_97 = tpu.memref_slice %arg12[%dma_wait3A_92, %dma_wait3A_96] : memref<2x16384xi32, #tpu.memory_space<vmem_shared>> -> memref<1x4096xi32, #tpu.memory_space<vmem_shared>>
      %dma_wait3A_98 = tpu.memref_squeeze %dma_wait3A_97 : memref<1x4096xi32, #tpu.memory_space<vmem_shared>> -> memref<4096xi32, #tpu.memory_space<vmem_shared>>
      tpu.wait_dma2 semaphore(%arg14 : memref<!tpu.dma_semaphore, #tpu.memory_space<semaphore_mem>>) src(%dma_wait3A_98 : memref<4096xi32, #tpu.memory_space<vmem_shared>>) dst(%arg8 : memref<4096xi32, #tpu.memory_space<vmem>>)
      %dma_wait3A_99 = arith.constant 0 : i32
      %dma_wait3A_100 = tpu.memref_slice %arg5[%add3A_13, %dma_wait3A_99] : memref<256x16384xf32, #tpu.memory_space<hbm>> -> memref<1x4096xf32, #tpu.memory_space<hbm>>
      %dma_wait3A_101 = tpu.memref_squeeze %dma_wait3A_100 : memref<1x4096xf32, #tpu.memory_space<hbm>> -> memref<4096xf32, #tpu.memory_space<hbm>>
      %dma_wait3A_102 = arith.constant 0 : i32
      %dma_wait3A_103 = tpu.memref_slice %arg5[%add3A_13, %dma_wait3A_102] : memref<256x16384xf32, #tpu.memory_space<hbm>> -> memref<1x4096xf32, #tpu.memory_space<hbm>>
      %dma_wait3A_104 = tpu.memref_squeeze %dma_wait3A_103 : memref<1x4096xf32, #tpu.memory_space<hbm>> -> memref<4096xf32, #tpu.memory_space<hbm>>
      tpu.wait_dma2 semaphore(%arg16 : memref<!tpu.dma_semaphore, #tpu.memory_space<semaphore_mem>>) src(%arg10 : memref<4096xf32, #tpu.memory_space<vmem>>) dst(%dma_wait3A_104 : memref<4096xf32, #tpu.memory_space<hbm>>)
      %scan3A_105 = arith.constant 0 : i32
      %scan3A_106 = arith.constant 0 : i32
      %scan3A_107 = arith.constant 16 : i32
      %scan3A_108 = arith.addi %scan3A_106, %scan3A_107 : i32
      %scan3A_109 = arith.constant 1 : i32
      %scan3A_110 = scf.for %scan3A_289 = %scan3A_106 to %scan3A_108 step %scan3A_109 iter_args(%scan3A_290 = %scan3A_105) -> (i32)  : i32 {
        %mul3A_291 = arith.constant 256 : i32
        %mul3A_292 = arith.muli %scan3A_289, %mul3A_291 : i32
        %add3A_293 = arith.constant 0 : i32
        %add3A_294 = arith.addi %mul3A_292, %add3A_293 : i32
        %get3A = arith.index_cast %add3A_294 : i32 to index
        %get3A_295 = tpu.vector_load %arg8[%get3A] {strides = array<i32>} : memref<4096xi32, #tpu.memory_space<vmem>>, vector<16xi32>,
        %gather3A = tpu.vector_load_idx %arg7[%get3A_295] : memref<100000xf32, #tpu.memory_space<vmem>>[vector<16xi32>], vector<16xf32>,
        %swap3A = arith.index_cast %add3A_294 : i32 to index
        %swap3A_296 = tpu.vector_load %arg10[%swap3A] {strides = array<i32>} : memref<4096xf32, #tpu.memory_space<vmem>>, vector<16xf32>,
        tpu.vector_store %arg10[%swap3A], %gather3A {strides = array<i32>} : memref<4096xf32, #tpu.memory_space<vmem>>, vector<16xf32>,
        %add3A_297 = arith.constant 16 : i32
        %add3A_298 = arith.addi %mul3A_292, %add3A_297 : i32
        %get3A_299 = arith.index_cast %add3A_298 : i32 to index
        %get3A_300 = tpu.vector_load %arg8[%get3A_299] {strides = array<i32>} : memref<4096xi32, #tpu.memory_space<vmem>>, vector<16xi32>,
        %gather3A_301 = tpu.vector_load_idx %arg7[%get3A_300] : memref<100000xf32, #tpu.memory_space<vmem>>[vector<16xi32>], vector<16xf32>,
        %swap3A_302 = arith.index_cast %add3A_298 : i32 to index
        %swap3A_303 = tpu.vector_load %arg10[%swap3A_302] {strides = array<i32>} : memref<4096xf32, #tpu.memory_space<vmem>>, vector<16xf32>,
        tpu.vector_store %arg10[%swap3A_302], %gather3A_301 {strides = array<i32>} : memref<4096xf32, #tpu.memory_space<vmem>>, vector<16xf32>,
        %add3A_304 = arith.constant 32 : i32
        %add3A_305 = arith.addi %mul3A_292, %add3A_304 : i32
        %get3A_306 = arith.index_cast %add3A_305 : i32 to index
        %get3A_307 = tpu.vector_load %arg8[%get3A_306] {strides = array<i32>} : memref<4096xi32, #tpu.memory_space<vmem>>, vector<16xi32>,
        %gather3A_308 = tpu.vector_load_idx %arg7[%get3A_307] : memref<100000xf32, #tpu.memory_space<vmem>>[vector<16xi32>], vector<16xf32>,
        %swap3A_309 = arith.index_cast %add3A_305 : i32 to index
        %swap3A_310 = tpu.vector_load %arg10[%swap3A_309] {strides = array<i32>} : memref<4096xf32, #tpu.memory_space<vmem>>, vector<16xf32>,
        tpu.vector_store %arg10[%swap3A_309], %gather3A_308 {strides = array<i32>} : memref<4096xf32, #tpu.memory_space<vmem>>, vector<16xf32>,
        %add3A_311 = arith.constant 48 : i32
        %add3A_312 = arith.addi %mul3A_292, %add3A_311 : i32
        %get3A_313 = arith.index_cast %add3A_312 : i32 to index
        %get3A_314 = tpu.vector_load %arg8[%get3A_313] {strides = array<i32>} : memref<4096xi32, #tpu.memory_space<vmem>>, vector<16xi32>,
        %gather3A_315 = tpu.vector_load_idx %arg7[%get3A_314] : memref<100000xf32, #tpu.memory_space<vmem>>[vector<16xi32>], vector<16xf32>,
        %swap3A_316 = arith.index_cast %add3A_312 : i32 to index
        %swap3A_317 = tpu.vector_load %arg10[%swap3A_316] {strides = array<i32>} : memref<4096xf32, #tpu.memory_space<vmem>>, vector<16xf32>,
        tpu.vector_store %arg10[%swap3A_316], %gather3A_315 {strides = array<i32>} : memref<4096xf32, #tpu.memory_space<vmem>>, vector<16xf32>,
        %add3A_318 = arith.constant 64 : i32
        %add3A_319 = arith.addi %mul3A_292, %add3A_318 : i32
        %get3A_320 = arith.index_cast %add3A_319 : i32 to index
        %get3A_321 = tpu.vector_load %arg8[%get3A_320] {strides = array<i32>} : memref<4096xi32, #tpu.memory_space<vmem>>, vector<16xi32>,
        %gather3A_322 = tpu.vector_load_idx %arg7[%get3A_321] : memref<100000xf32, #tpu.memory_space<vmem>>[vector<16xi32>], vector<16xf32>,
        %swap3A_323 = arith.index_cast %add3A_319 : i32 to index
        %swap3A_324 = tpu.vector_load %arg10[%swap3A_323] {strides = array<i32>} : memref<4096xf32, #tpu.memory_space<vmem>>, vector<16xf32>,
        tpu.vector_store %arg10[%swap3A_323], %gather3A_322 {strides = array<i32>} : memref<4096xf32, #tpu.memory_space<vmem>>, vector<16xf32>,
        %add3A_325 = arith.constant 80 : i32
        %add3A_326 = arith.addi %mul3A_292, %add3A_325 : i32
        %get3A_327 = arith.index_cast %add3A_326 : i32 to index
        %get3A_328 = tpu.vector_load %arg8[%get3A_327] {strides = array<i32>} : memref<4096xi32, #tpu.memory_space<vmem>>, vector<16xi32>,
        %gather3A_329 = tpu.vector_load_idx %arg7[%get3A_328] : memref<100000xf32, #tpu.memory_space<vmem>>[vector<16xi32>], vector<16xf32>,
        %swap3A_330 = arith.index_cast %add3A_326 : i32 to index
        %swap3A_331 = tpu.vector_load %arg10[%swap3A_330] {strides = array<i32>} : memref<4096xf32, #tpu.memory_space<vmem>>, vector<16xf32>,
        tpu.vector_store %arg10[%swap3A_330], %gather3A_329 {strides = array<i32>} : memref<4096xf32, #tpu.memory_space<vmem>>, vector<16xf32>,
        %add3A_332 = arith.constant 96 : i32
        %add3A_333 = arith.addi %mul3A_292, %add3A_332 : i32
        %get3A_334 = arith.index_cast %add3A_333 : i32 to index
        %get3A_335 = tpu.vector_load %arg8[%get3A_334] {strides = array<i32>} : memref<4096xi32, #tpu.memory_space<vmem>>, vector<16xi32>,
        %gather3A_336 = tpu.vector_load_idx %arg7[%get3A_335] : memref<100000xf32, #tpu.memory_space<vmem>>[vector<16xi32>], vector<16xf32>,
        %swap3A_337 = arith.index_cast %add3A_333 : i32 to index
        %swap3A_338 = tpu.vector_load %arg10[%swap3A_337] {strides = array<i32>} : memref<4096xf32, #tpu.memory_space<vmem>>, vector<16xf32>,
        tpu.vector_store %arg10[%swap3A_337], %gather3A_336 {strides = array<i32>} : memref<4096xf32, #tpu.memory_space<vmem>>, vector<16xf32>,
        %add3A_339 = arith.constant 112 : i32
        %add3A_340 = arith.addi %mul3A_292, %add3A_339 : i32
        %get3A_341 = arith.index_cast %add3A_340 : i32 to index
        %get3A_342 = tpu.vector_load %arg8[%get3A_341] {strides = array<i32>} : memref<4096xi32, #tpu.memory_space<vmem>>, vector<16xi32>,
        %gather3A_343 = tpu.vector_load_idx %arg7[%get3A_342] : memref<100000xf32, #tpu.memory_space<vmem>>[vector<16xi32>], vector<16xf32>,
        %swap3A_344 = arith.index_cast %add3A_340 : i32 to index
        %swap3A_345 = tpu.vector_load %arg10[%swap3A_344] {strides = array<i32>} : memref<4096xf32, #tpu.memory_space<vmem>>, vector<16xf32>,
        tpu.vector_store %arg10[%swap3A_344], %gather3A_343 {strides = array<i32>} : memref<4096xf32, #tpu.memory_space<vmem>>, vector<16xf32>,
        %add3A_346 = arith.constant 128 : i32
        %add3A_347 = arith.addi %mul3A_292, %add3A_346 : i32
        %get3A_348 = arith.index_cast %add3A_347 : i32 to index
        %get3A_349 = tpu.vector_load %arg8[%get3A_348] {strides = array<i32>} : memref<4096xi32, #tpu.memory_space<vmem>>, vector<16xi32>,
        %gather3A_350 = tpu.vector_load_idx %arg7[%get3A_349] : memref<100000xf32, #tpu.memory_space<vmem>>[vector<16xi32>], vector<16xf32>,
        %swap3A_351 = arith.index_cast %add3A_347 : i32 to index
        %swap3A_352 = tpu.vector_load %arg10[%swap3A_351] {strides = array<i32>} : memref<4096xf32, #tpu.memory_space<vmem>>, vector<16xf32>,
        tpu.vector_store %arg10[%swap3A_351], %gather3A_350 {strides = array<i32>} : memref<4096xf32, #tpu.memory_space<vmem>>, vector<16xf32>,
        %add3A_353 = arith.constant 144 : i32
        %add3A_354 = arith.addi %mul3A_292, %add3A_353 : i32
        %get3A_355 = arith.index_cast %add3A_354 : i32 to index
        %get3A_356 = tpu.vector_load %arg8[%get3A_355] {strides = array<i32>} : memref<4096xi32, #tpu.memory_space<vmem>>, vector<16xi32>,
        %gather3A_357 = tpu.vector_load_idx %arg7[%get3A_356] : memref<100000xf32, #tpu.memory_space<vmem>>[vector<16xi32>], vector<16xf32>,
        %swap3A_358 = arith.index_cast %add3A_354 : i32 to index
        %swap3A_359 = tpu.vector_load %arg10[%swap3A_358] {strides = array<i32>} : memref<4096xf32, #tpu.memory_space<vmem>>, vector<16xf32>,
        tpu.vector_store %arg10[%swap3A_358], %gather3A_357 {strides = array<i32>} : memref<4096xf32, #tpu.memory_space<vmem>>, vector<16xf32>,
        %add3A_360 = arith.constant 160 : i32
        %add3A_361 = arith.addi %mul3A_292, %add3A_360 : i32
        %get3A_362 = arith.index_cast %add3A_361 : i32 to index
        %get3A_363 = tpu.vector_load %arg8[%get3A_362] {strides = array<i32>} : memref<4096xi32, #tpu.memory_space<vmem>>, vector<16xi32>,
        %gather3A_364 = tpu.vector_load_idx %arg7[%get3A_363] : memref<100000xf32, #tpu.memory_space<vmem>>[vector<16xi32>], vector<16xf32>,
        %swap3A_365 = arith.index_cast %add3A_361 : i32 to index
        %swap3A_366 = tpu.vector_load %arg10[%swap3A_365] {strides = array<i32>} : memref<4096xf32, #tpu.memory_space<vmem>>, vector<16xf32>,
        tpu.vector_store %arg10[%swap3A_365], %gather3A_364 {strides = array<i32>} : memref<4096xf32, #tpu.memory_space<vmem>>, vector<16xf32>,
        %add3A_367 = arith.constant 176 : i32
        %add3A_368 = arith.addi %mul3A_292, %add3A_367 : i32
        %get3A_369 = arith.index_cast %add3A_368 : i32 to index
        %get3A_370 = tpu.vector_load %arg8[%get3A_369] {strides = array<i32>} : memref<4096xi32, #tpu.memory_space<vmem>>, vector<16xi32>,
        %gather3A_371 = tpu.vector_load_idx %arg7[%get3A_370] : memref<100000xf32, #tpu.memory_space<vmem>>[vector<16xi32>], vector<16xf32>,
        %swap3A_372 = arith.index_cast %add3A_368 : i32 to index
        %swap3A_373 = tpu.vector_load %arg10[%swap3A_372] {strides = array<i32>} : memref<4096xf32, #tpu.memory_space<vmem>>, vector<16xf32>,
        tpu.vector_store %arg10[%swap3A_372], %gather3A_371 {strides = array<i32>} : memref<4096xf32, #tpu.memory_space<vmem>>, vector<16xf32>,
        %add3A_374 = arith.constant 192 : i32
        %add3A_375 = arith.addi %mul3A_292, %add3A_374 : i32
        %get3A_376 = arith.index_cast %add3A_375 : i32 to index
        %get3A_377 = tpu.vector_load %arg8[%get3A_376] {strides = array<i32>} : memref<4096xi32, #tpu.memory_space<vmem>>, vector<16xi32>,
        %gather3A_378 = tpu.vector_load_idx %arg7[%get3A_377] : memref<100000xf32, #tpu.memory_space<vmem>>[vector<16xi32>], vector<16xf32>,
        %swap3A_379 = arith.index_cast %add3A_375 : i32 to index
        %swap3A_380 = tpu.vector_load %arg10[%swap3A_379] {strides = array<i32>} : memref<4096xf32, #tpu.memory_space<vmem>>, vector<16xf32>,
        tpu.vector_store %arg10[%swap3A_379], %gather3A_378 {strides = array<i32>} : memref<4096xf32, #tpu.memory_space<vmem>>, vector<16xf32>,
        %add3A_381 = arith.constant 208 : i32
        %add3A_382 = arith.addi %mul3A_292, %add3A_381 : i32
        %get3A_383 = arith.index_cast %add3A_382 : i32 to index
        %get3A_384 = tpu.vector_load %arg8[%get3A_383] {strides = array<i32>} : memref<4096xi32, #tpu.memory_space<vmem>>, vector<16xi32>,
        %gather3A_385 = tpu.vector_load_idx %arg7[%get3A_384] : memref<100000xf32, #tpu.memory_space<vmem>>[vector<16xi32>], vector<16xf32>,
        %swap3A_386 = arith.index_cast %add3A_382 : i32 to index
        %swap3A_387 = tpu.vector_load %arg10[%swap3A_386] {strides = array<i32>} : memref<4096xf32, #tpu.memory_space<vmem>>, vector<16xf32>,
        tpu.vector_store %arg10[%swap3A_386], %gather3A_385 {strides = array<i32>} : memref<4096xf32, #tpu.memory_space<vmem>>, vector<16xf32>,
        %add3A_388 = arith.constant 224 : i32
        %add3A_389 = arith.addi %mul3A_292, %add3A_388 : i32
        %get3A_390 = arith.index_cast %add3A_389 : i32 to index
        %get3A_391 = tpu.vector_load %arg8[%get3A_390] {strides = array<i32>} : memref<4096xi32, #tpu.memory_space<vmem>>, vector<16xi32>,
        %gather3A_392 = tpu.vector_load_idx %arg7[%get3A_391] : memref<100000xf32, #tpu.memory_space<vmem>>[vector<16xi32>], vector<16xf32>,
        %swap3A_393 = arith.index_cast %add3A_389 : i32 to index
        %swap3A_394 = tpu.vector_load %arg10[%swap3A_393] {strides = array<i32>} : memref<4096xf32, #tpu.memory_space<vmem>>, vector<16xf32>,
        tpu.vector_store %arg10[%swap3A_393], %gather3A_392 {strides = array<i32>} : memref<4096xf32, #tpu.memory_space<vmem>>, vector<16xf32>,
        %add3A_395 = arith.constant 240 : i32
        %add3A_396 = arith.addi %mul3A_292, %add3A_395 : i32
        %get3A_397 = arith.index_cast %add3A_396 : i32 to index
        %get3A_398 = tpu.vector_load %arg8[%get3A_397] {strides = array<i32>} : memref<4096xi32, #tpu.memory_space<vmem>>, vector<16xi32>,
        %gather3A_399 = tpu.vector_load_idx %arg7[%get3A_398] : memref<100000xf32, #tpu.memory_space<vmem>>[vector<16xi32>], vector<16xf32>,
        %swap3A_400 = arith.index_cast %add3A_396 : i32 to index
        %swap3A_401 = tpu.vector_load %arg10[%swap3A_400] {strides = array<i32>} : memref<4096xf32, #tpu.memory_space<vmem>>, vector<16xf32>,
        tpu.vector_store %arg10[%swap3A_400], %gather3A_399 {strides = array<i32>} : memref<4096xf32, #tpu.memory_space<vmem>>, vector<16xf32>,
        %scan3A_402 = arith.constant 0 : i32
        scf.yield %scan3A_402 : i32
      }
      %scan3A_111 = arith.constant 16 : i32
      %dma_start3A_112 = arith.constant 8192 : i32
      %dma_start3A_113 = tpu.memref_slice %arg5[%add3A_13, %dma_start3A_112] : memref<256x16384xf32, #tpu.memory_space<hbm>> -> memref<1x4096xf32, #tpu.memory_space<hbm>>
      %dma_start3A_114 = tpu.memref_squeeze %dma_start3A_113 : memref<1x4096xf32, #tpu.memory_space<hbm>> -> memref<4096xf32, #tpu.memory_space<hbm>>
      %dma_start3A_115 = arith.constant 8192 : i32
      %dma_start3A_116 = tpu.memref_slice %arg5[%add3A_13, %dma_start3A_115] : memref<256x16384xf32, #tpu.memory_space<hbm>> -> memref<1x4096xf32, #tpu.memory_space<hbm>>
      %dma_start3A_117 = tpu.memref_squeeze %dma_start3A_116 : memref<1x4096xf32, #tpu.memory_space<hbm>> -> memref<4096xf32, #tpu.memory_space<hbm>>
      tpu.enqueue_dma source(%arg10 : memref<4096xf32, #tpu.memory_space<vmem>>) target(%dma_start3A_117 : memref<4096xf32, #tpu.memory_space<hbm>>) target_semaphore(%arg16 : memref<!tpu.dma_semaphore, #tpu.memory_space<semaphore_mem>>)
      %dma_start3A_118 = arith.constant 1 : i32
      %dma_start3A_119 = arith.constant 0 : i32
      %dma_start3A_120 = tpu.memref_slice %arg12[%dma_start3A_118, %dma_start3A_119] : memref<2x16384xi32, #tpu.memory_space<vmem_shared>> -> memref<1x4096xi32, #tpu.memory_space<vmem_shared>>
      %dma_start3A_121 = tpu.memref_squeeze %dma_start3A_120 : memref<1x4096xi32, #tpu.memory_space<vmem_shared>> -> memref<4096xi32, #tpu.memory_space<vmem_shared>>
      %dma_start3A_122 = arith.constant 0 : i32
      %dma_start3A_123 = tpu.memref_slice %arg12[%dma_start3A_118, %dma_start3A_122] : memref<2x16384xi32, #tpu.memory_space<vmem_shared>> -> memref<1x4096xi32, #tpu.memory_space<vmem_shared>>
      %dma_start3A_124 = tpu.memref_squeeze %dma_start3A_123 : memref<1x4096xi32, #tpu.memory_space<vmem_shared>> -> memref<4096xi32, #tpu.memory_space<vmem_shared>>
      tpu.enqueue_dma source(%dma_start3A_124 : memref<4096xi32, #tpu.memory_space<vmem_shared>>) target(%arg8 : memref<4096xi32, #tpu.memory_space<vmem>>) target_semaphore(%arg14 : memref<!tpu.dma_semaphore, #tpu.memory_space<semaphore_mem>>)
      %dma_wait3A_125 = arith.constant 0 : i32
      %dma_wait3A_126 = arith.constant 12288 : i32
      %dma_wait3A_127 = tpu.memref_slice %arg12[%dma_wait3A_125, %dma_wait3A_126] : memref<2x16384xi32, #tpu.memory_space<vmem_shared>> -> memref<1x4096xi32, #tpu.memory_space<vmem_shared>>
      %dma_wait3A_128 = tpu.memref_squeeze %dma_wait3A_127 : memref<1x4096xi32, #tpu.memory_space<vmem_shared>> -> memref<4096xi32, #tpu.memory_space<vmem_shared>>
      %dma_wait3A_129 = arith.constant 12288 : i32
      %dma_wait3A_130 = tpu.memref_slice %arg12[%dma_wait3A_125, %dma_wait3A_129] : memref<2x16384xi32, #tpu.memory_space<vmem_shared>> -> memref<1x4096xi32, #tpu.memory_space<vmem_shared>>
      %dma_wait3A_131 = tpu.memref_squeeze %dma_wait3A_130 : memref<1x4096xi32, #tpu.memory_space<vmem_shared>> -> memref<4096xi32, #tpu.memory_space<vmem_shared>>
      tpu.wait_dma2 semaphore(%arg15 : memref<!tpu.dma_semaphore, #tpu.memory_space<semaphore_mem>>) src(%dma_wait3A_131 : memref<4096xi32, #tpu.memory_space<vmem_shared>>) dst(%arg9 : memref<4096xi32, #tpu.memory_space<vmem>>)
      %dma_wait3A_132 = arith.constant 4096 : i32
      %dma_wait3A_133 = tpu.memref_slice %arg5[%add3A_13, %dma_wait3A_132] : memref<256x16384xf32, #tpu.memory_space<hbm>> -> memref<1x4096xf32, #tpu.memory_space<hbm>>
      %dma_wait3A_134 = tpu.memref_squeeze %dma_wait3A_133 : memref<1x4096xf32, #tpu.memory_space<hbm>> -> memref<4096xf32, #tpu.memory_space<hbm>>
      %dma_wait3A_135 = arith.constant 4096 : i32
      %dma_wait3A_136 = tpu.memref_slice %arg5[%add3A_13, %dma_wait3A_135] : memref<256x16384xf32, #tpu.memory_space<hbm>> -> memref<1x4096xf32, #tpu.memory_space<hbm>>
      %dma_wait3A_137 = tpu.memref_squeeze %dma_wait3A_136 : memref<1x4096xf32, #tpu.memory_space<hbm>> -> memref<4096xf32, #tpu.memory_space<hbm>>
      tpu.wait_dma2 semaphore(%arg17 : memref<!tpu.dma_semaphore, #tpu.memory_space<semaphore_mem>>) src(%arg11 : memref<4096xf32, #tpu.memory_space<vmem>>) dst(%dma_wait3A_137 : memref<4096xf32, #tpu.memory_space<hbm>>)
      %scan3A_138 = arith.constant 0 : i32
      %scan3A_139 = arith.constant 0 : i32
      %scan3A_140 = arith.constant 16 : i32
      %scan3A_141 = arith.addi %scan3A_139, %scan3A_140 : i32
      %scan3A_142 = arith.constant 1 : i32
      %scan3A_143 = scf.for %scan3A_289 = %scan3A_139 to %scan3A_141 step %scan3A_142 iter_args(%scan3A_290 = %scan3A_138) -> (i32)  : i32 {
        %mul3A_291 = arith.constant 256 : i32
        %mul3A_292 = arith.muli %scan3A_289, %mul3A_291 : i32
        %add3A_293 = arith.constant 0 : i32
        %add3A_294 = arith.addi %mul3A_292, %add3A_293 : i32
        %get3A = arith.index_cast %add3A_294 : i32 to index
        %get3A_295 = tpu.vector_load %arg9[%get3A] {strides = array<i32>} : memref<4096xi32, #tpu.memory_space<vmem>>, vector<16xi32>,
        %gather3A = tpu.vector_load_idx %arg7[%get3A_295] : memref<100000xf32, #tpu.memory_space<vmem>>[vector<16xi32>], vector<16xf32>,
        %swap3A = arith.index_cast %add3A_294 : i32 to index
        %swap3A_296 = tpu.vector_load %arg11[%swap3A] {strides = array<i32>} : memref<4096xf32, #tpu.memory_space<vmem>>, vector<16xf32>,
        tpu.vector_store %arg11[%swap3A], %gather3A {strides = array<i32>} : memref<4096xf32, #tpu.memory_space<vmem>>, vector<16xf32>,
        %add3A_297 = arith.constant 16 : i32
        %add3A_298 = arith.addi %mul3A_292, %add3A_297 : i32
        %get3A_299 = arith.index_cast %add3A_298 : i32 to index
        %get3A_300 = tpu.vector_load %arg9[%get3A_299] {strides = array<i32>} : memref<4096xi32, #tpu.memory_space<vmem>>, vector<16xi32>,
        %gather3A_301 = tpu.vector_load_idx %arg7[%get3A_300] : memref<100000xf32, #tpu.memory_space<vmem>>[vector<16xi32>], vector<16xf32>,
        %swap3A_302 = arith.index_cast %add3A_298 : i32 to index
        %swap3A_303 = tpu.vector_load %arg11[%swap3A_302] {strides = array<i32>} : memref<4096xf32, #tpu.memory_space<vmem>>, vector<16xf32>,
        tpu.vector_store %arg11[%swap3A_302], %gather3A_301 {strides = array<i32>} : memref<4096xf32, #tpu.memory_space<vmem>>, vector<16xf32>,
        %add3A_304 = arith.constant 32 : i32
        %add3A_305 = arith.addi %mul3A_292, %add3A_304 : i32
        %get3A_306 = arith.index_cast %add3A_305 : i32 to index
        %get3A_307 = tpu.vector_load %arg9[%get3A_306] {strides = array<i32>} : memref<4096xi32, #tpu.memory_space<vmem>>, vector<16xi32>,
        %gather3A_308 = tpu.vector_load_idx %arg7[%get3A_307] : memref<100000xf32, #tpu.memory_space<vmem>>[vector<16xi32>], vector<16xf32>,
        %swap3A_309 = arith.index_cast %add3A_305 : i32 to index
        %swap3A_310 = tpu.vector_load %arg11[%swap3A_309] {strides = array<i32>} : memref<4096xf32, #tpu.memory_space<vmem>>, vector<16xf32>,
        tpu.vector_store %arg11[%swap3A_309], %gather3A_308 {strides = array<i32>} : memref<4096xf32, #tpu.memory_space<vmem>>, vector<16xf32>,
        %add3A_311 = arith.constant 48 : i32
        %add3A_312 = arith.addi %mul3A_292, %add3A_311 : i32
        %get3A_313 = arith.index_cast %add3A_312 : i32 to index
        %get3A_314 = tpu.vector_load %arg9[%get3A_313] {strides = array<i32>} : memref<4096xi32, #tpu.memory_space<vmem>>, vector<16xi32>,
        %gather3A_315 = tpu.vector_load_idx %arg7[%get3A_314] : memref<100000xf32, #tpu.memory_space<vmem>>[vector<16xi32>], vector<16xf32>,
        %swap3A_316 = arith.index_cast %add3A_312 : i32 to index
        %swap3A_317 = tpu.vector_load %arg11[%swap3A_316] {strides = array<i32>} : memref<4096xf32, #tpu.memory_space<vmem>>, vector<16xf32>,
        tpu.vector_store %arg11[%swap3A_316], %gather3A_315 {strides = array<i32>} : memref<4096xf32, #tpu.memory_space<vmem>>, vector<16xf32>,
        %add3A_318 = arith.constant 64 : i32
        %add3A_319 = arith.addi %mul3A_292, %add3A_318 : i32
        %get3A_320 = arith.index_cast %add3A_319 : i32 to index
        %get3A_321 = tpu.vector_load %arg9[%get3A_320] {strides = array<i32>} : memref<4096xi32, #tpu.memory_space<vmem>>, vector<16xi32>,
        %gather3A_322 = tpu.vector_load_idx %arg7[%get3A_321] : memref<100000xf32, #tpu.memory_space<vmem>>[vector<16xi32>], vector<16xf32>,
        %swap3A_323 = arith.index_cast %add3A_319 : i32 to index
        %swap3A_324 = tpu.vector_load %arg11[%swap3A_323] {strides = array<i32>} : memref<4096xf32, #tpu.memory_space<vmem>>, vector<16xf32>,
        tpu.vector_store %arg11[%swap3A_323], %gather3A_322 {strides = array<i32>} : memref<4096xf32, #tpu.memory_space<vmem>>, vector<16xf32>,
        %add3A_325 = arith.constant 80 : i32
        %add3A_326 = arith.addi %mul3A_292, %add3A_325 : i32
        %get3A_327 = arith.index_cast %add3A_326 : i32 to index
        %get3A_328 = tpu.vector_load %arg9[%get3A_327] {strides = array<i32>} : memref<4096xi32, #tpu.memory_space<vmem>>, vector<16xi32>,
        %gather3A_329 = tpu.vector_load_idx %arg7[%get3A_328] : memref<100000xf32, #tpu.memory_space<vmem>>[vector<16xi32>], vector<16xf32>,
        %swap3A_330 = arith.index_cast %add3A_326 : i32 to index
        %swap3A_331 = tpu.vector_load %arg11[%swap3A_330] {strides = array<i32>} : memref<4096xf32, #tpu.memory_space<vmem>>, vector<16xf32>,
        tpu.vector_store %arg11[%swap3A_330], %gather3A_329 {strides = array<i32>} : memref<4096xf32, #tpu.memory_space<vmem>>, vector<16xf32>,
        %add3A_332 = arith.constant 96 : i32
        %add3A_333 = arith.addi %mul3A_292, %add3A_332 : i32
        %get3A_334 = arith.index_cast %add3A_333 : i32 to index
        %get3A_335 = tpu.vector_load %arg9[%get3A_334] {strides = array<i32>} : memref<4096xi32, #tpu.memory_space<vmem>>, vector<16xi32>,
        %gather3A_336 = tpu.vector_load_idx %arg7[%get3A_335] : memref<100000xf32, #tpu.memory_space<vmem>>[vector<16xi32>], vector<16xf32>,
        %swap3A_337 = arith.index_cast %add3A_333 : i32 to index
        %swap3A_338 = tpu.vector_load %arg11[%swap3A_337] {strides = array<i32>} : memref<4096xf32, #tpu.memory_space<vmem>>, vector<16xf32>,
        tpu.vector_store %arg11[%swap3A_337], %gather3A_336 {strides = array<i32>} : memref<4096xf32, #tpu.memory_space<vmem>>, vector<16xf32>,
        %add3A_339 = arith.constant 112 : i32
        %add3A_340 = arith.addi %mul3A_292, %add3A_339 : i32
        %get3A_341 = arith.index_cast %add3A_340 : i32 to index
        %get3A_342 = tpu.vector_load %arg9[%get3A_341] {strides = array<i32>} : memref<4096xi32, #tpu.memory_space<vmem>>, vector<16xi32>,
        %gather3A_343 = tpu.vector_load_idx %arg7[%get3A_342] : memref<100000xf32, #tpu.memory_space<vmem>>[vector<16xi32>], vector<16xf32>,
        %swap3A_344 = arith.index_cast %add3A_340 : i32 to index
        %swap3A_345 = tpu.vector_load %arg11[%swap3A_344] {strides = array<i32>} : memref<4096xf32, #tpu.memory_space<vmem>>, vector<16xf32>,
        tpu.vector_store %arg11[%swap3A_344], %gather3A_343 {strides = array<i32>} : memref<4096xf32, #tpu.memory_space<vmem>>, vector<16xf32>,
        %add3A_346 = arith.constant 128 : i32
        %add3A_347 = arith.addi %mul3A_292, %add3A_346 : i32
        %get3A_348 = arith.index_cast %add3A_347 : i32 to index
        %get3A_349 = tpu.vector_load %arg9[%get3A_348] {strides = array<i32>} : memref<4096xi32, #tpu.memory_space<vmem>>, vector<16xi32>,
        %gather3A_350 = tpu.vector_load_idx %arg7[%get3A_349] : memref<100000xf32, #tpu.memory_space<vmem>>[vector<16xi32>], vector<16xf32>,
        %swap3A_351 = arith.index_cast %add3A_347 : i32 to index
        %swap3A_352 = tpu.vector_load %arg11[%swap3A_351] {strides = array<i32>} : memref<4096xf32, #tpu.memory_space<vmem>>, vector<16xf32>,
        tpu.vector_store %arg11[%swap3A_351], %gather3A_350 {strides = array<i32>} : memref<4096xf32, #tpu.memory_space<vmem>>, vector<16xf32>,
        %add3A_353 = arith.constant 144 : i32
        %add3A_354 = arith.addi %mul3A_292, %add3A_353 : i32
        %get3A_355 = arith.index_cast %add3A_354 : i32 to index
        %get3A_356 = tpu.vector_load %arg9[%get3A_355] {strides = array<i32>} : memref<4096xi32, #tpu.memory_space<vmem>>, vector<16xi32>,
        %gather3A_357 = tpu.vector_load_idx %arg7[%get3A_356] : memref<100000xf32, #tpu.memory_space<vmem>>[vector<16xi32>], vector<16xf32>,
        %swap3A_358 = arith.index_cast %add3A_354 : i32 to index
        %swap3A_359 = tpu.vector_load %arg11[%swap3A_358] {strides = array<i32>} : memref<4096xf32, #tpu.memory_space<vmem>>, vector<16xf32>,
        tpu.vector_store %arg11[%swap3A_358], %gather3A_357 {strides = array<i32>} : memref<4096xf32, #tpu.memory_space<vmem>>, vector<16xf32>,
        %add3A_360 = arith.constant 160 : i32
        %add3A_361 = arith.addi %mul3A_292, %add3A_360 : i32
        %get3A_362 = arith.index_cast %add3A_361 : i32 to index
        %get3A_363 = tpu.vector_load %arg9[%get3A_362] {strides = array<i32>} : memref<4096xi32, #tpu.memory_space<vmem>>, vector<16xi32>,
        %gather3A_364 = tpu.vector_load_idx %arg7[%get3A_363] : memref<100000xf32, #tpu.memory_space<vmem>>[vector<16xi32>], vector<16xf32>,
        %swap3A_365 = arith.index_cast %add3A_361 : i32 to index
        %swap3A_366 = tpu.vector_load %arg11[%swap3A_365] {strides = array<i32>} : memref<4096xf32, #tpu.memory_space<vmem>>, vector<16xf32>,
        tpu.vector_store %arg11[%swap3A_365], %gather3A_364 {strides = array<i32>} : memref<4096xf32, #tpu.memory_space<vmem>>, vector<16xf32>,
        %add3A_367 = arith.constant 176 : i32
        %add3A_368 = arith.addi %mul3A_292, %add3A_367 : i32
        %get3A_369 = arith.index_cast %add3A_368 : i32 to index
        %get3A_370 = tpu.vector_load %arg9[%get3A_369] {strides = array<i32>} : memref<4096xi32, #tpu.memory_space<vmem>>, vector<16xi32>,
        %gather3A_371 = tpu.vector_load_idx %arg7[%get3A_370] : memref<100000xf32, #tpu.memory_space<vmem>>[vector<16xi32>], vector<16xf32>,
        %swap3A_372 = arith.index_cast %add3A_368 : i32 to index
        %swap3A_373 = tpu.vector_load %arg11[%swap3A_372] {strides = array<i32>} : memref<4096xf32, #tpu.memory_space<vmem>>, vector<16xf32>,
        tpu.vector_store %arg11[%swap3A_372], %gather3A_371 {strides = array<i32>} : memref<4096xf32, #tpu.memory_space<vmem>>, vector<16xf32>,
        %add3A_374 = arith.constant 192 : i32
        %add3A_375 = arith.addi %mul3A_292, %add3A_374 : i32
        %get3A_376 = arith.index_cast %add3A_375 : i32 to index
        %get3A_377 = tpu.vector_load %arg9[%get3A_376] {strides = array<i32>} : memref<4096xi32, #tpu.memory_space<vmem>>, vector<16xi32>,
        %gather3A_378 = tpu.vector_load_idx %arg7[%get3A_377] : memref<100000xf32, #tpu.memory_space<vmem>>[vector<16xi32>], vector<16xf32>,
        %swap3A_379 = arith.index_cast %add3A_375 : i32 to index
        %swap3A_380 = tpu.vector_load %arg11[%swap3A_379] {strides = array<i32>} : memref<4096xf32, #tpu.memory_space<vmem>>, vector<16xf32>,
        tpu.vector_store %arg11[%swap3A_379], %gather3A_378 {strides = array<i32>} : memref<4096xf32, #tpu.memory_space<vmem>>, vector<16xf32>,
        %add3A_381 = arith.constant 208 : i32
        %add3A_382 = arith.addi %mul3A_292, %add3A_381 : i32
        %get3A_383 = arith.index_cast %add3A_382 : i32 to index
        %get3A_384 = tpu.vector_load %arg9[%get3A_383] {strides = array<i32>} : memref<4096xi32, #tpu.memory_space<vmem>>, vector<16xi32>,
        %gather3A_385 = tpu.vector_load_idx %arg7[%get3A_384] : memref<100000xf32, #tpu.memory_space<vmem>>[vector<16xi32>], vector<16xf32>,
        %swap3A_386 = arith.index_cast %add3A_382 : i32 to index
        %swap3A_387 = tpu.vector_load %arg11[%swap3A_386] {strides = array<i32>} : memref<4096xf32, #tpu.memory_space<vmem>>, vector<16xf32>,
        tpu.vector_store %arg11[%swap3A_386], %gather3A_385 {strides = array<i32>} : memref<4096xf32, #tpu.memory_space<vmem>>, vector<16xf32>,
        %add3A_388 = arith.constant 224 : i32
        %add3A_389 = arith.addi %mul3A_292, %add3A_388 : i32
        %get3A_390 = arith.index_cast %add3A_389 : i32 to index
        %get3A_391 = tpu.vector_load %arg9[%get3A_390] {strides = array<i32>} : memref<4096xi32, #tpu.memory_space<vmem>>, vector<16xi32>,
        %gather3A_392 = tpu.vector_load_idx %arg7[%get3A_391] : memref<100000xf32, #tpu.memory_space<vmem>>[vector<16xi32>], vector<16xf32>,
        %swap3A_393 = arith.index_cast %add3A_389 : i32 to index
        %swap3A_394 = tpu.vector_load %arg11[%swap3A_393] {strides = array<i32>} : memref<4096xf32, #tpu.memory_space<vmem>>, vector<16xf32>,
        tpu.vector_store %arg11[%swap3A_393], %gather3A_392 {strides = array<i32>} : memref<4096xf32, #tpu.memory_space<vmem>>, vector<16xf32>,
        %add3A_395 = arith.constant 240 : i32
        %add3A_396 = arith.addi %mul3A_292, %add3A_395 : i32
        %get3A_397 = arith.index_cast %add3A_396 : i32 to index
        %get3A_398 = tpu.vector_load %arg9[%get3A_397] {strides = array<i32>} : memref<4096xi32, #tpu.memory_space<vmem>>, vector<16xi32>,
        %gather3A_399 = tpu.vector_load_idx %arg7[%get3A_398] : memref<100000xf32, #tpu.memory_space<vmem>>[vector<16xi32>], vector<16xf32>,
        %swap3A_400 = arith.index_cast %add3A_396 : i32 to index
        %swap3A_401 = tpu.vector_load %arg11[%swap3A_400] {strides = array<i32>} : memref<4096xf32, #tpu.memory_space<vmem>>, vector<16xf32>,
        tpu.vector_store %arg11[%swap3A_400], %gather3A_399 {strides = array<i32>} : memref<4096xf32, #tpu.memory_space<vmem>>, vector<16xf32>,
        %scan3A_402 = arith.constant 0 : i32
        scf.yield %scan3A_402 : i32
      }
      %scan3A_144 = arith.constant 16 : i32
      %dma_start3A_145 = arith.constant 12288 : i32
      %dma_start3A_146 = tpu.memref_slice %arg5[%add3A_13, %dma_start3A_145] : memref<256x16384xf32, #tpu.memory_space<hbm>> -> memref<1x4096xf32, #tpu.memory_space<hbm>>
      %dma_start3A_147 = tpu.memref_squeeze %dma_start3A_146 : memref<1x4096xf32, #tpu.memory_space<hbm>> -> memref<4096xf32, #tpu.memory_space<hbm>>
      %dma_start3A_148 = arith.constant 12288 : i32
      %dma_start3A_149 = tpu.memref_slice %arg5[%add3A_13, %dma_start3A_148] : memref<256x16384xf32, #tpu.memory_space<hbm>> -> memref<1x4096xf32, #tpu.memory_space<hbm>>
      %dma_start3A_150 = tpu.memref_squeeze %dma_start3A_149 : memref<1x4096xf32, #tpu.memory_space<hbm>> -> memref<4096xf32, #tpu.memory_space<hbm>>
      tpu.enqueue_dma source(%arg11 : memref<4096xf32, #tpu.memory_space<vmem>>) target(%dma_start3A_150 : memref<4096xf32, #tpu.memory_space<hbm>>) target_semaphore(%arg17 : memref<!tpu.dma_semaphore, #tpu.memory_space<semaphore_mem>>)
      %dma_start3A_151 = arith.constant 1 : i32
      %dma_start3A_152 = arith.constant 4096 : i32
      %dma_start3A_153 = tpu.memref_slice %arg12[%dma_start3A_151, %dma_start3A_152] : memref<2x16384xi32, #tpu.memory_space<vmem_shared>> -> memref<1x4096xi32, #tpu.memory_space<vmem_shared>>
      %dma_start3A_154 = tpu.memref_squeeze %dma_start3A_153 : memref<1x4096xi32, #tpu.memory_space<vmem_shared>> -> memref<4096xi32, #tpu.memory_space<vmem_shared>>
      %dma_start3A_155 = arith.constant 4096 : i32
      %dma_start3A_156 = tpu.memref_slice %arg12[%dma_start3A_151, %dma_start3A_155] : memref<2x16384xi32, #tpu.memory_space<vmem_shared>> -> memref<1x4096xi32, #tpu.memory_space<vmem_shared>>
      %dma_start3A_157 = tpu.memref_squeeze %dma_start3A_156 : memref<1x4096xi32, #tpu.memory_space<vmem_shared>> -> memref<4096xi32, #tpu.memory_space<vmem_shared>>
      tpu.enqueue_dma source(%dma_start3A_157 : memref<4096xi32, #tpu.memory_space<vmem_shared>>) target(%arg9 : memref<4096xi32, #tpu.memory_space<vmem>>) target_semaphore(%arg15 : memref<!tpu.dma_semaphore, #tpu.memory_space<semaphore_mem>>)
      %dma_wait3A_158 = arith.constant 1 : i32
      %dma_wait3A_159 = arith.constant 0 : i32
      %dma_wait3A_160 = tpu.memref_slice %arg12[%dma_wait3A_158, %dma_wait3A_159] : memref<2x16384xi32, #tpu.memory_space<vmem_shared>> -> memref<1x4096xi32, #tpu.memory_space<vmem_shared>>
      %dma_wait3A_161 = tpu.memref_squeeze %dma_wait3A_160 : memref<1x4096xi32, #tpu.memory_space<vmem_shared>> -> memref<4096xi32, #tpu.memory_space<vmem_shared>>
      %dma_wait3A_162 = arith.constant 0 : i32
      %dma_wait3A_163 = tpu.memref_slice %arg12[%dma_wait3A_158, %dma_wait3A_162] : memref<2x16384xi32, #tpu.memory_space<vmem_shared>> -> memref<1x4096xi32, #tpu.memory_space<vmem_shared>>
      %dma_wait3A_164 = tpu.memref_squeeze %dma_wait3A_163 : memref<1x4096xi32, #tpu.memory_space<vmem_shared>> -> memref<4096xi32, #tpu.memory_space<vmem_shared>>
      tpu.wait_dma2 semaphore(%arg14 : memref<!tpu.dma_semaphore, #tpu.memory_space<semaphore_mem>>) src(%dma_wait3A_164 : memref<4096xi32, #tpu.memory_space<vmem_shared>>) dst(%arg8 : memref<4096xi32, #tpu.memory_space<vmem>>)
      %dma_wait3A_165 = arith.constant 8192 : i32
      %dma_wait3A_166 = tpu.memref_slice %arg5[%add3A_13, %dma_wait3A_165] : memref<256x16384xf32, #tpu.memory_space<hbm>> -> memref<1x4096xf32, #tpu.memory_space<hbm>>
      %dma_wait3A_167 = tpu.memref_squeeze %dma_wait3A_166 : memref<1x4096xf32, #tpu.memory_space<hbm>> -> memref<4096xf32, #tpu.memory_space<hbm>>
      %dma_wait3A_168 = arith.constant 8192 : i32
      %dma_wait3A_169 = tpu.memref_slice %arg5[%add3A_13, %dma_wait3A_168] : memref<256x16384xf32, #tpu.memory_space<hbm>> -> memref<1x4096xf32, #tpu.memory_space<hbm>>
      %dma_wait3A_170 = tpu.memref_squeeze %dma_wait3A_169 : memref<1x4096xf32, #tpu.memory_space<hbm>> -> memref<4096xf32, #tpu.memory_space<hbm>>
      tpu.wait_dma2 semaphore(%arg16 : memref<!tpu.dma_semaphore, #tpu.memory_space<semaphore_mem>>) src(%arg10 : memref<4096xf32, #tpu.memory_space<vmem>>) dst(%dma_wait3A_170 : memref<4096xf32, #tpu.memory_space<hbm>>)
      %scan3A_171 = arith.constant 0 : i32
      %scan3A_172 = arith.constant 0 : i32
      %scan3A_173 = arith.constant 16 : i32
      %scan3A_174 = arith.addi %scan3A_172, %scan3A_173 : i32
      %scan3A_175 = arith.constant 1 : i32
      %scan3A_176 = scf.for %scan3A_289 = %scan3A_172 to %scan3A_174 step %scan3A_175 iter_args(%scan3A_290 = %scan3A_171) -> (i32)  : i32 {
        %mul3A_291 = arith.constant 256 : i32
        %mul3A_292 = arith.muli %scan3A_289, %mul3A_291 : i32
        %add3A_293 = arith.constant 0 : i32
        %add3A_294 = arith.addi %mul3A_292, %add3A_293 : i32
        %get3A = arith.index_cast %add3A_294 : i32 to index
        %get3A_295 = tpu.vector_load %arg8[%get3A] {strides = array<i32>} : memref<4096xi32, #tpu.memory_space<vmem>>, vector<16xi32>,
        %gather3A = tpu.vector_load_idx %arg7[%get3A_295] : memref<100000xf32, #tpu.memory_space<vmem>>[vector<16xi32>], vector<16xf32>,
        %swap3A = arith.index_cast %add3A_294 : i32 to index
        %swap3A_296 = tpu.vector_load %arg10[%swap3A] {strides = array<i32>} : memref<4096xf32, #tpu.memory_space<vmem>>, vector<16xf32>,
        tpu.vector_store %arg10[%swap3A], %gather3A {strides = array<i32>} : memref<4096xf32, #tpu.memory_space<vmem>>, vector<16xf32>,
        %add3A_297 = arith.constant 16 : i32
        %add3A_298 = arith.addi %mul3A_292, %add3A_297 : i32
        %get3A_299 = arith.index_cast %add3A_298 : i32 to index
        %get3A_300 = tpu.vector_load %arg8[%get3A_299] {strides = array<i32>} : memref<4096xi32, #tpu.memory_space<vmem>>, vector<16xi32>,
        %gather3A_301 = tpu.vector_load_idx %arg7[%get3A_300] : memref<100000xf32, #tpu.memory_space<vmem>>[vector<16xi32>], vector<16xf32>,
        %swap3A_302 = arith.index_cast %add3A_298 : i32 to index
        %swap3A_303 = tpu.vector_load %arg10[%swap3A_302] {strides = array<i32>} : memref<4096xf32, #tpu.memory_space<vmem>>, vector<16xf32>,
        tpu.vector_store %arg10[%swap3A_302], %gather3A_301 {strides = array<i32>} : memref<4096xf32, #tpu.memory_space<vmem>>, vector<16xf32>,
        %add3A_304 = arith.constant 32 : i32
        %add3A_305 = arith.addi %mul3A_292, %add3A_304 : i32
        %get3A_306 = arith.index_cast %add3A_305 : i32 to index
        %get3A_307 = tpu.vector_load %arg8[%get3A_306] {strides = array<i32>} : memref<4096xi32, #tpu.memory_space<vmem>>, vector<16xi32>,
        %gather3A_308 = tpu.vector_load_idx %arg7[%get3A_307] : memref<100000xf32, #tpu.memory_space<vmem>>[vector<16xi32>], vector<16xf32>,
        %swap3A_309 = arith.index_cast %add3A_305 : i32 to index
        %swap3A_310 = tpu.vector_load %arg10[%swap3A_309] {strides = array<i32>} : memref<4096xf32, #tpu.memory_space<vmem>>, vector<16xf32>,
        tpu.vector_store %arg10[%swap3A_309], %gather3A_308 {strides = array<i32>} : memref<4096xf32, #tpu.memory_space<vmem>>, vector<16xf32>,
        %add3A_311 = arith.constant 48 : i32
        %add3A_312 = arith.addi %mul3A_292, %add3A_311 : i32
        %get3A_313 = arith.index_cast %add3A_312 : i32 to index
        %get3A_314 = tpu.vector_load %arg8[%get3A_313] {strides = array<i32>} : memref<4096xi32, #tpu.memory_space<vmem>>, vector<16xi32>,
        %gather3A_315 = tpu.vector_load_idx %arg7[%get3A_314] : memref<100000xf32, #tpu.memory_space<vmem>>[vector<16xi32>], vector<16xf32>,
        %swap3A_316 = arith.index_cast %add3A_312 : i32 to index
        %swap3A_317 = tpu.vector_load %arg10[%swap3A_316] {strides = array<i32>} : memref<4096xf32, #tpu.memory_space<vmem>>, vector<16xf32>,
        tpu.vector_store %arg10[%swap3A_316], %gather3A_315 {strides = array<i32>} : memref<4096xf32, #tpu.memory_space<vmem>>, vector<16xf32>,
        %add3A_318 = arith.constant 64 : i32
        %add3A_319 = arith.addi %mul3A_292, %add3A_318 : i32
        %get3A_320 = arith.index_cast %add3A_319 : i32 to index
        %get3A_321 = tpu.vector_load %arg8[%get3A_320] {strides = array<i32>} : memref<4096xi32, #tpu.memory_space<vmem>>, vector<16xi32>,
        %gather3A_322 = tpu.vector_load_idx %arg7[%get3A_321] : memref<100000xf32, #tpu.memory_space<vmem>>[vector<16xi32>], vector<16xf32>,
        %swap3A_323 = arith.index_cast %add3A_319 : i32 to index
        %swap3A_324 = tpu.vector_load %arg10[%swap3A_323] {strides = array<i32>} : memref<4096xf32, #tpu.memory_space<vmem>>, vector<16xf32>,
        tpu.vector_store %arg10[%swap3A_323], %gather3A_322 {strides = array<i32>} : memref<4096xf32, #tpu.memory_space<vmem>>, vector<16xf32>,
        %add3A_325 = arith.constant 80 : i32
        %add3A_326 = arith.addi %mul3A_292, %add3A_325 : i32
        %get3A_327 = arith.index_cast %add3A_326 : i32 to index
        %get3A_328 = tpu.vector_load %arg8[%get3A_327] {strides = array<i32>} : memref<4096xi32, #tpu.memory_space<vmem>>, vector<16xi32>,
        %gather3A_329 = tpu.vector_load_idx %arg7[%get3A_328] : memref<100000xf32, #tpu.memory_space<vmem>>[vector<16xi32>], vector<16xf32>,
        %swap3A_330 = arith.index_cast %add3A_326 : i32 to index
        %swap3A_331 = tpu.vector_load %arg10[%swap3A_330] {strides = array<i32>} : memref<4096xf32, #tpu.memory_space<vmem>>, vector<16xf32>,
        tpu.vector_store %arg10[%swap3A_330], %gather3A_329 {strides = array<i32>} : memref<4096xf32, #tpu.memory_space<vmem>>, vector<16xf32>,
        %add3A_332 = arith.constant 96 : i32
        %add3A_333 = arith.addi %mul3A_292, %add3A_332 : i32
        %get3A_334 = arith.index_cast %add3A_333 : i32 to index
        %get3A_335 = tpu.vector_load %arg8[%get3A_334] {strides = array<i32>} : memref<4096xi32, #tpu.memory_space<vmem>>, vector<16xi32>,
        %gather3A_336 = tpu.vector_load_idx %arg7[%get3A_335] : memref<100000xf32, #tpu.memory_space<vmem>>[vector<16xi32>], vector<16xf32>,
        %swap3A_337 = arith.index_cast %add3A_333 : i32 to index
        %swap3A_338 = tpu.vector_load %arg10[%swap3A_337] {strides = array<i32>} : memref<4096xf32, #tpu.memory_space<vmem>>, vector<16xf32>,
        tpu.vector_store %arg10[%swap3A_337], %gather3A_336 {strides = array<i32>} : memref<4096xf32, #tpu.memory_space<vmem>>, vector<16xf32>,
        %add3A_339 = arith.constant 112 : i32
        %add3A_340 = arith.addi %mul3A_292, %add3A_339 : i32
        %get3A_341 = arith.index_cast %add3A_340 : i32 to index
        %get3A_342 = tpu.vector_load %arg8[%get3A_341] {strides = array<i32>} : memref<4096xi32, #tpu.memory_space<vmem>>, vector<16xi32>,
        %gather3A_343 = tpu.vector_load_idx %arg7[%get3A_342] : memref<100000xf32, #tpu.memory_space<vmem>>[vector<16xi32>], vector<16xf32>,
        %swap3A_344 = arith.index_cast %add3A_340 : i32 to index
        %swap3A_345 = tpu.vector_load %arg10[%swap3A_344] {strides = array<i32>} : memref<4096xf32, #tpu.memory_space<vmem>>, vector<16xf32>,
        tpu.vector_store %arg10[%swap3A_344], %gather3A_343 {strides = array<i32>} : memref<4096xf32, #tpu.memory_space<vmem>>, vector<16xf32>,
        %add3A_346 = arith.constant 128 : i32
        %add3A_347 = arith.addi %mul3A_292, %add3A_346 : i32
        %get3A_348 = arith.index_cast %add3A_347 : i32 to index
        %get3A_349 = tpu.vector_load %arg8[%get3A_348] {strides = array<i32>} : memref<4096xi32, #tpu.memory_space<vmem>>, vector<16xi32>,
        %gather3A_350 = tpu.vector_load_idx %arg7[%get3A_349] : memref<100000xf32, #tpu.memory_space<vmem>>[vector<16xi32>], vector<16xf32>,
        %swap3A_351 = arith.index_cast %add3A_347 : i32 to index
        %swap3A_352 = tpu.vector_load %arg10[%swap3A_351] {strides = array<i32>} : memref<4096xf32, #tpu.memory_space<vmem>>, vector<16xf32>,
        tpu.vector_store %arg10[%swap3A_351], %gather3A_350 {strides = array<i32>} : memref<4096xf32, #tpu.memory_space<vmem>>, vector<16xf32>,
        %add3A_353 = arith.constant 144 : i32
        %add3A_354 = arith.addi %mul3A_292, %add3A_353 : i32
        %get3A_355 = arith.index_cast %add3A_354 : i32 to index
        %get3A_356 = tpu.vector_load %arg8[%get3A_355] {strides = array<i32>} : memref<4096xi32, #tpu.memory_space<vmem>>, vector<16xi32>,
        %gather3A_357 = tpu.vector_load_idx %arg7[%get3A_356] : memref<100000xf32, #tpu.memory_space<vmem>>[vector<16xi32>], vector<16xf32>,
        %swap3A_358 = arith.index_cast %add3A_354 : i32 to index
        %swap3A_359 = tpu.vector_load %arg10[%swap3A_358] {strides = array<i32>} : memref<4096xf32, #tpu.memory_space<vmem>>, vector<16xf32>,
        tpu.vector_store %arg10[%swap3A_358], %gather3A_357 {strides = array<i32>} : memref<4096xf32, #tpu.memory_space<vmem>>, vector<16xf32>,
        %add3A_360 = arith.constant 160 : i32
        %add3A_361 = arith.addi %mul3A_292, %add3A_360 : i32
        %get3A_362 = arith.index_cast %add3A_361 : i32 to index
        %get3A_363 = tpu.vector_load %arg8[%get3A_362] {strides = array<i32>} : memref<4096xi32, #tpu.memory_space<vmem>>, vector<16xi32>,
        %gather3A_364 = tpu.vector_load_idx %arg7[%get3A_363] : memref<100000xf32, #tpu.memory_space<vmem>>[vector<16xi32>], vector<16xf32>,
        %swap3A_365 = arith.index_cast %add3A_361 : i32 to index
        %swap3A_366 = tpu.vector_load %arg10[%swap3A_365] {strides = array<i32>} : memref<4096xf32, #tpu.memory_space<vmem>>, vector<16xf32>,
        tpu.vector_store %arg10[%swap3A_365], %gather3A_364 {strides = array<i32>} : memref<4096xf32, #tpu.memory_space<vmem>>, vector<16xf32>,
        %add3A_367 = arith.constant 176 : i32
        %add3A_368 = arith.addi %mul3A_292, %add3A_367 : i32
        %get3A_369 = arith.index_cast %add3A_368 : i32 to index
        %get3A_370 = tpu.vector_load %arg8[%get3A_369] {strides = array<i32>} : memref<4096xi32, #tpu.memory_space<vmem>>, vector<16xi32>,
        %gather3A_371 = tpu.vector_load_idx %arg7[%get3A_370] : memref<100000xf32, #tpu.memory_space<vmem>>[vector<16xi32>], vector<16xf32>,
        %swap3A_372 = arith.index_cast %add3A_368 : i32 to index
        %swap3A_373 = tpu.vector_load %arg10[%swap3A_372] {strides = array<i32>} : memref<4096xf32, #tpu.memory_space<vmem>>, vector<16xf32>,
        tpu.vector_store %arg10[%swap3A_372], %gather3A_371 {strides = array<i32>} : memref<4096xf32, #tpu.memory_space<vmem>>, vector<16xf32>,
        %add3A_374 = arith.constant 192 : i32
        %add3A_375 = arith.addi %mul3A_292, %add3A_374 : i32
        %get3A_376 = arith.index_cast %add3A_375 : i32 to index
        %get3A_377 = tpu.vector_load %arg8[%get3A_376] {strides = array<i32>} : memref<4096xi32, #tpu.memory_space<vmem>>, vector<16xi32>,
        %gather3A_378 = tpu.vector_load_idx %arg7[%get3A_377] : memref<100000xf32, #tpu.memory_space<vmem>>[vector<16xi32>], vector<16xf32>,
        %swap3A_379 = arith.index_cast %add3A_375 : i32 to index
        %swap3A_380 = tpu.vector_load %arg10[%swap3A_379] {strides = array<i32>} : memref<4096xf32, #tpu.memory_space<vmem>>, vector<16xf32>,
        tpu.vector_store %arg10[%swap3A_379], %gather3A_378 {strides = array<i32>} : memref<4096xf32, #tpu.memory_space<vmem>>, vector<16xf32>,
        %add3A_381 = arith.constant 208 : i32
        %add3A_382 = arith.addi %mul3A_292, %add3A_381 : i32
        %get3A_383 = arith.index_cast %add3A_382 : i32 to index
        %get3A_384 = tpu.vector_load %arg8[%get3A_383] {strides = array<i32>} : memref<4096xi32, #tpu.memory_space<vmem>>, vector<16xi32>,
        %gather3A_385 = tpu.vector_load_idx %arg7[%get3A_384] : memref<100000xf32, #tpu.memory_space<vmem>>[vector<16xi32>], vector<16xf32>,
        %swap3A_386 = arith.index_cast %add3A_382 : i32 to index
        %swap3A_387 = tpu.vector_load %arg10[%swap3A_386] {strides = array<i32>} : memref<4096xf32, #tpu.memory_space<vmem>>, vector<16xf32>,
        tpu.vector_store %arg10[%swap3A_386], %gather3A_385 {strides = array<i32>} : memref<4096xf32, #tpu.memory_space<vmem>>, vector<16xf32>,
        %add3A_388 = arith.constant 224 : i32
        %add3A_389 = arith.addi %mul3A_292, %add3A_388 : i32
        %get3A_390 = arith.index_cast %add3A_389 : i32 to index
        %get3A_391 = tpu.vector_load %arg8[%get3A_390] {strides = array<i32>} : memref<4096xi32, #tpu.memory_space<vmem>>, vector<16xi32>,
        %gather3A_392 = tpu.vector_load_idx %arg7[%get3A_391] : memref<100000xf32, #tpu.memory_space<vmem>>[vector<16xi32>], vector<16xf32>,
        %swap3A_393 = arith.index_cast %add3A_389 : i32 to index
        %swap3A_394 = tpu.vector_load %arg10[%swap3A_393] {strides = array<i32>} : memref<4096xf32, #tpu.memory_space<vmem>>, vector<16xf32>,
        tpu.vector_store %arg10[%swap3A_393], %gather3A_392 {strides = array<i32>} : memref<4096xf32, #tpu.memory_space<vmem>>, vector<16xf32>,
        %add3A_395 = arith.constant 240 : i32
        %add3A_396 = arith.addi %mul3A_292, %add3A_395 : i32
        %get3A_397 = arith.index_cast %add3A_396 : i32 to index
        %get3A_398 = tpu.vector_load %arg8[%get3A_397] {strides = array<i32>} : memref<4096xi32, #tpu.memory_space<vmem>>, vector<16xi32>,
        %gather3A_399 = tpu.vector_load_idx %arg7[%get3A_398] : memref<100000xf32, #tpu.memory_space<vmem>>[vector<16xi32>], vector<16xf32>,
        %swap3A_400 = arith.index_cast %add3A_396 : i32 to index
        %swap3A_401 = tpu.vector_load %arg10[%swap3A_400] {strides = array<i32>} : memref<4096xf32, #tpu.memory_space<vmem>>, vector<16xf32>,
        tpu.vector_store %arg10[%swap3A_400], %gather3A_399 {strides = array<i32>} : memref<4096xf32, #tpu.memory_space<vmem>>, vector<16xf32>,
        %scan3A_402 = arith.constant 0 : i32
        scf.yield %scan3A_402 : i32
      }
      %scan3A_177 = arith.constant 16 : i32
      %dma_start3A_178 = arith.constant 0 : i32
      %dma_start3A_179 = tpu.memref_slice %arg6[%add3A_13, %dma_start3A_178] : memref<256x16384xf32, #tpu.memory_space<hbm>> -> memref<1x4096xf32, #tpu.memory_space<hbm>>
      %dma_start3A_180 = tpu.memref_squeeze %dma_start3A_179 : memref<1x4096xf32, #tpu.memory_space<hbm>> -> memref<4096xf32, #tpu.memory_space<hbm>>
      %dma_start3A_181 = arith.constant 0 : i32
      %dma_start3A_182 = tpu.memref_slice %arg6[%add3A_13, %dma_start3A_181] : memref<256x16384xf32, #tpu.memory_space<hbm>> -> memref<1x4096xf32, #tpu.memory_space<hbm>>
      %dma_start3A_183 = tpu.memref_squeeze %dma_start3A_182 : memref<1x4096xf32, #tpu.memory_space<hbm>> -> memref<4096xf32, #tpu.memory_space<hbm>>
      tpu.enqueue_dma source(%arg10 : memref<4096xf32, #tpu.memory_space<vmem>>) target(%dma_start3A_183 : memref<4096xf32, #tpu.memory_space<hbm>>) target_semaphore(%arg16 : memref<!tpu.dma_semaphore, #tpu.memory_space<semaphore_mem>>)
      %dma_start3A_184 = arith.constant 1 : i32
      %dma_start3A_185 = arith.constant 8192 : i32
      %dma_start3A_186 = tpu.memref_slice %arg12[%dma_start3A_184, %dma_start3A_185] : memref<2x16384xi32, #tpu.memory_space<vmem_shared>> -> memref<1x4096xi32, #tpu.memory_space<vmem_shared>>
      %dma_start3A_187 = tpu.memref_squeeze %dma_start3A_186 : memref<1x4096xi32, #tpu.memory_space<vmem_shared>> -> memref<4096xi32, #tpu.memory_space<vmem_shared>>
      %dma_start3A_188 = arith.constant 8192 : i32
      %dma_start3A_189 = tpu.memref_slice %arg12[%dma_start3A_184, %dma_start3A_188] : memref<2x16384xi32, #tpu.memory_space<vmem_shared>> -> memref<1x4096xi32, #tpu.memory_space<vmem_shared>>
      %dma_start3A_190 = tpu.memref_squeeze %dma_start3A_189 : memref<1x4096xi32, #tpu.memory_space<vmem_shared>> -> memref<4096xi32, #tpu.memory_space<vmem_shared>>
      tpu.enqueue_dma source(%dma_start3A_190 : memref<4096xi32, #tpu.memory_space<vmem_shared>>) target(%arg8 : memref<4096xi32, #tpu.memory_space<vmem>>) target_semaphore(%arg14 : memref<!tpu.dma_semaphore, #tpu.memory_space<semaphore_mem>>)
      %dma_wait3A_191 = arith.constant 1 : i32
      %dma_wait3A_192 = arith.constant 4096 : i32
      %dma_wait3A_193 = tpu.memref_slice %arg12[%dma_wait3A_191, %dma_wait3A_192] : memref<2x16384xi32, #tpu.memory_space<vmem_shared>> -> memref<1x4096xi32, #tpu.memory_space<vmem_shared>>
      %dma_wait3A_194 = tpu.memref_squeeze %dma_wait3A_193 : memref<1x4096xi32, #tpu.memory_space<vmem_shared>> -> memref<4096xi32, #tpu.memory_space<vmem_shared>>
      %dma_wait3A_195 = arith.constant 4096 : i32
      %dma_wait3A_196 = tpu.memref_slice %arg12[%dma_wait3A_191, %dma_wait3A_195] : memref<2x16384xi32, #tpu.memory_space<vmem_shared>> -> memref<1x4096xi32, #tpu.memory_space<vmem_shared>>
      %dma_wait3A_197 = tpu.memref_squeeze %dma_wait3A_196 : memref<1x4096xi32, #tpu.memory_space<vmem_shared>> -> memref<4096xi32, #tpu.memory_space<vmem_shared>>
      tpu.wait_dma2 semaphore(%arg15 : memref<!tpu.dma_semaphore, #tpu.memory_space<semaphore_mem>>) src(%dma_wait3A_197 : memref<4096xi32, #tpu.memory_space<vmem_shared>>) dst(%arg9 : memref<4096xi32, #tpu.memory_space<vmem>>)
      %dma_wait3A_198 = arith.constant 12288 : i32
      %dma_wait3A_199 = tpu.memref_slice %arg5[%add3A_13, %dma_wait3A_198] : memref<256x16384xf32, #tpu.memory_space<hbm>> -> memref<1x4096xf32, #tpu.memory_space<hbm>>
      %dma_wait3A_200 = tpu.memref_squeeze %dma_wait3A_199 : memref<1x4096xf32, #tpu.memory_space<hbm>> -> memref<4096xf32, #tpu.memory_space<hbm>>
      %dma_wait3A_201 = arith.constant 12288 : i32
      %dma_wait3A_202 = tpu.memref_slice %arg5[%add3A_13, %dma_wait3A_201] : memref<256x16384xf32, #tpu.memory_space<hbm>> -> memref<1x4096xf32, #tpu.memory_space<hbm>>
      %dma_wait3A_203 = tpu.memref_squeeze %dma_wait3A_202 : memref<1x4096xf32, #tpu.memory_space<hbm>> -> memref<4096xf32, #tpu.memory_space<hbm>>
      tpu.wait_dma2 semaphore(%arg17 : memref<!tpu.dma_semaphore, #tpu.memory_space<semaphore_mem>>) src(%arg11 : memref<4096xf32, #tpu.memory_space<vmem>>) dst(%dma_wait3A_203 : memref<4096xf32, #tpu.memory_space<hbm>>)
      %scan3A_204 = arith.constant 0 : i32
      %scan3A_205 = arith.constant 0 : i32
      %scan3A_206 = arith.constant 16 : i32
      %scan3A_207 = arith.addi %scan3A_205, %scan3A_206 : i32
      %scan3A_208 = arith.constant 1 : i32
      %scan3A_209 = scf.for %scan3A_289 = %scan3A_205 to %scan3A_207 step %scan3A_208 iter_args(%scan3A_290 = %scan3A_204) -> (i32)  : i32 {
        %mul3A_291 = arith.constant 256 : i32
        %mul3A_292 = arith.muli %scan3A_289, %mul3A_291 : i32
        %add3A_293 = arith.constant 0 : i32
        %add3A_294 = arith.addi %mul3A_292, %add3A_293 : i32
        %get3A = arith.index_cast %add3A_294 : i32 to index
        %get3A_295 = tpu.vector_load %arg9[%get3A] {strides = array<i32>} : memref<4096xi32, #tpu.memory_space<vmem>>, vector<16xi32>,
        %gather3A = tpu.vector_load_idx %arg7[%get3A_295] : memref<100000xf32, #tpu.memory_space<vmem>>[vector<16xi32>], vector<16xf32>,
        %swap3A = arith.index_cast %add3A_294 : i32 to index
        %swap3A_296 = tpu.vector_load %arg11[%swap3A] {strides = array<i32>} : memref<4096xf32, #tpu.memory_space<vmem>>, vector<16xf32>,
        tpu.vector_store %arg11[%swap3A], %gather3A {strides = array<i32>} : memref<4096xf32, #tpu.memory_space<vmem>>, vector<16xf32>,
        %add3A_297 = arith.constant 16 : i32
        %add3A_298 = arith.addi %mul3A_292, %add3A_297 : i32
        %get3A_299 = arith.index_cast %add3A_298 : i32 to index
        %get3A_300 = tpu.vector_load %arg9[%get3A_299] {strides = array<i32>} : memref<4096xi32, #tpu.memory_space<vmem>>, vector<16xi32>,
        %gather3A_301 = tpu.vector_load_idx %arg7[%get3A_300] : memref<100000xf32, #tpu.memory_space<vmem>>[vector<16xi32>], vector<16xf32>,
        %swap3A_302 = arith.index_cast %add3A_298 : i32 to index
        %swap3A_303 = tpu.vector_load %arg11[%swap3A_302] {strides = array<i32>} : memref<4096xf32, #tpu.memory_space<vmem>>, vector<16xf32>,
        tpu.vector_store %arg11[%swap3A_302], %gather3A_301 {strides = array<i32>} : memref<4096xf32, #tpu.memory_space<vmem>>, vector<16xf32>,
        %add3A_304 = arith.constant 32 : i32
        %add3A_305 = arith.addi %mul3A_292, %add3A_304 : i32
        %get3A_306 = arith.index_cast %add3A_305 : i32 to index
        %get3A_307 = tpu.vector_load %arg9[%get3A_306] {strides = array<i32>} : memref<4096xi32, #tpu.memory_space<vmem>>, vector<16xi32>,
        %gather3A_308 = tpu.vector_load_idx %arg7[%get3A_307] : memref<100000xf32, #tpu.memory_space<vmem>>[vector<16xi32>], vector<16xf32>,
        %swap3A_309 = arith.index_cast %add3A_305 : i32 to index
        %swap3A_310 = tpu.vector_load %arg11[%swap3A_309] {strides = array<i32>} : memref<4096xf32, #tpu.memory_space<vmem>>, vector<16xf32>,
        tpu.vector_store %arg11[%swap3A_309], %gather3A_308 {strides = array<i32>} : memref<4096xf32, #tpu.memory_space<vmem>>, vector<16xf32>,
        %add3A_311 = arith.constant 48 : i32
        %add3A_312 = arith.addi %mul3A_292, %add3A_311 : i32
        %get3A_313 = arith.index_cast %add3A_312 : i32 to index
        %get3A_314 = tpu.vector_load %arg9[%get3A_313] {strides = array<i32>} : memref<4096xi32, #tpu.memory_space<vmem>>, vector<16xi32>,
        %gather3A_315 = tpu.vector_load_idx %arg7[%get3A_314] : memref<100000xf32, #tpu.memory_space<vmem>>[vector<16xi32>], vector<16xf32>,
        %swap3A_316 = arith.index_cast %add3A_312 : i32 to index
        %swap3A_317 = tpu.vector_load %arg11[%swap3A_316] {strides = array<i32>} : memref<4096xf32, #tpu.memory_space<vmem>>, vector<16xf32>,
        tpu.vector_store %arg11[%swap3A_316], %gather3A_315 {strides = array<i32>} : memref<4096xf32, #tpu.memory_space<vmem>>, vector<16xf32>,
        %add3A_318 = arith.constant 64 : i32
        %add3A_319 = arith.addi %mul3A_292, %add3A_318 : i32
        %get3A_320 = arith.index_cast %add3A_319 : i32 to index
        %get3A_321 = tpu.vector_load %arg9[%get3A_320] {strides = array<i32>} : memref<4096xi32, #tpu.memory_space<vmem>>, vector<16xi32>,
        %gather3A_322 = tpu.vector_load_idx %arg7[%get3A_321] : memref<100000xf32, #tpu.memory_space<vmem>>[vector<16xi32>], vector<16xf32>,
        %swap3A_323 = arith.index_cast %add3A_319 : i32 to index
        %swap3A_324 = tpu.vector_load %arg11[%swap3A_323] {strides = array<i32>} : memref<4096xf32, #tpu.memory_space<vmem>>, vector<16xf32>,
        tpu.vector_store %arg11[%swap3A_323], %gather3A_322 {strides = array<i32>} : memref<4096xf32, #tpu.memory_space<vmem>>, vector<16xf32>,
        %add3A_325 = arith.constant 80 : i32
        %add3A_326 = arith.addi %mul3A_292, %add3A_325 : i32
        %get3A_327 = arith.index_cast %add3A_326 : i32 to index
        %get3A_328 = tpu.vector_load %arg9[%get3A_327] {strides = array<i32>} : memref<4096xi32, #tpu.memory_space<vmem>>, vector<16xi32>,
        %gather3A_329 = tpu.vector_load_idx %arg7[%get3A_328] : memref<100000xf32, #tpu.memory_space<vmem>>[vector<16xi32>], vector<16xf32>,
        %swap3A_330 = arith.index_cast %add3A_326 : i32 to index
        %swap3A_331 = tpu.vector_load %arg11[%swap3A_330] {strides = array<i32>} : memref<4096xf32, #tpu.memory_space<vmem>>, vector<16xf32>,
        tpu.vector_store %arg11[%swap3A_330], %gather3A_329 {strides = array<i32>} : memref<4096xf32, #tpu.memory_space<vmem>>, vector<16xf32>,
        %add3A_332 = arith.constant 96 : i32
        %add3A_333 = arith.addi %mul3A_292, %add3A_332 : i32
        %get3A_334 = arith.index_cast %add3A_333 : i32 to index
        %get3A_335 = tpu.vector_load %arg9[%get3A_334] {strides = array<i32>} : memref<4096xi32, #tpu.memory_space<vmem>>, vector<16xi32>,
        %gather3A_336 = tpu.vector_load_idx %arg7[%get3A_335] : memref<100000xf32, #tpu.memory_space<vmem>>[vector<16xi32>], vector<16xf32>,
        %swap3A_337 = arith.index_cast %add3A_333 : i32 to index
        %swap3A_338 = tpu.vector_load %arg11[%swap3A_337] {strides = array<i32>} : memref<4096xf32, #tpu.memory_space<vmem>>, vector<16xf32>,
        tpu.vector_store %arg11[%swap3A_337], %gather3A_336 {strides = array<i32>} : memref<4096xf32, #tpu.memory_space<vmem>>, vector<16xf32>,
        %add3A_339 = arith.constant 112 : i32
        %add3A_340 = arith.addi %mul3A_292, %add3A_339 : i32
        %get3A_341 = arith.index_cast %add3A_340 : i32 to index
        %get3A_342 = tpu.vector_load %arg9[%get3A_341] {strides = array<i32>} : memref<4096xi32, #tpu.memory_space<vmem>>, vector<16xi32>,
        %gather3A_343 = tpu.vector_load_idx %arg7[%get3A_342] : memref<100000xf32, #tpu.memory_space<vmem>>[vector<16xi32>], vector<16xf32>,
        %swap3A_344 = arith.index_cast %add3A_340 : i32 to index
        %swap3A_345 = tpu.vector_load %arg11[%swap3A_344] {strides = array<i32>} : memref<4096xf32, #tpu.memory_space<vmem>>, vector<16xf32>,
        tpu.vector_store %arg11[%swap3A_344], %gather3A_343 {strides = array<i32>} : memref<4096xf32, #tpu.memory_space<vmem>>, vector<16xf32>,
        %add3A_346 = arith.constant 128 : i32
        %add3A_347 = arith.addi %mul3A_292, %add3A_346 : i32
        %get3A_348 = arith.index_cast %add3A_347 : i32 to index
        %get3A_349 = tpu.vector_load %arg9[%get3A_348] {strides = array<i32>} : memref<4096xi32, #tpu.memory_space<vmem>>, vector<16xi32>,
        %gather3A_350 = tpu.vector_load_idx %arg7[%get3A_349] : memref<100000xf32, #tpu.memory_space<vmem>>[vector<16xi32>], vector<16xf32>,
        %swap3A_351 = arith.index_cast %add3A_347 : i32 to index
        %swap3A_352 = tpu.vector_load %arg11[%swap3A_351] {strides = array<i32>} : memref<4096xf32, #tpu.memory_space<vmem>>, vector<16xf32>,
        tpu.vector_store %arg11[%swap3A_351], %gather3A_350 {strides = array<i32>} : memref<4096xf32, #tpu.memory_space<vmem>>, vector<16xf32>,
        %add3A_353 = arith.constant 144 : i32
        %add3A_354 = arith.addi %mul3A_292, %add3A_353 : i32
        %get3A_355 = arith.index_cast %add3A_354 : i32 to index
        %get3A_356 = tpu.vector_load %arg9[%get3A_355] {strides = array<i32>} : memref<4096xi32, #tpu.memory_space<vmem>>, vector<16xi32>,
        %gather3A_357 = tpu.vector_load_idx %arg7[%get3A_356] : memref<100000xf32, #tpu.memory_space<vmem>>[vector<16xi32>], vector<16xf32>,
        %swap3A_358 = arith.index_cast %add3A_354 : i32 to index
        %swap3A_359 = tpu.vector_load %arg11[%swap3A_358] {strides = array<i32>} : memref<4096xf32, #tpu.memory_space<vmem>>, vector<16xf32>,
        tpu.vector_store %arg11[%swap3A_358], %gather3A_357 {strides = array<i32>} : memref<4096xf32, #tpu.memory_space<vmem>>, vector<16xf32>,
        %add3A_360 = arith.constant 160 : i32
        %add3A_361 = arith.addi %mul3A_292, %add3A_360 : i32
        %get3A_362 = arith.index_cast %add3A_361 : i32 to index
        %get3A_363 = tpu.vector_load %arg9[%get3A_362] {strides = array<i32>} : memref<4096xi32, #tpu.memory_space<vmem>>, vector<16xi32>,
        %gather3A_364 = tpu.vector_load_idx %arg7[%get3A_363] : memref<100000xf32, #tpu.memory_space<vmem>>[vector<16xi32>], vector<16xf32>,
        %swap3A_365 = arith.index_cast %add3A_361 : i32 to index
        %swap3A_366 = tpu.vector_load %arg11[%swap3A_365] {strides = array<i32>} : memref<4096xf32, #tpu.memory_space<vmem>>, vector<16xf32>,
        tpu.vector_store %arg11[%swap3A_365], %gather3A_364 {strides = array<i32>} : memref<4096xf32, #tpu.memory_space<vmem>>, vector<16xf32>,
        %add3A_367 = arith.constant 176 : i32
        %add3A_368 = arith.addi %mul3A_292, %add3A_367 : i32
        %get3A_369 = arith.index_cast %add3A_368 : i32 to index
        %get3A_370 = tpu.vector_load %arg9[%get3A_369] {strides = array<i32>} : memref<4096xi32, #tpu.memory_space<vmem>>, vector<16xi32>,
        %gather3A_371 = tpu.vector_load_idx %arg7[%get3A_370] : memref<100000xf32, #tpu.memory_space<vmem>>[vector<16xi32>], vector<16xf32>,
        %swap3A_372 = arith.index_cast %add3A_368 : i32 to index
        %swap3A_373 = tpu.vector_load %arg11[%swap3A_372] {strides = array<i32>} : memref<4096xf32, #tpu.memory_space<vmem>>, vector<16xf32>,
        tpu.vector_store %arg11[%swap3A_372], %gather3A_371 {strides = array<i32>} : memref<4096xf32, #tpu.memory_space<vmem>>, vector<16xf32>,
        %add3A_374 = arith.constant 192 : i32
        %add3A_375 = arith.addi %mul3A_292, %add3A_374 : i32
        %get3A_376 = arith.index_cast %add3A_375 : i32 to index
        %get3A_377 = tpu.vector_load %arg9[%get3A_376] {strides = array<i32>} : memref<4096xi32, #tpu.memory_space<vmem>>, vector<16xi32>,
        %gather3A_378 = tpu.vector_load_idx %arg7[%get3A_377] : memref<100000xf32, #tpu.memory_space<vmem>>[vector<16xi32>], vector<16xf32>,
        %swap3A_379 = arith.index_cast %add3A_375 : i32 to index
        %swap3A_380 = tpu.vector_load %arg11[%swap3A_379] {strides = array<i32>} : memref<4096xf32, #tpu.memory_space<vmem>>, vector<16xf32>,
        tpu.vector_store %arg11[%swap3A_379], %gather3A_378 {strides = array<i32>} : memref<4096xf32, #tpu.memory_space<vmem>>, vector<16xf32>,
        %add3A_381 = arith.constant 208 : i32
        %add3A_382 = arith.addi %mul3A_292, %add3A_381 : i32
        %get3A_383 = arith.index_cast %add3A_382 : i32 to index
        %get3A_384 = tpu.vector_load %arg9[%get3A_383] {strides = array<i32>} : memref<4096xi32, #tpu.memory_space<vmem>>, vector<16xi32>,
        %gather3A_385 = tpu.vector_load_idx %arg7[%get3A_384] : memref<100000xf32, #tpu.memory_space<vmem>>[vector<16xi32>], vector<16xf32>,
        %swap3A_386 = arith.index_cast %add3A_382 : i32 to index
        %swap3A_387 = tpu.vector_load %arg11[%swap3A_386] {strides = array<i32>} : memref<4096xf32, #tpu.memory_space<vmem>>, vector<16xf32>,
        tpu.vector_store %arg11[%swap3A_386], %gather3A_385 {strides = array<i32>} : memref<4096xf32, #tpu.memory_space<vmem>>, vector<16xf32>,
        %add3A_388 = arith.constant 224 : i32
        %add3A_389 = arith.addi %mul3A_292, %add3A_388 : i32
        %get3A_390 = arith.index_cast %add3A_389 : i32 to index
        %get3A_391 = tpu.vector_load %arg9[%get3A_390] {strides = array<i32>} : memref<4096xi32, #tpu.memory_space<vmem>>, vector<16xi32>,
        %gather3A_392 = tpu.vector_load_idx %arg7[%get3A_391] : memref<100000xf32, #tpu.memory_space<vmem>>[vector<16xi32>], vector<16xf32>,
        %swap3A_393 = arith.index_cast %add3A_389 : i32 to index
        %swap3A_394 = tpu.vector_load %arg11[%swap3A_393] {strides = array<i32>} : memref<4096xf32, #tpu.memory_space<vmem>>, vector<16xf32>,
        tpu.vector_store %arg11[%swap3A_393], %gather3A_392 {strides = array<i32>} : memref<4096xf32, #tpu.memory_space<vmem>>, vector<16xf32>,
        %add3A_395 = arith.constant 240 : i32
        %add3A_396 = arith.addi %mul3A_292, %add3A_395 : i32
        %get3A_397 = arith.index_cast %add3A_396 : i32 to index
        %get3A_398 = tpu.vector_load %arg9[%get3A_397] {strides = array<i32>} : memref<4096xi32, #tpu.memory_space<vmem>>, vector<16xi32>,
        %gather3A_399 = tpu.vector_load_idx %arg7[%get3A_398] : memref<100000xf32, #tpu.memory_space<vmem>>[vector<16xi32>], vector<16xf32>,
        %swap3A_400 = arith.index_cast %add3A_396 : i32 to index
        %swap3A_401 = tpu.vector_load %arg11[%swap3A_400] {strides = array<i32>} : memref<4096xf32, #tpu.memory_space<vmem>>, vector<16xf32>,
        tpu.vector_store %arg11[%swap3A_400], %gather3A_399 {strides = array<i32>} : memref<4096xf32, #tpu.memory_space<vmem>>, vector<16xf32>,
        %scan3A_402 = arith.constant 0 : i32
        scf.yield %scan3A_402 : i32
      }
      %scan3A_210 = arith.constant 16 : i32
      %dma_start3A_211 = arith.constant 4096 : i32
      %dma_start3A_212 = tpu.memref_slice %arg6[%add3A_13, %dma_start3A_211] : memref<256x16384xf32, #tpu.memory_space<hbm>> -> memref<1x4096xf32, #tpu.memory_space<hbm>>
      %dma_start3A_213 = tpu.memref_squeeze %dma_start3A_212 : memref<1x4096xf32, #tpu.memory_space<hbm>> -> memref<4096xf32, #tpu.memory_space<hbm>>
      %dma_start3A_214 = arith.constant 4096 : i32
      %dma_start3A_215 = tpu.memref_slice %arg6[%add3A_13, %dma_start3A_214] : memref<256x16384xf32, #tpu.memory_space<hbm>> -> memref<1x4096xf32, #tpu.memory_space<hbm>>
      %dma_start3A_216 = tpu.memref_squeeze %dma_start3A_215 : memref<1x4096xf32, #tpu.memory_space<hbm>> -> memref<4096xf32, #tpu.memory_space<hbm>>
      tpu.enqueue_dma source(%arg11 : memref<4096xf32, #tpu.memory_space<vmem>>) target(%dma_start3A_216 : memref<4096xf32, #tpu.memory_space<hbm>>) target_semaphore(%arg17 : memref<!tpu.dma_semaphore, #tpu.memory_space<semaphore_mem>>)
      %dma_start3A_217 = arith.constant 1 : i32
      %dma_start3A_218 = arith.constant 12288 : i32
      %dma_start3A_219 = tpu.memref_slice %arg12[%dma_start3A_217, %dma_start3A_218] : memref<2x16384xi32, #tpu.memory_space<vmem_shared>> -> memref<1x4096xi32, #tpu.memory_space<vmem_shared>>
      %dma_start3A_220 = tpu.memref_squeeze %dma_start3A_219 : memref<1x4096xi32, #tpu.memory_space<vmem_shared>> -> memref<4096xi32, #tpu.memory_space<vmem_shared>>
      %dma_start3A_221 = arith.constant 12288 : i32
      %dma_start3A_222 = tpu.memref_slice %arg12[%dma_start3A_217, %dma_start3A_221] : memref<2x16384xi32, #tpu.memory_space<vmem_shared>> -> memref<1x4096xi32, #tpu.memory_space<vmem_shared>>
      %dma_start3A_223 = tpu.memref_squeeze %dma_start3A_222 : memref<1x4096xi32, #tpu.memory_space<vmem_shared>> -> memref<4096xi32, #tpu.memory_space<vmem_shared>>
      tpu.enqueue_dma source(%dma_start3A_223 : memref<4096xi32, #tpu.memory_space<vmem_shared>>) target(%arg9 : memref<4096xi32, #tpu.memory_space<vmem>>) target_semaphore(%arg15 : memref<!tpu.dma_semaphore, #tpu.memory_space<semaphore_mem>>)
      %dma_wait3A_224 = arith.constant 1 : i32
      %dma_wait3A_225 = arith.constant 8192 : i32
      %dma_wait3A_226 = tpu.memref_slice %arg12[%dma_wait3A_224, %dma_wait3A_225] : memref<2x16384xi32, #tpu.memory_space<vmem_shared>> -> memref<1x4096xi32, #tpu.memory_space<vmem_shared>>
      %dma_wait3A_227 = tpu.memref_squeeze %dma_wait3A_226 : memref<1x4096xi32, #tpu.memory_space<vmem_shared>> -> memref<4096xi32, #tpu.memory_space<vmem_shared>>
      %dma_wait3A_228 = arith.constant 8192 : i32
      %dma_wait3A_229 = tpu.memref_slice %arg12[%dma_wait3A_224, %dma_wait3A_228] : memref<2x16384xi32, #tpu.memory_space<vmem_shared>> -> memref<1x4096xi32, #tpu.memory_space<vmem_shared>>
      %dma_wait3A_230 = tpu.memref_squeeze %dma_wait3A_229 : memref<1x4096xi32, #tpu.memory_space<vmem_shared>> -> memref<4096xi32, #tpu.memory_space<vmem_shared>>
      tpu.wait_dma2 semaphore(%arg14 : memref<!tpu.dma_semaphore, #tpu.memory_space<semaphore_mem>>) src(%dma_wait3A_230 : memref<4096xi32, #tpu.memory_space<vmem_shared>>) dst(%arg8 : memref<4096xi32, #tpu.memory_space<vmem>>)
      %dma_wait3A_231 = arith.constant 0 : i32
      %dma_wait3A_232 = tpu.memref_slice %arg6[%add3A_13, %dma_wait3A_231] : memref<256x16384xf32, #tpu.memory_space<hbm>> -> memref<1x4096xf32, #tpu.memory_space<hbm>>
      %dma_wait3A_233 = tpu.memref_squeeze %dma_wait3A_232 : memref<1x4096xf32, #tpu.memory_space<hbm>> -> memref<4096xf32, #tpu.memory_space<hbm>>
      %dma_wait3A_234 = arith.constant 0 : i32
      %dma_wait3A_235 = tpu.memref_slice %arg6[%add3A_13, %dma_wait3A_234] : memref<256x16384xf32, #tpu.memory_space<hbm>> -> memref<1x4096xf32, #tpu.memory_space<hbm>>
      %dma_wait3A_236 = tpu.memref_squeeze %dma_wait3A_235 : memref<1x4096xf32, #tpu.memory_space<hbm>> -> memref<4096xf32, #tpu.memory_space<hbm>>
      tpu.wait_dma2 semaphore(%arg16 : memref<!tpu.dma_semaphore, #tpu.memory_space<semaphore_mem>>) src(%arg10 : memref<4096xf32, #tpu.memory_space<vmem>>) dst(%dma_wait3A_236 : memref<4096xf32, #tpu.memory_space<hbm>>)
      %scan3A_237 = arith.constant 0 : i32
      %scan3A_238 = arith.constant 0 : i32
      %scan3A_239 = arith.constant 16 : i32
      %scan3A_240 = arith.addi %scan3A_238, %scan3A_239 : i32
      %scan3A_241 = arith.constant 1 : i32
      %scan3A_242 = scf.for %scan3A_289 = %scan3A_238 to %scan3A_240 step %scan3A_241 iter_args(%scan3A_290 = %scan3A_237) -> (i32)  : i32 {
        %mul3A_291 = arith.constant 256 : i32
        %mul3A_292 = arith.muli %scan3A_289, %mul3A_291 : i32
        %add3A_293 = arith.constant 0 : i32
        %add3A_294 = arith.addi %mul3A_292, %add3A_293 : i32
        %get3A = arith.index_cast %add3A_294 : i32 to index
        %get3A_295 = tpu.vector_load %arg8[%get3A] {strides = array<i32>} : memref<4096xi32, #tpu.memory_space<vmem>>, vector<16xi32>,
        %gather3A = tpu.vector_load_idx %arg7[%get3A_295] : memref<100000xf32, #tpu.memory_space<vmem>>[vector<16xi32>], vector<16xf32>,
        %swap3A = arith.index_cast %add3A_294 : i32 to index
        %swap3A_296 = tpu.vector_load %arg10[%swap3A] {strides = array<i32>} : memref<4096xf32, #tpu.memory_space<vmem>>, vector<16xf32>,
        tpu.vector_store %arg10[%swap3A], %gather3A {strides = array<i32>} : memref<4096xf32, #tpu.memory_space<vmem>>, vector<16xf32>,
        %add3A_297 = arith.constant 16 : i32
        %add3A_298 = arith.addi %mul3A_292, %add3A_297 : i32
        %get3A_299 = arith.index_cast %add3A_298 : i32 to index
        %get3A_300 = tpu.vector_load %arg8[%get3A_299] {strides = array<i32>} : memref<4096xi32, #tpu.memory_space<vmem>>, vector<16xi32>,
        %gather3A_301 = tpu.vector_load_idx %arg7[%get3A_300] : memref<100000xf32, #tpu.memory_space<vmem>>[vector<16xi32>], vector<16xf32>,
        %swap3A_302 = arith.index_cast %add3A_298 : i32 to index
        %swap3A_303 = tpu.vector_load %arg10[%swap3A_302] {strides = array<i32>} : memref<4096xf32, #tpu.memory_space<vmem>>, vector<16xf32>,
        tpu.vector_store %arg10[%swap3A_302], %gather3A_301 {strides = array<i32>} : memref<4096xf32, #tpu.memory_space<vmem>>, vector<16xf32>,
        %add3A_304 = arith.constant 32 : i32
        %add3A_305 = arith.addi %mul3A_292, %add3A_304 : i32
        %get3A_306 = arith.index_cast %add3A_305 : i32 to index
        %get3A_307 = tpu.vector_load %arg8[%get3A_306] {strides = array<i32>} : memref<4096xi32, #tpu.memory_space<vmem>>, vector<16xi32>,
        %gather3A_308 = tpu.vector_load_idx %arg7[%get3A_307] : memref<100000xf32, #tpu.memory_space<vmem>>[vector<16xi32>], vector<16xf32>,
        %swap3A_309 = arith.index_cast %add3A_305 : i32 to index
        %swap3A_310 = tpu.vector_load %arg10[%swap3A_309] {strides = array<i32>} : memref<4096xf32, #tpu.memory_space<vmem>>, vector<16xf32>,
        tpu.vector_store %arg10[%swap3A_309], %gather3A_308 {strides = array<i32>} : memref<4096xf32, #tpu.memory_space<vmem>>, vector<16xf32>,
        %add3A_311 = arith.constant 48 : i32
        %add3A_312 = arith.addi %mul3A_292, %add3A_311 : i32
        %get3A_313 = arith.index_cast %add3A_312 : i32 to index
        %get3A_314 = tpu.vector_load %arg8[%get3A_313] {strides = array<i32>} : memref<4096xi32, #tpu.memory_space<vmem>>, vector<16xi32>,
        %gather3A_315 = tpu.vector_load_idx %arg7[%get3A_314] : memref<100000xf32, #tpu.memory_space<vmem>>[vector<16xi32>], vector<16xf32>,
        %swap3A_316 = arith.index_cast %add3A_312 : i32 to index
        %swap3A_317 = tpu.vector_load %arg10[%swap3A_316] {strides = array<i32>} : memref<4096xf32, #tpu.memory_space<vmem>>, vector<16xf32>,
        tpu.vector_store %arg10[%swap3A_316], %gather3A_315 {strides = array<i32>} : memref<4096xf32, #tpu.memory_space<vmem>>, vector<16xf32>,
        %add3A_318 = arith.constant 64 : i32
        %add3A_319 = arith.addi %mul3A_292, %add3A_318 : i32
        %get3A_320 = arith.index_cast %add3A_319 : i32 to index
        %get3A_321 = tpu.vector_load %arg8[%get3A_320] {strides = array<i32>} : memref<4096xi32, #tpu.memory_space<vmem>>, vector<16xi32>,
        %gather3A_322 = tpu.vector_load_idx %arg7[%get3A_321] : memref<100000xf32, #tpu.memory_space<vmem>>[vector<16xi32>], vector<16xf32>,
        %swap3A_323 = arith.index_cast %add3A_319 : i32 to index
        %swap3A_324 = tpu.vector_load %arg10[%swap3A_323] {strides = array<i32>} : memref<4096xf32, #tpu.memory_space<vmem>>, vector<16xf32>,
        tpu.vector_store %arg10[%swap3A_323], %gather3A_322 {strides = array<i32>} : memref<4096xf32, #tpu.memory_space<vmem>>, vector<16xf32>,
        %add3A_325 = arith.constant 80 : i32
        %add3A_326 = arith.addi %mul3A_292, %add3A_325 : i32
        %get3A_327 = arith.index_cast %add3A_326 : i32 to index
        %get3A_328 = tpu.vector_load %arg8[%get3A_327] {strides = array<i32>} : memref<4096xi32, #tpu.memory_space<vmem>>, vector<16xi32>,
        %gather3A_329 = tpu.vector_load_idx %arg7[%get3A_328] : memref<100000xf32, #tpu.memory_space<vmem>>[vector<16xi32>], vector<16xf32>,
        %swap3A_330 = arith.index_cast %add3A_326 : i32 to index
        %swap3A_331 = tpu.vector_load %arg10[%swap3A_330] {strides = array<i32>} : memref<4096xf32, #tpu.memory_space<vmem>>, vector<16xf32>,
        tpu.vector_store %arg10[%swap3A_330], %gather3A_329 {strides = array<i32>} : memref<4096xf32, #tpu.memory_space<vmem>>, vector<16xf32>,
        %add3A_332 = arith.constant 96 : i32
        %add3A_333 = arith.addi %mul3A_292, %add3A_332 : i32
        %get3A_334 = arith.index_cast %add3A_333 : i32 to index
        %get3A_335 = tpu.vector_load %arg8[%get3A_334] {strides = array<i32>} : memref<4096xi32, #tpu.memory_space<vmem>>, vector<16xi32>,
        %gather3A_336 = tpu.vector_load_idx %arg7[%get3A_335] : memref<100000xf32, #tpu.memory_space<vmem>>[vector<16xi32>], vector<16xf32>,
        %swap3A_337 = arith.index_cast %add3A_333 : i32 to index
        %swap3A_338 = tpu.vector_load %arg10[%swap3A_337] {strides = array<i32>} : memref<4096xf32, #tpu.memory_space<vmem>>, vector<16xf32>,
        tpu.vector_store %arg10[%swap3A_337], %gather3A_336 {strides = array<i32>} : memref<4096xf32, #tpu.memory_space<vmem>>, vector<16xf32>,
        %add3A_339 = arith.constant 112 : i32
        %add3A_340 = arith.addi %mul3A_292, %add3A_339 : i32
        %get3A_341 = arith.index_cast %add3A_340 : i32 to index
        %get3A_342 = tpu.vector_load %arg8[%get3A_341] {strides = array<i32>} : memref<4096xi32, #tpu.memory_space<vmem>>, vector<16xi32>,
        %gather3A_343 = tpu.vector_load_idx %arg7[%get3A_342] : memref<100000xf32, #tpu.memory_space<vmem>>[vector<16xi32>], vector<16xf32>,
        %swap3A_344 = arith.index_cast %add3A_340 : i32 to index
        %swap3A_345 = tpu.vector_load %arg10[%swap3A_344] {strides = array<i32>} : memref<4096xf32, #tpu.memory_space<vmem>>, vector<16xf32>,
        tpu.vector_store %arg10[%swap3A_344], %gather3A_343 {strides = array<i32>} : memref<4096xf32, #tpu.memory_space<vmem>>, vector<16xf32>,
        %add3A_346 = arith.constant 128 : i32
        %add3A_347 = arith.addi %mul3A_292, %add3A_346 : i32
        %get3A_348 = arith.index_cast %add3A_347 : i32 to index
        %get3A_349 = tpu.vector_load %arg8[%get3A_348] {strides = array<i32>} : memref<4096xi32, #tpu.memory_space<vmem>>, vector<16xi32>,
        %gather3A_350 = tpu.vector_load_idx %arg7[%get3A_349] : memref<100000xf32, #tpu.memory_space<vmem>>[vector<16xi32>], vector<16xf32>,
        %swap3A_351 = arith.index_cast %add3A_347 : i32 to index
        %swap3A_352 = tpu.vector_load %arg10[%swap3A_351] {strides = array<i32>} : memref<4096xf32, #tpu.memory_space<vmem>>, vector<16xf32>,
        tpu.vector_store %arg10[%swap3A_351], %gather3A_350 {strides = array<i32>} : memref<4096xf32, #tpu.memory_space<vmem>>, vector<16xf32>,
        %add3A_353 = arith.constant 144 : i32
        %add3A_354 = arith.addi %mul3A_292, %add3A_353 : i32
        %get3A_355 = arith.index_cast %add3A_354 : i32 to index
        %get3A_356 = tpu.vector_load %arg8[%get3A_355] {strides = array<i32>} : memref<4096xi32, #tpu.memory_space<vmem>>, vector<16xi32>,
        %gather3A_357 = tpu.vector_load_idx %arg7[%get3A_356] : memref<100000xf32, #tpu.memory_space<vmem>>[vector<16xi32>], vector<16xf32>,
        %swap3A_358 = arith.index_cast %add3A_354 : i32 to index
        %swap3A_359 = tpu.vector_load %arg10[%swap3A_358] {strides = array<i32>} : memref<4096xf32, #tpu.memory_space<vmem>>, vector<16xf32>,
        tpu.vector_store %arg10[%swap3A_358], %gather3A_357 {strides = array<i32>} : memref<4096xf32, #tpu.memory_space<vmem>>, vector<16xf32>,
        %add3A_360 = arith.constant 160 : i32
        %add3A_361 = arith.addi %mul3A_292, %add3A_360 : i32
        %get3A_362 = arith.index_cast %add3A_361 : i32 to index
        %get3A_363 = tpu.vector_load %arg8[%get3A_362] {strides = array<i32>} : memref<4096xi32, #tpu.memory_space<vmem>>, vector<16xi32>,
        %gather3A_364 = tpu.vector_load_idx %arg7[%get3A_363] : memref<100000xf32, #tpu.memory_space<vmem>>[vector<16xi32>], vector<16xf32>,
        %swap3A_365 = arith.index_cast %add3A_361 : i32 to index
        %swap3A_366 = tpu.vector_load %arg10[%swap3A_365] {strides = array<i32>} : memref<4096xf32, #tpu.memory_space<vmem>>, vector<16xf32>,
        tpu.vector_store %arg10[%swap3A_365], %gather3A_364 {strides = array<i32>} : memref<4096xf32, #tpu.memory_space<vmem>>, vector<16xf32>,
        %add3A_367 = arith.constant 176 : i32
        %add3A_368 = arith.addi %mul3A_292, %add3A_367 : i32
        %get3A_369 = arith.index_cast %add3A_368 : i32 to index
        %get3A_370 = tpu.vector_load %arg8[%get3A_369] {strides = array<i32>} : memref<4096xi32, #tpu.memory_space<vmem>>, vector<16xi32>,
        %gather3A_371 = tpu.vector_load_idx %arg7[%get3A_370] : memref<100000xf32, #tpu.memory_space<vmem>>[vector<16xi32>], vector<16xf32>,
        %swap3A_372 = arith.index_cast %add3A_368 : i32 to index
        %swap3A_373 = tpu.vector_load %arg10[%swap3A_372] {strides = array<i32>} : memref<4096xf32, #tpu.memory_space<vmem>>, vector<16xf32>,
        tpu.vector_store %arg10[%swap3A_372], %gather3A_371 {strides = array<i32>} : memref<4096xf32, #tpu.memory_space<vmem>>, vector<16xf32>,
        %add3A_374 = arith.constant 192 : i32
        %add3A_375 = arith.addi %mul3A_292, %add3A_374 : i32
        %get3A_376 = arith.index_cast %add3A_375 : i32 to index
        %get3A_377 = tpu.vector_load %arg8[%get3A_376] {strides = array<i32>} : memref<4096xi32, #tpu.memory_space<vmem>>, vector<16xi32>,
        %gather3A_378 = tpu.vector_load_idx %arg7[%get3A_377] : memref<100000xf32, #tpu.memory_space<vmem>>[vector<16xi32>], vector<16xf32>,
        %swap3A_379 = arith.index_cast %add3A_375 : i32 to index
        %swap3A_380 = tpu.vector_load %arg10[%swap3A_379] {strides = array<i32>} : memref<4096xf32, #tpu.memory_space<vmem>>, vector<16xf32>,
        tpu.vector_store %arg10[%swap3A_379], %gather3A_378 {strides = array<i32>} : memref<4096xf32, #tpu.memory_space<vmem>>, vector<16xf32>,
        %add3A_381 = arith.constant 208 : i32
        %add3A_382 = arith.addi %mul3A_292, %add3A_381 : i32
        %get3A_383 = arith.index_cast %add3A_382 : i32 to index
        %get3A_384 = tpu.vector_load %arg8[%get3A_383] {strides = array<i32>} : memref<4096xi32, #tpu.memory_space<vmem>>, vector<16xi32>,
        %gather3A_385 = tpu.vector_load_idx %arg7[%get3A_384] : memref<100000xf32, #tpu.memory_space<vmem>>[vector<16xi32>], vector<16xf32>,
        %swap3A_386 = arith.index_cast %add3A_382 : i32 to index
        %swap3A_387 = tpu.vector_load %arg10[%swap3A_386] {strides = array<i32>} : memref<4096xf32, #tpu.memory_space<vmem>>, vector<16xf32>,
        tpu.vector_store %arg10[%swap3A_386], %gather3A_385 {strides = array<i32>} : memref<4096xf32, #tpu.memory_space<vmem>>, vector<16xf32>,
        %add3A_388 = arith.constant 224 : i32
        %add3A_389 = arith.addi %mul3A_292, %add3A_388 : i32
        %get3A_390 = arith.index_cast %add3A_389 : i32 to index
        %get3A_391 = tpu.vector_load %arg8[%get3A_390] {strides = array<i32>} : memref<4096xi32, #tpu.memory_space<vmem>>, vector<16xi32>,
        %gather3A_392 = tpu.vector_load_idx %arg7[%get3A_391] : memref<100000xf32, #tpu.memory_space<vmem>>[vector<16xi32>], vector<16xf32>,
        %swap3A_393 = arith.index_cast %add3A_389 : i32 to index
        %swap3A_394 = tpu.vector_load %arg10[%swap3A_393] {strides = array<i32>} : memref<4096xf32, #tpu.memory_space<vmem>>, vector<16xf32>,
        tpu.vector_store %arg10[%swap3A_393], %gather3A_392 {strides = array<i32>} : memref<4096xf32, #tpu.memory_space<vmem>>, vector<16xf32>,
        %add3A_395 = arith.constant 240 : i32
        %add3A_396 = arith.addi %mul3A_292, %add3A_395 : i32
        %get3A_397 = arith.index_cast %add3A_396 : i32 to index
        %get3A_398 = tpu.vector_load %arg8[%get3A_397] {strides = array<i32>} : memref<4096xi32, #tpu.memory_space<vmem>>, vector<16xi32>,
        %gather3A_399 = tpu.vector_load_idx %arg7[%get3A_398] : memref<100000xf32, #tpu.memory_space<vmem>>[vector<16xi32>], vector<16xf32>,
        %swap3A_400 = arith.index_cast %add3A_396 : i32 to index
        %swap3A_401 = tpu.vector_load %arg10[%swap3A_400] {strides = array<i32>} : memref<4096xf32, #tpu.memory_space<vmem>>, vector<16xf32>,
        tpu.vector_store %arg10[%swap3A_400], %gather3A_399 {strides = array<i32>} : memref<4096xf32, #tpu.memory_space<vmem>>, vector<16xf32>,
        %scan3A_402 = arith.constant 0 : i32
        scf.yield %scan3A_402 : i32
      }
      %scan3A_243 = arith.constant 16 : i32
      %dma_start3A_244 = arith.constant 8192 : i32
      %dma_start3A_245 = tpu.memref_slice %arg6[%add3A_13, %dma_start3A_244] : memref<256x16384xf32, #tpu.memory_space<hbm>> -> memref<1x4096xf32, #tpu.memory_space<hbm>>
      %dma_start3A_246 = tpu.memref_squeeze %dma_start3A_245 : memref<1x4096xf32, #tpu.memory_space<hbm>> -> memref<4096xf32, #tpu.memory_space<hbm>>
      %dma_start3A_247 = arith.constant 8192 : i32
      %dma_start3A_248 = tpu.memref_slice %arg6[%add3A_13, %dma_start3A_247] : memref<256x16384xf32, #tpu.memory_space<hbm>> -> memref<1x4096xf32, #tpu.memory_space<hbm>>
      %dma_start3A_249 = tpu.memref_squeeze %dma_start3A_248 : memref<1x4096xf32, #tpu.memory_space<hbm>> -> memref<4096xf32, #tpu.memory_space<hbm>>
      tpu.enqueue_dma source(%arg10 : memref<4096xf32, #tpu.memory_space<vmem>>) target(%dma_start3A_249 : memref<4096xf32, #tpu.memory_space<hbm>>) target_semaphore(%arg16 : memref<!tpu.dma_semaphore, #tpu.memory_space<semaphore_mem>>)
      %dma_wait3A_250 = arith.constant 1 : i32
      %dma_wait3A_251 = arith.constant 12288 : i32
      %dma_wait3A_252 = tpu.memref_slice %arg12[%dma_wait3A_250, %dma_wait3A_251] : memref<2x16384xi32, #tpu.memory_space<vmem_shared>> -> memref<1x4096xi32, #tpu.memory_space<vmem_shared>>
      %dma_wait3A_253 = tpu.memref_squeeze %dma_wait3A_252 : memref<1x4096xi32, #tpu.memory_space<vmem_shared>> -> memref<4096xi32, #tpu.memory_space<vmem_shared>>
      %dma_wait3A_254 = arith.constant 12288 : i32
      %dma_wait3A_255 = tpu.memref_slice %arg12[%dma_wait3A_250, %dma_wait3A_254] : memref<2x16384xi32, #tpu.memory_space<vmem_shared>> -> memref<1x4096xi32, #tpu.memory_space<vmem_shared>>
      %dma_wait3A_256 = tpu.memref_squeeze %dma_wait3A_255 : memref<1x4096xi32, #tpu.memory_space<vmem_shared>> -> memref<4096xi32, #tpu.memory_space<vmem_shared>>
      tpu.wait_dma2 semaphore(%arg15 : memref<!tpu.dma_semaphore, #tpu.memory_space<semaphore_mem>>) src(%dma_wait3A_256 : memref<4096xi32, #tpu.memory_space<vmem_shared>>) dst(%arg9 : memref<4096xi32, #tpu.memory_space<vmem>>)
      %dma_wait3A_257 = arith.constant 4096 : i32
      %dma_wait3A_258 = tpu.memref_slice %arg6[%add3A_13, %dma_wait3A_257] : memref<256x16384xf32, #tpu.memory_space<hbm>> -> memref<1x4096xf32, #tpu.memory_space<hbm>>
      %dma_wait3A_259 = tpu.memref_squeeze %dma_wait3A_258 : memref<1x4096xf32, #tpu.memory_space<hbm>> -> memref<4096xf32, #tpu.memory_space<hbm>>
      %dma_wait3A_260 = arith.constant 4096 : i32
      %dma_wait3A_261 = tpu.memref_slice %arg6[%add3A_13, %dma_wait3A_260] : memref<256x16384xf32, #tpu.memory_space<hbm>> -> memref<1x4096xf32, #tpu.memory_space<hbm>>
      %dma_wait3A_262 = tpu.memref_squeeze %dma_wait3A_261 : memref<1x4096xf32, #tpu.memory_space<hbm>> -> memref<4096xf32, #tpu.memory_space<hbm>>
      tpu.wait_dma2 semaphore(%arg17 : memref<!tpu.dma_semaphore, #tpu.memory_space<semaphore_mem>>) src(%arg11 : memref<4096xf32, #tpu.memory_space<vmem>>) dst(%dma_wait3A_262 : memref<4096xf32, #tpu.memory_space<hbm>>)
      %scan3A_263 = arith.constant 0 : i32
      %scan3A_264 = arith.constant 0 : i32
      %scan3A_265 = arith.constant 16 : i32
      %scan3A_266 = arith.addi %scan3A_264, %scan3A_265 : i32
      %scan3A_267 = arith.constant 1 : i32
      %scan3A_268 = scf.for %scan3A_289 = %scan3A_264 to %scan3A_266 step %scan3A_267 iter_args(%scan3A_290 = %scan3A_263) -> (i32)  : i32 {
        %mul3A_291 = arith.constant 256 : i32
        %mul3A_292 = arith.muli %scan3A_289, %mul3A_291 : i32
        %add3A_293 = arith.constant 0 : i32
        %add3A_294 = arith.addi %mul3A_292, %add3A_293 : i32
        %get3A = arith.index_cast %add3A_294 : i32 to index
        %get3A_295 = tpu.vector_load %arg9[%get3A] {strides = array<i32>} : memref<4096xi32, #tpu.memory_space<vmem>>, vector<16xi32>,
        %gather3A = tpu.vector_load_idx %arg7[%get3A_295] : memref<100000xf32, #tpu.memory_space<vmem>>[vector<16xi32>], vector<16xf32>,
        %swap3A = arith.index_cast %add3A_294 : i32 to index
        %swap3A_296 = tpu.vector_load %arg11[%swap3A] {strides = array<i32>} : memref<4096xf32, #tpu.memory_space<vmem>>, vector<16xf32>,
        tpu.vector_store %arg11[%swap3A], %gather3A {strides = array<i32>} : memref<4096xf32, #tpu.memory_space<vmem>>, vector<16xf32>,
        %add3A_297 = arith.constant 16 : i32
        %add3A_298 = arith.addi %mul3A_292, %add3A_297 : i32
        %get3A_299 = arith.index_cast %add3A_298 : i32 to index
        %get3A_300 = tpu.vector_load %arg9[%get3A_299] {strides = array<i32>} : memref<4096xi32, #tpu.memory_space<vmem>>, vector<16xi32>,
        %gather3A_301 = tpu.vector_load_idx %arg7[%get3A_300] : memref<100000xf32, #tpu.memory_space<vmem>>[vector<16xi32>], vector<16xf32>,
        %swap3A_302 = arith.index_cast %add3A_298 : i32 to index
        %swap3A_303 = tpu.vector_load %arg11[%swap3A_302] {strides = array<i32>} : memref<4096xf32, #tpu.memory_space<vmem>>, vector<16xf32>,
        tpu.vector_store %arg11[%swap3A_302], %gather3A_301 {strides = array<i32>} : memref<4096xf32, #tpu.memory_space<vmem>>, vector<16xf32>,
        %add3A_304 = arith.constant 32 : i32
        %add3A_305 = arith.addi %mul3A_292, %add3A_304 : i32
        %get3A_306 = arith.index_cast %add3A_305 : i32 to index
        %get3A_307 = tpu.vector_load %arg9[%get3A_306] {strides = array<i32>} : memref<4096xi32, #tpu.memory_space<vmem>>, vector<16xi32>,
        %gather3A_308 = tpu.vector_load_idx %arg7[%get3A_307] : memref<100000xf32, #tpu.memory_space<vmem>>[vector<16xi32>], vector<16xf32>,
        %swap3A_309 = arith.index_cast %add3A_305 : i32 to index
        %swap3A_310 = tpu.vector_load %arg11[%swap3A_309] {strides = array<i32>} : memref<4096xf32, #tpu.memory_space<vmem>>, vector<16xf32>,
        tpu.vector_store %arg11[%swap3A_309], %gather3A_308 {strides = array<i32>} : memref<4096xf32, #tpu.memory_space<vmem>>, vector<16xf32>,
        %add3A_311 = arith.constant 48 : i32
        %add3A_312 = arith.addi %mul3A_292, %add3A_311 : i32
        %get3A_313 = arith.index_cast %add3A_312 : i32 to index
        %get3A_314 = tpu.vector_load %arg9[%get3A_313] {strides = array<i32>} : memref<4096xi32, #tpu.memory_space<vmem>>, vector<16xi32>,
        %gather3A_315 = tpu.vector_load_idx %arg7[%get3A_314] : memref<100000xf32, #tpu.memory_space<vmem>>[vector<16xi32>], vector<16xf32>,
        %swap3A_316 = arith.index_cast %add3A_312 : i32 to index
        %swap3A_317 = tpu.vector_load %arg11[%swap3A_316] {strides = array<i32>} : memref<4096xf32, #tpu.memory_space<vmem>>, vector<16xf32>,
        tpu.vector_store %arg11[%swap3A_316], %gather3A_315 {strides = array<i32>} : memref<4096xf32, #tpu.memory_space<vmem>>, vector<16xf32>,
        %add3A_318 = arith.constant 64 : i32
        %add3A_319 = arith.addi %mul3A_292, %add3A_318 : i32
        %get3A_320 = arith.index_cast %add3A_319 : i32 to index
        %get3A_321 = tpu.vector_load %arg9[%get3A_320] {strides = array<i32>} : memref<4096xi32, #tpu.memory_space<vmem>>, vector<16xi32>,
        %gather3A_322 = tpu.vector_load_idx %arg7[%get3A_321] : memref<100000xf32, #tpu.memory_space<vmem>>[vector<16xi32>], vector<16xf32>,
        %swap3A_323 = arith.index_cast %add3A_319 : i32 to index
        %swap3A_324 = tpu.vector_load %arg11[%swap3A_323] {strides = array<i32>} : memref<4096xf32, #tpu.memory_space<vmem>>, vector<16xf32>,
        tpu.vector_store %arg11[%swap3A_323], %gather3A_322 {strides = array<i32>} : memref<4096xf32, #tpu.memory_space<vmem>>, vector<16xf32>,
        %add3A_325 = arith.constant 80 : i32
        %add3A_326 = arith.addi %mul3A_292, %add3A_325 : i32
        %get3A_327 = arith.index_cast %add3A_326 : i32 to index
        %get3A_328 = tpu.vector_load %arg9[%get3A_327] {strides = array<i32>} : memref<4096xi32, #tpu.memory_space<vmem>>, vector<16xi32>,
        %gather3A_329 = tpu.vector_load_idx %arg7[%get3A_328] : memref<100000xf32, #tpu.memory_space<vmem>>[vector<16xi32>], vector<16xf32>,
        %swap3A_330 = arith.index_cast %add3A_326 : i32 to index
        %swap3A_331 = tpu.vector_load %arg11[%swap3A_330] {strides = array<i32>} : memref<4096xf32, #tpu.memory_space<vmem>>, vector<16xf32>,
        tpu.vector_store %arg11[%swap3A_330], %gather3A_329 {strides = array<i32>} : memref<4096xf32, #tpu.memory_space<vmem>>, vector<16xf32>,
        %add3A_332 = arith.constant 96 : i32
        %add3A_333 = arith.addi %mul3A_292, %add3A_332 : i32
        %get3A_334 = arith.index_cast %add3A_333 : i32 to index
        %get3A_335 = tpu.vector_load %arg9[%get3A_334] {strides = array<i32>} : memref<4096xi32, #tpu.memory_space<vmem>>, vector<16xi32>,
        %gather3A_336 = tpu.vector_load_idx %arg7[%get3A_335] : memref<100000xf32, #tpu.memory_space<vmem>>[vector<16xi32>], vector<16xf32>,
        %swap3A_337 = arith.index_cast %add3A_333 : i32 to index
        %swap3A_338 = tpu.vector_load %arg11[%swap3A_337] {strides = array<i32>} : memref<4096xf32, #tpu.memory_space<vmem>>, vector<16xf32>,
        tpu.vector_store %arg11[%swap3A_337], %gather3A_336 {strides = array<i32>} : memref<4096xf32, #tpu.memory_space<vmem>>, vector<16xf32>,
        %add3A_339 = arith.constant 112 : i32
        %add3A_340 = arith.addi %mul3A_292, %add3A_339 : i32
        %get3A_341 = arith.index_cast %add3A_340 : i32 to index
        %get3A_342 = tpu.vector_load %arg9[%get3A_341] {strides = array<i32>} : memref<4096xi32, #tpu.memory_space<vmem>>, vector<16xi32>,
        %gather3A_343 = tpu.vector_load_idx %arg7[%get3A_342] : memref<100000xf32, #tpu.memory_space<vmem>>[vector<16xi32>], vector<16xf32>,
        %swap3A_344 = arith.index_cast %add3A_340 : i32 to index
        %swap3A_345 = tpu.vector_load %arg11[%swap3A_344] {strides = array<i32>} : memref<4096xf32, #tpu.memory_space<vmem>>, vector<16xf32>,
        tpu.vector_store %arg11[%swap3A_344], %gather3A_343 {strides = array<i32>} : memref<4096xf32, #tpu.memory_space<vmem>>, vector<16xf32>,
        %add3A_346 = arith.constant 128 : i32
        %add3A_347 = arith.addi %mul3A_292, %add3A_346 : i32
        %get3A_348 = arith.index_cast %add3A_347 : i32 to index
        %get3A_349 = tpu.vector_load %arg9[%get3A_348] {strides = array<i32>} : memref<4096xi32, #tpu.memory_space<vmem>>, vector<16xi32>,
        %gather3A_350 = tpu.vector_load_idx %arg7[%get3A_349] : memref<100000xf32, #tpu.memory_space<vmem>>[vector<16xi32>], vector<16xf32>,
        %swap3A_351 = arith.index_cast %add3A_347 : i32 to index
        %swap3A_352 = tpu.vector_load %arg11[%swap3A_351] {strides = array<i32>} : memref<4096xf32, #tpu.memory_space<vmem>>, vector<16xf32>,
        tpu.vector_store %arg11[%swap3A_351], %gather3A_350 {strides = array<i32>} : memref<4096xf32, #tpu.memory_space<vmem>>, vector<16xf32>,
        %add3A_353 = arith.constant 144 : i32
        %add3A_354 = arith.addi %mul3A_292, %add3A_353 : i32
        %get3A_355 = arith.index_cast %add3A_354 : i32 to index
        %get3A_356 = tpu.vector_load %arg9[%get3A_355] {strides = array<i32>} : memref<4096xi32, #tpu.memory_space<vmem>>, vector<16xi32>,
        %gather3A_357 = tpu.vector_load_idx %arg7[%get3A_356] : memref<100000xf32, #tpu.memory_space<vmem>>[vector<16xi32>], vector<16xf32>,
        %swap3A_358 = arith.index_cast %add3A_354 : i32 to index
        %swap3A_359 = tpu.vector_load %arg11[%swap3A_358] {strides = array<i32>} : memref<4096xf32, #tpu.memory_space<vmem>>, vector<16xf32>,
        tpu.vector_store %arg11[%swap3A_358], %gather3A_357 {strides = array<i32>} : memref<4096xf32, #tpu.memory_space<vmem>>, vector<16xf32>,
        %add3A_360 = arith.constant 160 : i32
        %add3A_361 = arith.addi %mul3A_292, %add3A_360 : i32
        %get3A_362 = arith.index_cast %add3A_361 : i32 to index
        %get3A_363 = tpu.vector_load %arg9[%get3A_362] {strides = array<i32>} : memref<4096xi32, #tpu.memory_space<vmem>>, vector<16xi32>,
        %gather3A_364 = tpu.vector_load_idx %arg7[%get3A_363] : memref<100000xf32, #tpu.memory_space<vmem>>[vector<16xi32>], vector<16xf32>,
        %swap3A_365 = arith.index_cast %add3A_361 : i32 to index
        %swap3A_366 = tpu.vector_load %arg11[%swap3A_365] {strides = array<i32>} : memref<4096xf32, #tpu.memory_space<vmem>>, vector<16xf32>,
        tpu.vector_store %arg11[%swap3A_365], %gather3A_364 {strides = array<i32>} : memref<4096xf32, #tpu.memory_space<vmem>>, vector<16xf32>,
        %add3A_367 = arith.constant 176 : i32
        %add3A_368 = arith.addi %mul3A_292, %add3A_367 : i32
        %get3A_369 = arith.index_cast %add3A_368 : i32 to index
        %get3A_370 = tpu.vector_load %arg9[%get3A_369] {strides = array<i32>} : memref<4096xi32, #tpu.memory_space<vmem>>, vector<16xi32>,
        %gather3A_371 = tpu.vector_load_idx %arg7[%get3A_370] : memref<100000xf32, #tpu.memory_space<vmem>>[vector<16xi32>], vector<16xf32>,
        %swap3A_372 = arith.index_cast %add3A_368 : i32 to index
        %swap3A_373 = tpu.vector_load %arg11[%swap3A_372] {strides = array<i32>} : memref<4096xf32, #tpu.memory_space<vmem>>, vector<16xf32>,
        tpu.vector_store %arg11[%swap3A_372], %gather3A_371 {strides = array<i32>} : memref<4096xf32, #tpu.memory_space<vmem>>, vector<16xf32>,
        %add3A_374 = arith.constant 192 : i32
        %add3A_375 = arith.addi %mul3A_292, %add3A_374 : i32
        %get3A_376 = arith.index_cast %add3A_375 : i32 to index
        %get3A_377 = tpu.vector_load %arg9[%get3A_376] {strides = array<i32>} : memref<4096xi32, #tpu.memory_space<vmem>>, vector<16xi32>,
        %gather3A_378 = tpu.vector_load_idx %arg7[%get3A_377] : memref<100000xf32, #tpu.memory_space<vmem>>[vector<16xi32>], vector<16xf32>,
        %swap3A_379 = arith.index_cast %add3A_375 : i32 to index
        %swap3A_380 = tpu.vector_load %arg11[%swap3A_379] {strides = array<i32>} : memref<4096xf32, #tpu.memory_space<vmem>>, vector<16xf32>,
        tpu.vector_store %arg11[%swap3A_379], %gather3A_378 {strides = array<i32>} : memref<4096xf32, #tpu.memory_space<vmem>>, vector<16xf32>,
        %add3A_381 = arith.constant 208 : i32
        %add3A_382 = arith.addi %mul3A_292, %add3A_381 : i32
        %get3A_383 = arith.index_cast %add3A_382 : i32 to index
        %get3A_384 = tpu.vector_load %arg9[%get3A_383] {strides = array<i32>} : memref<4096xi32, #tpu.memory_space<vmem>>, vector<16xi32>,
        %gather3A_385 = tpu.vector_load_idx %arg7[%get3A_384] : memref<100000xf32, #tpu.memory_space<vmem>>[vector<16xi32>], vector<16xf32>,
        %swap3A_386 = arith.index_cast %add3A_382 : i32 to index
        %swap3A_387 = tpu.vector_load %arg11[%swap3A_386] {strides = array<i32>} : memref<4096xf32, #tpu.memory_space<vmem>>, vector<16xf32>,
        tpu.vector_store %arg11[%swap3A_386], %gather3A_385 {strides = array<i32>} : memref<4096xf32, #tpu.memory_space<vmem>>, vector<16xf32>,
        %add3A_388 = arith.constant 224 : i32
        %add3A_389 = arith.addi %mul3A_292, %add3A_388 : i32
        %get3A_390 = arith.index_cast %add3A_389 : i32 to index
        %get3A_391 = tpu.vector_load %arg9[%get3A_390] {strides = array<i32>} : memref<4096xi32, #tpu.memory_space<vmem>>, vector<16xi32>,
        %gather3A_392 = tpu.vector_load_idx %arg7[%get3A_391] : memref<100000xf32, #tpu.memory_space<vmem>>[vector<16xi32>], vector<16xf32>,
        %swap3A_393 = arith.index_cast %add3A_389 : i32 to index
        %swap3A_394 = tpu.vector_load %arg11[%swap3A_393] {strides = array<i32>} : memref<4096xf32, #tpu.memory_space<vmem>>, vector<16xf32>,
        tpu.vector_store %arg11[%swap3A_393], %gather3A_392 {strides = array<i32>} : memref<4096xf32, #tpu.memory_space<vmem>>, vector<16xf32>,
        %add3A_395 = arith.constant 240 : i32
        %add3A_396 = arith.addi %mul3A_292, %add3A_395 : i32
        %get3A_397 = arith.index_cast %add3A_396 : i32 to index
        %get3A_398 = tpu.vector_load %arg9[%get3A_397] {strides = array<i32>} : memref<4096xi32, #tpu.memory_space<vmem>>, vector<16xi32>,
        %gather3A_399 = tpu.vector_load_idx %arg7[%get3A_398] : memref<100000xf32, #tpu.memory_space<vmem>>[vector<16xi32>], vector<16xf32>,
        %swap3A_400 = arith.index_cast %add3A_396 : i32 to index
        %swap3A_401 = tpu.vector_load %arg11[%swap3A_400] {strides = array<i32>} : memref<4096xf32, #tpu.memory_space<vmem>>, vector<16xf32>,
        tpu.vector_store %arg11[%swap3A_400], %gather3A_399 {strides = array<i32>} : memref<4096xf32, #tpu.memory_space<vmem>>, vector<16xf32>,
        %scan3A_402 = arith.constant 0 : i32
        scf.yield %scan3A_402 : i32
      }
      %scan3A_269 = arith.constant 16 : i32
      %dma_start3A_270 = arith.constant 12288 : i32
      %dma_start3A_271 = tpu.memref_slice %arg6[%add3A_13, %dma_start3A_270] : memref<256x16384xf32, #tpu.memory_space<hbm>> -> memref<1x4096xf32, #tpu.memory_space<hbm>>
      %dma_start3A_272 = tpu.memref_squeeze %dma_start3A_271 : memref<1x4096xf32, #tpu.memory_space<hbm>> -> memref<4096xf32, #tpu.memory_space<hbm>>
      %dma_start3A_273 = arith.constant 12288 : i32
      %dma_start3A_274 = tpu.memref_slice %arg6[%add3A_13, %dma_start3A_273] : memref<256x16384xf32, #tpu.memory_space<hbm>> -> memref<1x4096xf32, #tpu.memory_space<hbm>>
      %dma_start3A_275 = tpu.memref_squeeze %dma_start3A_274 : memref<1x4096xf32, #tpu.memory_space<hbm>> -> memref<4096xf32, #tpu.memory_space<hbm>>
      tpu.enqueue_dma source(%arg11 : memref<4096xf32, #tpu.memory_space<vmem>>) target(%dma_start3A_275 : memref<4096xf32, #tpu.memory_space<hbm>>) target_semaphore(%arg17 : memref<!tpu.dma_semaphore, #tpu.memory_space<semaphore_mem>>)
      %dma_wait3A_276 = arith.constant 8192 : i32
      %dma_wait3A_277 = tpu.memref_slice %arg6[%add3A_13, %dma_wait3A_276] : memref<256x16384xf32, #tpu.memory_space<hbm>> -> memref<1x4096xf32, #tpu.memory_space<hbm>>
      %dma_wait3A_278 = tpu.memref_squeeze %dma_wait3A_277 : memref<1x4096xf32, #tpu.memory_space<hbm>> -> memref<4096xf32, #tpu.memory_space<hbm>>
      %dma_wait3A_279 = arith.constant 8192 : i32
      %dma_wait3A_280 = tpu.memref_slice %arg6[%add3A_13, %dma_wait3A_279] : memref<256x16384xf32, #tpu.memory_space<hbm>> -> memref<1x4096xf32, #tpu.memory_space<hbm>>
      %dma_wait3A_281 = tpu.memref_squeeze %dma_wait3A_280 : memref<1x4096xf32, #tpu.memory_space<hbm>> -> memref<4096xf32, #tpu.memory_space<hbm>>
      tpu.wait_dma2 semaphore(%arg16 : memref<!tpu.dma_semaphore, #tpu.memory_space<semaphore_mem>>) src(%arg10 : memref<4096xf32, #tpu.memory_space<vmem>>) dst(%dma_wait3A_281 : memref<4096xf32, #tpu.memory_space<hbm>>)
      %dma_wait3A_282 = arith.constant 12288 : i32
      %dma_wait3A_283 = tpu.memref_slice %arg6[%add3A_13, %dma_wait3A_282] : memref<256x16384xf32, #tpu.memory_space<hbm>> -> memref<1x4096xf32, #tpu.memory_space<hbm>>
      %dma_wait3A_284 = tpu.memref_squeeze %dma_wait3A_283 : memref<1x4096xf32, #tpu.memory_space<hbm>> -> memref<4096xf32, #tpu.memory_space<hbm>>
      %dma_wait3A_285 = arith.constant 12288 : i32
      %dma_wait3A_286 = tpu.memref_slice %arg6[%add3A_13, %dma_wait3A_285] : memref<256x16384xf32, #tpu.memory_space<hbm>> -> memref<1x4096xf32, #tpu.memory_space<hbm>>
      %dma_wait3A_287 = tpu.memref_squeeze %dma_wait3A_286 : memref<1x4096xf32, #tpu.memory_space<hbm>> -> memref<4096xf32, #tpu.memory_space<hbm>>
      tpu.wait_dma2 semaphore(%arg17 : memref<!tpu.dma_semaphore, #tpu.memory_space<semaphore_mem>>) src(%arg11 : memref<4096xf32, #tpu.memory_space<vmem>>) dst(%dma_wait3A_287 : memref<4096xf32, #tpu.memory_space<hbm>>)
      %scan3A_288 = arith.constant 0 : i32
      scf.yield %scan3A_288 : i32
    }
    %scan3A_10 = arith.constant 8 : i32
    return
  }
}

module attributes {stable_mosaic.version = 14 : i64} {
  func.func @_pba_body(%arg0: i32, %arg1: memref<4x2x32x2048xf32, #tpu.memory_space<vmem>>, %arg2: memref<4x2x32x2048xf32, #tpu.memory_space<vmem>>, %arg3: memref<4x1xf32, #tpu.memory_space<vmem>>, %arg4: memref<1x1x2048xf32, #tpu.memory_space<vmem>>) attributes {dimension_semantics = [#tpu.dimension_semantics<arbitrary>], iteration_bounds = array<i64: 8>, scalar_prefetch = 0 : i64, scratch_operands = 0 : i64, tpu.core_type = #tpu.core_type<tc>, window_params = [{transform_indices = @transform_0, window_bounds = array<i64: 4, 2, 32, 2048>}, {transform_indices = @transform_1, window_bounds = array<i64: 4, 2, 32, 2048>}, {pipeline_mode = #tpu.pipeline_mode<synchronous>, transform_indices = @transform_2, window_bounds = array<i64: 4, 1>}, {transform_indices = @transform_3, window_bounds = array<i64: 1, 1, 2048>}]} {
    %get3A = arith.constant 0 : index
    %get3A_0 = arith.constant 0 : index
    %get3A_1 = arith.constant 0 : index
    %get3A_2 = arith.constant 0 : index
    %get3A_3 = vector.load %arg1[%get3A, %get3A_0, %get3A_1, %get3A_2] : memref<4x2x32x2048xf32, #tpu.memory_space<vmem>>, vector<4x2x32x2048xf32>
    %get3A_4 = arith.constant 0 : index
    %get3A_5 = arith.constant 0 : index
    %get3A_6 = arith.constant 0 : index
    %get3A_7 = arith.constant 0 : index
    %get3A_8 = vector.load %arg2[%get3A_4, %get3A_5, %get3A_6, %get3A_7] : memref<4x2x32x2048xf32, #tpu.memory_space<vmem>>, vector<4x2x32x2048xf32>
    %slice3A = vector.extract_strided_slice %get3A_3 {offsets = [0, 0, 0, 0], sizes = [4, 1, 32, 2048], strides = [1, 1, 1, 1]} : vector<4x2x32x2048xf32> to vector<4x1x32x2048xf32>
    %squeeze3A = vector.shape_cast %slice3A : vector<4x1x32x2048xf32> to vector<4x32x2048xf32>
    %slice3A_9 = vector.extract_strided_slice %get3A_8 {offsets = [0, 0, 0, 0], sizes = [4, 1, 32, 2048], strides = [1, 1, 1, 1]} : vector<4x2x32x2048xf32> to vector<4x1x32x2048xf32>
    %squeeze3A_10 = vector.shape_cast %slice3A_9 : vector<4x1x32x2048xf32> to vector<4x32x2048xf32>
    %max3A = arith.maximumf %squeeze3A, %squeeze3A_10 : vector<4x32x2048xf32>
    %slice3A_11 = vector.extract_strided_slice %get3A_3 {offsets = [0, 1, 0, 0], sizes = [4, 1, 32, 2048], strides = [1, 1, 1, 1]} : vector<4x2x32x2048xf32> to vector<4x1x32x2048xf32>
    %squeeze3A_12 = vector.shape_cast %slice3A_11 : vector<4x1x32x2048xf32> to vector<4x32x2048xf32>
    %slice3A_13 = vector.extract_strided_slice %get3A_8 {offsets = [0, 1, 0, 0], sizes = [4, 1, 32, 2048], strides = [1, 1, 1, 1]} : vector<4x2x32x2048xf32> to vector<4x1x32x2048xf32>
    %squeeze3A_14 = vector.shape_cast %slice3A_13 : vector<4x1x32x2048xf32> to vector<4x32x2048xf32>
    %min3A = arith.minimumf %squeeze3A_12, %squeeze3A_14 : vector<4x32x2048xf32>
    %sub3A = arith.subf %min3A, %max3A : vector<4x32x2048xf32>
    %max3A_15 = arith.constant 0.000000e+00 : f32
    %max3A_16 = vector.broadcast %max3A_15 : f32 to vector<4x32x2048xf32>
    %max3A_17 = arith.maximumf %sub3A, %max3A_16 : vector<4x32x2048xf32>
    %slice3A_18 = vector.extract_strided_slice %max3A_17 {offsets = [0, 0, 0], sizes = [4, 16, 2048], strides = [1, 1, 1]} : vector<4x32x2048xf32> to vector<4x16x2048xf32>
    %slice3A_19 = vector.extract_strided_slice %max3A_17 {offsets = [0, 16, 0], sizes = [4, 16, 2048], strides = [1, 1, 1]} : vector<4x32x2048xf32> to vector<4x16x2048xf32>
    %mul3A = arith.mulf %slice3A_18, %slice3A_19 : vector<4x16x2048xf32>
    %slice3A_20 = vector.extract_strided_slice %mul3A {offsets = [0, 0, 0], sizes = [4, 8, 2048], strides = [1, 1, 1]} : vector<4x16x2048xf32> to vector<4x8x2048xf32>
    %slice3A_21 = vector.extract_strided_slice %mul3A {offsets = [0, 8, 0], sizes = [4, 8, 2048], strides = [1, 1, 1]} : vector<4x16x2048xf32> to vector<4x8x2048xf32>
    %mul3A_22 = arith.mulf %slice3A_20, %slice3A_21 : vector<4x8x2048xf32>
    %slice3A_23 = vector.extract_strided_slice %mul3A_22 {offsets = [0, 0, 0], sizes = [4, 4, 2048], strides = [1, 1, 1]} : vector<4x8x2048xf32> to vector<4x4x2048xf32>
    %slice3A_24 = vector.extract_strided_slice %mul3A_22 {offsets = [0, 4, 0], sizes = [4, 4, 2048], strides = [1, 1, 1]} : vector<4x8x2048xf32> to vector<4x4x2048xf32>
    %mul3A_25 = arith.mulf %slice3A_23, %slice3A_24 : vector<4x4x2048xf32>
    %slice3A_26 = vector.extract_strided_slice %mul3A_25 {offsets = [0, 0, 0], sizes = [4, 2, 2048], strides = [1, 1, 1]} : vector<4x4x2048xf32> to vector<4x2x2048xf32>
    %slice3A_27 = vector.extract_strided_slice %mul3A_25 {offsets = [0, 2, 0], sizes = [4, 2, 2048], strides = [1, 1, 1]} : vector<4x4x2048xf32> to vector<4x2x2048xf32>
    %mul3A_28 = arith.mulf %slice3A_26, %slice3A_27 : vector<4x2x2048xf32>
    %slice3A_29 = vector.extract_strided_slice %mul3A_28 {offsets = [0, 0, 0], sizes = [4, 1, 2048], strides = [1, 1, 1]} : vector<4x2x2048xf32> to vector<4x1x2048xf32>
    %slice3A_30 = vector.extract_strided_slice %mul3A_28 {offsets = [0, 1, 0], sizes = [4, 1, 2048], strides = [1, 1, 1]} : vector<4x2x2048xf32> to vector<4x1x2048xf32>
    %mul3A_31 = arith.mulf %slice3A_29, %slice3A_30 : vector<4x1x2048xf32>
    %squeeze3A_32 = vector.shape_cast %mul3A_31 : vector<4x1x2048xf32> to vector<4x2048xf32>
    %slice3A_33 = vector.extract_strided_slice %get3A_3 {offsets = [0, 1, 0, 0], sizes = [4, 1, 32, 2048], strides = [1, 1, 1, 1]} : vector<4x2x32x2048xf32> to vector<4x1x32x2048xf32>
    %squeeze3A_34 = vector.shape_cast %slice3A_33 : vector<4x1x32x2048xf32> to vector<4x32x2048xf32>
    %slice3A_35 = vector.extract_strided_slice %get3A_3 {offsets = [0, 0, 0, 0], sizes = [4, 1, 32, 2048], strides = [1, 1, 1, 1]} : vector<4x2x32x2048xf32> to vector<4x1x32x2048xf32>
    %squeeze3A_36 = vector.shape_cast %slice3A_35 : vector<4x1x32x2048xf32> to vector<4x32x2048xf32>
    %sub3A_37 = arith.subf %squeeze3A_34, %squeeze3A_36 : vector<4x32x2048xf32>
    %max3A_38 = arith.constant 0.000000e+00 : f32
    %max3A_39 = vector.broadcast %max3A_38 : f32 to vector<4x32x2048xf32>
    %max3A_40 = arith.maximumf %sub3A_37, %max3A_39 : vector<4x32x2048xf32>
    %slice3A_41 = vector.extract_strided_slice %max3A_40 {offsets = [0, 0, 0], sizes = [4, 16, 2048], strides = [1, 1, 1]} : vector<4x32x2048xf32> to vector<4x16x2048xf32>
    %slice3A_42 = vector.extract_strided_slice %max3A_40 {offsets = [0, 16, 0], sizes = [4, 16, 2048], strides = [1, 1, 1]} : vector<4x32x2048xf32> to vector<4x16x2048xf32>
    %mul3A_43 = arith.mulf %slice3A_41, %slice3A_42 : vector<4x16x2048xf32>
    %slice3A_44 = vector.extract_strided_slice %mul3A_43 {offsets = [0, 0, 0], sizes = [4, 8, 2048], strides = [1, 1, 1]} : vector<4x16x2048xf32> to vector<4x8x2048xf32>
    %slice3A_45 = vector.extract_strided_slice %mul3A_43 {offsets = [0, 8, 0], sizes = [4, 8, 2048], strides = [1, 1, 1]} : vector<4x16x2048xf32> to vector<4x8x2048xf32>
    %mul3A_46 = arith.mulf %slice3A_44, %slice3A_45 : vector<4x8x2048xf32>
    %slice3A_47 = vector.extract_strided_slice %mul3A_46 {offsets = [0, 0, 0], sizes = [4, 4, 2048], strides = [1, 1, 1]} : vector<4x8x2048xf32> to vector<4x4x2048xf32>
    %slice3A_48 = vector.extract_strided_slice %mul3A_46 {offsets = [0, 4, 0], sizes = [4, 4, 2048], strides = [1, 1, 1]} : vector<4x8x2048xf32> to vector<4x4x2048xf32>
    %mul3A_49 = arith.mulf %slice3A_47, %slice3A_48 : vector<4x4x2048xf32>
    %slice3A_50 = vector.extract_strided_slice %mul3A_49 {offsets = [0, 0, 0], sizes = [4, 2, 2048], strides = [1, 1, 1]} : vector<4x4x2048xf32> to vector<4x2x2048xf32>
    %slice3A_51 = vector.extract_strided_slice %mul3A_49 {offsets = [0, 2, 0], sizes = [4, 2, 2048], strides = [1, 1, 1]} : vector<4x4x2048xf32> to vector<4x2x2048xf32>
    %mul3A_52 = arith.mulf %slice3A_50, %slice3A_51 : vector<4x2x2048xf32>
    %slice3A_53 = vector.extract_strided_slice %mul3A_52 {offsets = [0, 0, 0], sizes = [4, 1, 2048], strides = [1, 1, 1]} : vector<4x2x2048xf32> to vector<4x1x2048xf32>
    %slice3A_54 = vector.extract_strided_slice %mul3A_52 {offsets = [0, 1, 0], sizes = [4, 1, 2048], strides = [1, 1, 1]} : vector<4x2x2048xf32> to vector<4x1x2048xf32>
    %mul3A_55 = arith.mulf %slice3A_53, %slice3A_54 : vector<4x1x2048xf32>
    %squeeze3A_56 = vector.shape_cast %mul3A_55 : vector<4x1x2048xf32> to vector<4x2048xf32>
    %add3A = arith.constant 9.99999935E-39 : f32
    %add3A_57 = vector.broadcast %add3A : f32 to vector<4x2048xf32>
    %add3A_58 = arith.addf %squeeze3A_56, %add3A_57 : vector<4x2048xf32>
    %div3A = arith.divf %squeeze3A_32, %add3A_58 : vector<4x2048xf32>
    %get3A_59 = arith.constant 0 : index
    %get3A_60 = arith.constant 0 : index
    %get3A_61 = vector.load %arg3[%get3A_59, %get3A_60] : memref<4x1xf32, #tpu.memory_space<vmem>>, vector<4x1xf32>
    %mul3A_62 = vector.broadcast %get3A_61 : vector<4x1xf32> to vector<4x2048xf32>
    %mul3A_63 = arith.mulf %div3A, %mul3A_62 : vector<4x2048xf32>
    %reduce_sum3A = arith.constant dense<0.000000e+00> : vector<2048xf32>
    %reduce_sum3A_64 = vector.multi_reduction <add>, %mul3A_63, %reduce_sum3A [0] : vector<4x2048xf32> to vector<2048xf32>
    %reshape3A = vector.shape_cast %reduce_sum3A_64 : vector<2048xf32> to vector<1x1x2048xf32>
    %swap3A = arith.constant 0 : index
    %swap3A_65 = arith.constant 0 : index
    %swap3A_66 = arith.constant 0 : index
    %swap3A_67 = vector.load %arg4[%swap3A, %swap3A_65, %swap3A_66] : memref<1x1x2048xf32, #tpu.memory_space<vmem>>, vector<1x1x2048xf32>
    tpu.vector_store %arg4[%swap3A, %swap3A_65, %swap3A_66], %reshape3A {strides = array<i32>} : memref<1x1x2048xf32, #tpu.memory_space<vmem>>, vector<1x1x2048xf32>,
    return
  }
  func.func @transform_0(%arg0: i32) -> (i32, i32, i32, i32) {
    %c0_i32 = arith.constant 0 : i32
    %c0_i32_0 = arith.constant 0 : i32
    %c0_i32_1 = arith.constant 0 : i32
    %c0_i32_2 = arith.constant 0 : i32
    return %c0_i32, %c0_i32_0, %c0_i32_1, %arg0 : i32, i32, i32, i32
  }
  func.func @transform_1(%arg0: i32) -> (i32, i32, i32, i32) {
    %c0_i32 = arith.constant 0 : i32
    %c0_i32_0 = arith.constant 0 : i32
    %c0_i32_1 = arith.constant 0 : i32
    %c0_i32_2 = arith.constant 0 : i32
    return %c0_i32, %c0_i32_0, %c0_i32_1, %arg0 : i32, i32, i32, i32
  }
  func.func @transform_2(%arg0: i32) -> (i32, i32) {
    %c0_i32 = arith.constant 0 : i32
    %c0_i32_0 = arith.constant 0 : i32
    %c0_i32_1 = arith.constant 0 : i32
    return %c0_i32, %c0_i32_0 : i32, i32
  }
  func.func @transform_3(%arg0: i32) -> (i32, i32, i32) {
    %c0_i32 = arith.constant 0 : i32
    %c0_i32_0 = arith.constant 0 : i32
    %c0_i32_1 = arith.constant 0 : i32
    return %arg0, %c0_i32, %c0_i32_0 : i32, i32, i32
  }
}

module attributes {stable_mosaic.version = 14 : i64} {
  func.func @_unary_body(%arg0: i32, %arg1: memref<4x2x32x1024xf32, #tpu.memory_space<vmem>>, %arg2: memref<4x1xf32, #tpu.memory_space<vmem>>, %arg3: memref<1x1x1024xf32, #tpu.memory_space<vmem>>, %arg4: memref<4x2x32x1024xf32, #tpu.memory_space<vmem>>) attributes {dimension_semantics = [#tpu.dimension_semantics<arbitrary>], iteration_bounds = array<i64: 98>, scalar_prefetch = 0 : i64, scratch_operands = 0 : i64, tpu.core_type = #tpu.core_type<tc>, window_params = [{transform_indices = @transform_0, window_bounds = array<i64: 4, 2, 32, 1024>}, {pipeline_mode = #tpu.pipeline_mode<synchronous>, transform_indices = @transform_1, window_bounds = array<i64: 4, 1>}, {transform_indices = @transform_2, window_bounds = array<i64: 1, 1, 1024>}, {transform_indices = @transform_3, window_bounds = array<i64: 4, 2, 32, 1024>}]} {
    %get3A = arith.constant 0 : index
    %get3A_0 = arith.constant 0 : index
    %get3A_1 = arith.constant 0 : index
    %get3A_2 = arith.constant 0 : index
    %get3A_3 = vector.load %arg1[%get3A, %get3A_0, %get3A_1, %get3A_2] : memref<4x2x32x1024xf32, #tpu.memory_space<vmem>>, vector<4x2x32x1024xf32>
    %swap3A = arith.constant 0 : index
    %swap3A_4 = arith.constant 0 : index
    %swap3A_5 = arith.constant 0 : index
    %swap3A_6 = arith.constant 0 : index
    %swap3A_7 = vector.load %arg4[%swap3A, %swap3A_4, %swap3A_5, %swap3A_6] : memref<4x2x32x1024xf32, #tpu.memory_space<vmem>>, vector<4x2x32x1024xf32>
    tpu.vector_store %arg4[%swap3A, %swap3A_4, %swap3A_5, %swap3A_6], %get3A_3 {strides = array<i32>} : memref<4x2x32x1024xf32, #tpu.memory_space<vmem>>, vector<4x2x32x1024xf32>,
    %slice3A = vector.extract_strided_slice %get3A_3 {offsets = [0, 1, 0, 0], sizes = [4, 1, 32, 1024], strides = [1, 1, 1, 1]} : vector<4x2x32x1024xf32> to vector<4x1x32x1024xf32>
    %squeeze3A = vector.shape_cast %slice3A : vector<4x1x32x1024xf32> to vector<4x32x1024xf32>
    %slice3A_8 = vector.extract_strided_slice %get3A_3 {offsets = [0, 0, 0, 0], sizes = [4, 1, 32, 1024], strides = [1, 1, 1, 1]} : vector<4x2x32x1024xf32> to vector<4x1x32x1024xf32>
    %squeeze3A_9 = vector.shape_cast %slice3A_8 : vector<4x1x32x1024xf32> to vector<4x32x1024xf32>
    %sub3A = arith.subf %squeeze3A, %squeeze3A_9 : vector<4x32x1024xf32>
    %max3A = arith.constant 0.000000e+00 : f32
    %max3A_10 = vector.broadcast %max3A : f32 to vector<4x32x1024xf32>
    %max3A_11 = arith.maximumf %sub3A, %max3A_10 : vector<4x32x1024xf32>
    %slice3A_12 = vector.extract_strided_slice %max3A_11 {offsets = [0, 0, 0], sizes = [4, 16, 1024], strides = [1, 1, 1]} : vector<4x32x1024xf32> to vector<4x16x1024xf32>
    %slice3A_13 = vector.extract_strided_slice %max3A_11 {offsets = [0, 16, 0], sizes = [4, 16, 1024], strides = [1, 1, 1]} : vector<4x32x1024xf32> to vector<4x16x1024xf32>
    %mul3A = arith.mulf %slice3A_12, %slice3A_13 : vector<4x16x1024xf32>
    %slice3A_14 = vector.extract_strided_slice %mul3A {offsets = [0, 0, 0], sizes = [4, 8, 1024], strides = [1, 1, 1]} : vector<4x16x1024xf32> to vector<4x8x1024xf32>
    %slice3A_15 = vector.extract_strided_slice %mul3A {offsets = [0, 8, 0], sizes = [4, 8, 1024], strides = [1, 1, 1]} : vector<4x16x1024xf32> to vector<4x8x1024xf32>
    %mul3A_16 = arith.mulf %slice3A_14, %slice3A_15 : vector<4x8x1024xf32>
    %slice3A_17 = vector.extract_strided_slice %mul3A_16 {offsets = [0, 0, 0], sizes = [4, 4, 1024], strides = [1, 1, 1]} : vector<4x8x1024xf32> to vector<4x4x1024xf32>
    %slice3A_18 = vector.extract_strided_slice %mul3A_16 {offsets = [0, 4, 0], sizes = [4, 4, 1024], strides = [1, 1, 1]} : vector<4x8x1024xf32> to vector<4x4x1024xf32>
    %mul3A_19 = arith.mulf %slice3A_17, %slice3A_18 : vector<4x4x1024xf32>
    %slice3A_20 = vector.extract_strided_slice %mul3A_19 {offsets = [0, 0, 0], sizes = [4, 2, 1024], strides = [1, 1, 1]} : vector<4x4x1024xf32> to vector<4x2x1024xf32>
    %slice3A_21 = vector.extract_strided_slice %mul3A_19 {offsets = [0, 2, 0], sizes = [4, 2, 1024], strides = [1, 1, 1]} : vector<4x4x1024xf32> to vector<4x2x1024xf32>
    %mul3A_22 = arith.mulf %slice3A_20, %slice3A_21 : vector<4x2x1024xf32>
    %slice3A_23 = vector.extract_strided_slice %mul3A_22 {offsets = [0, 0, 0], sizes = [4, 1, 1024], strides = [1, 1, 1]} : vector<4x2x1024xf32> to vector<4x1x1024xf32>
    %slice3A_24 = vector.extract_strided_slice %mul3A_22 {offsets = [0, 1, 0], sizes = [4, 1, 1024], strides = [1, 1, 1]} : vector<4x2x1024xf32> to vector<4x1x1024xf32>
    %mul3A_25 = arith.mulf %slice3A_23, %slice3A_24 : vector<4x1x1024xf32>
    %squeeze3A_26 = vector.shape_cast %mul3A_25 : vector<4x1x1024xf32> to vector<4x1024xf32>
    %get3A_27 = arith.constant 0 : index
    %get3A_28 = arith.constant 0 : index
    %get3A_29 = vector.load %arg2[%get3A_27, %get3A_28] : memref<4x1xf32, #tpu.memory_space<vmem>>, vector<4x1xf32>
    %mul3A_30 = vector.broadcast %get3A_29 : vector<4x1xf32> to vector<4x1024xf32>
    %mul3A_31 = arith.mulf %squeeze3A_26, %mul3A_30 : vector<4x1024xf32>
    %reduce_sum3A = arith.constant dense<0.000000e+00> : vector<1024xf32>
    %reduce_sum3A_32 = vector.multi_reduction <add>, %mul3A_31, %reduce_sum3A [0] : vector<4x1024xf32> to vector<1024xf32>
    %reshape3A = vector.shape_cast %reduce_sum3A_32 : vector<1024xf32> to vector<1x1x1024xf32>
    %swap3A_33 = arith.constant 0 : index
    %swap3A_34 = arith.constant 0 : index
    %swap3A_35 = arith.constant 0 : index
    %swap3A_36 = vector.load %arg3[%swap3A_33, %swap3A_34, %swap3A_35] : memref<1x1x1024xf32, #tpu.memory_space<vmem>>, vector<1x1x1024xf32>
    tpu.vector_store %arg3[%swap3A_33, %swap3A_34, %swap3A_35], %reshape3A {strides = array<i32>} : memref<1x1x1024xf32, #tpu.memory_space<vmem>>, vector<1x1x1024xf32>,
    return
  }
  func.func @transform_0(%arg0: i32) -> (i32, i32, i32, i32) {
    %c0_i32 = arith.constant 0 : i32
    %c0_i32_0 = arith.constant 0 : i32
    %c0_i32_1 = arith.constant 0 : i32
    %c0_i32_2 = arith.constant 0 : i32
    return %c0_i32, %c0_i32_0, %c0_i32_1, %arg0 : i32, i32, i32, i32
  }
  func.func @transform_1(%arg0: i32) -> (i32, i32) {
    %c0_i32 = arith.constant 0 : i32
    %c0_i32_0 = arith.constant 0 : i32
    %c0_i32_1 = arith.constant 0 : i32
    return %c0_i32, %c0_i32_0 : i32, i32
  }
  func.func @transform_2(%arg0: i32) -> (i32, i32, i32) {
    %c0_i32 = arith.constant 0 : i32
    %c0_i32_0 = arith.constant 0 : i32
    %c0_i32_1 = arith.constant 0 : i32
    return %arg0, %c0_i32, %c0_i32_0 : i32, i32, i32
  }
  func.func @transform_3(%arg0: i32) -> (i32, i32, i32, i32) {
    %c0_i32 = arith.constant 0 : i32
    %c0_i32_0 = arith.constant 0 : i32
    %c0_i32_1 = arith.constant 0 : i32
    %c0_i32_2 = arith.constant 0 : i32
    return %c0_i32, %c0_i32_0, %c0_i32_1, %arg0 : i32, i32, i32, i32
  }
}

</mosaic_0001>

<sc_bundles>
// kernel: kernel.5.cloned.1.call-start
scs
__scs_entry_jumppad:
0x0: {  	(pc) =	sbr.rel $0x88, $3  }
0x1: {  	(tag) =	ssettag $0x0;
	lr =	simm.s32 $0x1  }
0x2: {  	[smem:$0x3F9E] =	sst lr;
	_ =	strace $0xD0000000  }
0x3: {  	_ = 	snop  }
0x4: {  	_ = 	snop  }
0x5: {  	_ = 	snop  }
0x6: {  	_ = 	snop  }
0x7: {  	_ = 	snop  }
__scs_overlays_trampoline_lowered:
0x8: {  	[smem:$0x3FAD] =	sst s0  }
0x9: {  	[smem:$0x3FAE] =	sst s1  }
0xa: {  	[smem:$0x3FAF] =	sst s2  }
0xb: {  	[smem:$0x3FB0] =	sst s3  }
0xc: {  	[smem:$0x3FB1] =	sst s4  }
0xd: {  	[smem:$0x3FB2] =	sst s5  }
0xe: {  	[smem:$0x3FB3] =	sst s6  }
0xf: {  	[smem:$0x3FB4] =	sst s7  }
0x10: {  	[smem:$0x3FB5] =	sst s8  }
0x11: {  	[smem:$0x3FB6] =	sst s9;
	s0 =	simm.s32 @!p0 $0x0  }
0x12: {  	s1 =	sld [smem:$0x3F9C];
	s0 =	simm.s32 @p0 $0x1  }
0x13: {  	[smem:$0x3FB7] =	sst s0;
	s0 =	simm.s32 @!p1 $0x0  }
0x14: {  	s2 =	sld [smem:$0x3F9B];
	s0 =	simm.s32 @p1 $0x1  }
0x15: {  	[smem:$0x3FB8] =	sst s0;
	s0 =	simm.s32 @!p2 $0x0  }
0x16: {  	s3 =	sld [smem:$0x3FDB];
	s0 =	simm.s32 @p2 $0x1  }
0x17: {  	s4 =	simm.s32 $0x1BF5;
	[smem:$0x3FBA] =	sst s0  }
0x18: {  	s0 =	sld [smem:$0x3F9D];
	_ =	swait.ge [sflag:s4], $0x0  }
0x19: {  	s7 =	sld [smem:$0x3F9E]  }
0x1a: {  	s8 =	sadd.s32 $0xFFFFE003, lr  }
0x1b: {  	s9 =	sadd.s32 $0xFFFFFEF7, lr;
	s5 =	simm.s32 $0xFFFFFFFF;
	p2 =	slt.u32 s8, $0xFFFFF086  }
0x1c: {  	p1 =	slt.u32 s9, $0xF7A;
	s5 =	simm.s32 @!p2 $0x0  }
0x1d: {  	s5 =	simm.s32 @p1 $0x1;
	p0 =	seq.s32 s7, s2  }
0x1e: {  	s7 =	smul.u32 @!p0 $0xF7A, s2;
	p2 =	seq.s32 @!p0 s5, $0x0  }
0x1f: {  	s9 =	smul.u32 $0xF7A, s1;
	s8 =	simm.s32 @!p0 $0x1BF5;
	p2 =	por !p2, p0  }
0x20: {  	[sflag:s8] =	ssyncset.s32 @!p0 $0xFFFFF086;
	s6 =	sadd.s32 @!p0 s3, s7;
	s7 =	simm.s32 @!p0 $0x108  }
0x21: {  	s3 =	sadd.s32 s3, s9;
	s6 =	sadd.s32 @!p0 $0x88, s6;
	s7 =	simm.s32 @p2 $0x1082  }
0x22: {  	[simem:s7], [sflag:s8] =	dma.local @!p0 [hbm:s6], $0xF7A  }
0x23: {  	s9 =	sor.u32 $0xD0000000, s2;
	s6 =	simm.s32 $0x108;
	_ =	swait.ge @!p0 [sflag:s8], $0x0  }
0x24: {  	s3 =	sadd.s32 $0x88, s3;
	s6 =	simm.s32 @!p1 $0x1082;
	[sflag:s4] =	ssyncset.s32 $0xFFFFF086  }
0x25: {  	[simem:s6], [sflag:s4] =	dma.local [hbm:s3], $0xF7A  }
0x26: {  	[smem:$0x3F9E] =	sst s1;
	(tag) =	ssettag s2;
	_ =	strace s9  }
0x27: {  	s1 =	sld [smem:$0x3FAE]  }
0x28: {  	s2 =	sld [smem:$0x3FAF]  }
0x29: {  	s4 =	sld [smem:$0x3FB1]  }
0x2a: {  	p0 =	seq.s32 s5, $0x0;
	s5 =	sld [smem:$0x3FB2]  }
0x2b: {  	s6 =	sld [smem:$0x3FB3]  }
0x2c: {  	s7 =	sld [smem:$0x3FB4]  }
0x2d: {  	s3 =	simm.s32 $0x108;
	s8 =	sld [smem:$0x3FB5]  }
0x2e: {  	s3 =	simm.s32 @!p0 $0x1082;
	s9 =	sld [smem:$0x3FB6]  }
0x2f: {  	lr =	sadd.s32 s0, s3;
	s0 =	sld [smem:$0x3FAD]  }
0x30: {  	s3 =	sld [smem:$0x3FB0]  }
0x31: {  	[smem:$0x3FB9] =	sst s10  }
0x32: {  	s10 =	sld [smem:$0x3FB7];
	_ =	sdelay $0x3  }
0x33: {  	p0 =	seq.s32 s10, $0x1;
	s10 =	sld [smem:$0x3FB9];
	_ =	sdelay $0x3  }
0x34: {  	[smem:$0x3FB9] =	sst s10  }
0x35: {  	s10 =	sld [smem:$0x3FB8];
	_ =	sdelay $0x3  }
0x36: {  	p1 =	seq.s32 s10, $0x1;
	s10 =	sld [smem:$0x3FB9];
	_ =	sdelay $0x3  }
0x37: {  	[smem:$0x3FB9] =	sst s10  }
0x38: {  	s10 =	sld [smem:$0x3FBA]  }
0x39: {  	_ = 	snop;
	(pc) =	sbr.ind lr, $3  }
0x3a: {  	_ = 	snop  }
0x3b: {  	_ = 	snop  }
0x3c: {  	p2 =	seq.s32 s10, $0x1;
	s10 =	sld [smem:$0x3FB9]  }
0x3d: {  	_ =	shalt  }
0x3e: {  	_ =	shalt  }
0x3f: {  	_ =	shalt  }
0x40: {  	_ =	shalt  }
0x41: {  	_ =	shalt  }
0x42: {  	_ =	shalt  }
0x43: {  	_ =	shalt  }
0x44: {  	_ =	shalt  }
0x45: {  	_ =	shalt  }
0x46: {  	_ =	shalt  }
0x47: {  	_ =	shalt  }
0x48: {  	_ =	shalt  }
0x49: {  	_ =	shalt  }
0x4a: {  	_ =	shalt  }
0x4b: {  	_ =	shalt  }
0x4c: {  	_ =	shalt  }
0x4d: {  	_ =	shalt  }
0x4e: {  	_ =	shalt  }
0x4f: {  	_ =	shalt  }
0x50: {  	_ =	shalt  }
0x51: {  	_ =	shalt  }
0x52: {  	_ =	shalt  }
0x53: {  	_ =	shalt  }
0x54: {  	_ =	shalt  }
0x55: {  	_ =	shalt  }
0x56: {  	_ =	shalt  }
0x57: {  	_ =	shalt  }
0x58: {  	_ =	shalt  }
0x59: {  	_ =	shalt  }
0x5a: {  	_ =	shalt  }
0x5b: {  	_ =	shalt  }
0x5c: {  	_ =	shalt  }
0x5d: {  	_ =	shalt  }
0x5e: {  	_ =	shalt  }
0x5f: {  	_ =	shalt  }
0x60: {  	_ =	shalt  }
0x61: {  	_ =	shalt  }
0x62: {  	_ =	shalt  }
0x63: {  	_ =	shalt  }
0x64: {  	_ =	shalt  }
0x65: {  	_ =	shalt  }
0x66: {  	_ =	shalt  }
0x67: {  	_ =	shalt  }
0x68: {  	_ =	shalt  }
0x69: {  	_ =	shalt  }
0x6a: {  	_ =	shalt  }
0x6b: {  	_ =	shalt  }
0x6c: {  	_ =	shalt  }
0x6d: {  	_ =	shalt  }
0x6e: {  	_ =	shalt  }
0x6f: {  	_ =	shalt  }
0x70: {  	_ =	shalt  }
0x71: {  	_ =	shalt  }
0x72: {  	_ =	shalt  }
0x73: {  	_ =	shalt  }
0x74: {  	_ =	shalt  }
0x75: {  	_ =	shalt  }
0x76: {  	_ =	shalt  }
0x77: {  	_ =	shalt  }
0x78: {  	_ =	shalt  }
0x79: {  	_ =	shalt  }
0x7a: {  	_ =	shalt  }
0x7b: {  	_ =	shalt  }
0x7c: {  	_ =	shalt  }
0x7d: {  	_ =	shalt  }
0x7e: {  	_ =	shalt  }
0x7f: {  	_ =	shalt  }
0x80: {  	_ =	shalt  }
0x81: {  	_ =	shalt  }
0x82: {  	_ =	shalt  }
0x83: {  	_ =	shalt  }
0x84: {  	_ =	shalt  }
0x85: {  	_ =	shalt  }
0x86: {  	_ =	shalt  }
0x87: {  	_ =	shalt  }
.Lfunc_end0:
.L_simem_size_0:
called_computation_lowered:
.L_overlay_start_0:
0x88: {  	s2 =	sld [smem:$0x3FD9]  }
0x89: {  	s3 =	sld [smem:$0x3FFE];
	_ =	sdelay $0x1  }
0x8a: {  	s1 =	srdreg.scid  }
0x8b: {  	s0 =	sand.u32 $0x1, s1  }
0x8c: {  	s14 =	sshll.u32 s0, $0xA;
	s2 =	sadd.s32 s3, s2  }
0x8d: {  	s2 =	sadd.s32 s2, s14  }
0x8e: {  	[smem:$0x3FC5] =	sst s2  }
0x8f: {  	_ = 	snop  }
0x90: {  	s2 =	sld [smem:$0x3FD0];
	_ =	sdelay $0x2  }
0x91: {  	s4 =	simm.s32 $0xA;
	s5 =	simm.s32 $0x10;
	s15 =	sld [smem:$0x3FC8]  }
0x92: {  	[smem:s5], [sflag:s4] =	dma.local [hbm:s2], $0x1  }
0x93: {  	_ =	swait.eq [sflag:s4], $0x1  }
0x94: {  	s16 =	sld [smem:$0x12];
	[sflag:s4] =	ssyncset.done $0x0  }
0x95: {  	s17 =	sld [smem:$0x13];
	[sflag:s4] =	ssyncadd.s32 $0xFFFFFFFF  }
0x96: {  	s18 =	sld [smem:$0x14];
	(tm) =	ssettm $0x1  }
0x97: {  	s6 =	sld [smem:$0x3FFB];
	_ =	sdelay $0x3  }
0x98: {  	_ =	strace s6  }
0x99: {  	s6 =	sld [smem:$0x3FFC];
	_ =	sdelay $0x3  }
0x9a: {  	_ =	strace s6  }
0x9b: {  	s6 =	sld [smem:$0x3FFD];
	_ =	sdelay $0x3  }
0x9c: {  	_ =	strace s6  }
0x9d: {  	_ =	strace $0x8FFFFFFF  }
0x9e: {  	s19 =	sld [smem:$0x3FDB];
	_ =	sdelay $0x1  }
0x9f: {  	s7 =	simm.s32 $_scs_section_size  }
0xa0: {  	s8 =	simm.s32 $_size__tile_overlayer_lowered;
	s9 =	simm.s32 $_tile_overlayer_lowered  }
0xa1: {  	s22 =	simm.s32 $0x1BFF;
	s21 =	sshll.u32 s9, $0x1;
	s6 =	sadd.s32 s7, s19  }
0xa2: {  	s10 =	simm.s32 $0x0;
	s20 =	sshll.u32 s8, $0x1;
	s8 =	sadd.s32 s21, s6  }
0xa3: {  	[timem:s10], [sflag:s22] =	dma.local [hbm:s8], s20  }
0xa4: {  	_ =	swait.ge [sflag:s22], s20  }
0xa5: {  	s7 =	ssub.s32 $0x0, s20;
	[sflag:s22] =	ssyncset.done $0x0  }
0xa6: {  	[sflag:s22] =	ssyncadd.s32 s7;
	_ =	sdelay $0x1  }
0xa7: {  	s23 =	simm.s32 $0x1B8B  }
0xa8: {  	_ =	swait.ge [sflag:s23], $0x1  }
0xa9: {  	[sflag:s23] =	ssyncset.done $0x0  }
0xaa: {  	s25 =	simm.s32 $0x1B8E;
	s24 =	sld [smem:$0x3FFE];
	[sflag:s23] =	ssyncadd.s32 $0xFFFFFFFF  }
0xab: {  	s26 =	simm.s32 $execute0_lowered;
	[smem:$0x3FD2] =	sst s25  }
0xac: {  	s8 =	sshll.u32 s26, $0x1;
	_ =	strace $0x80000046;
	[dreg:$0x1] =	wrdreg $0xFFFFFFFF  }
0xad: {  	s28 =	simm.s32 $_size_execute0_lowered;
	s6 =	sadd.s32 s6, s8;
	[dreg:$0x0] =	wrdreg $0x0  }
0xae: {  	s8 =	sshll.u32 s28, $0x1;
	[dreg:$0x2] =	wrdreg s6  }
0xaf: {  	[dreg:$0x3] =	wrdreg s8  }
0xb0: {  	[dreg:$0x4] =	wrdreg $0xC0  }
0xb1: {  	_ =	task [dreg:s10], $0x5FFFF  }
0xb2: {  	[dreg:$0x1] =	wrdreg $0xFFFFFFFF  }
0xb3: {  	[dreg:$0x0] =	wrdreg $0x60  }
0xb4: {  	[dreg:$0x2] =	wrdreg s15  }
0xb5: {  	[dreg:$0x3] =	wrdreg s24  }
0xb6: {  	[dreg:$0x4] =	wrdreg s18  }
0xb7: {  	[dreg:$0x5] =	wrdreg s16  }
0xb8: {  	[dreg:$0x6] =	wrdreg s17  }
0xb9: {  	[dreg:$0x7] =	wrdreg $0x1C7000  }
0xba: {  	[dreg:$0x8] =	wrdreg $0x9  }
0xbb: {  	_ =	task.clear_ibuf [dreg:s10], $0x9FFFF;
	_ =	strace $0x90000046  }
0xbc: {  	s29 =	simm.s32 $0x9;
	_ =	strace $0x80000048  }
0xbd: {  	_ =	swait.ge [sflag:s29], $0x1  }
0xbe: {  	[sflag:s29] =	ssyncadd.s32 $0xFFFFFFFF  }
0xbf: {  	_ =	strace $0x90000048  }
0xc0: {  	_ =	sfence  }
0xc1: {  	s30 =	sld [smem:$0x0];
	_ =	sdelay $0x2  }
0xc2: {  	s31 =	sshll.u32 s1, $0xD;
	s1 =	sshrl.u32 s1, $0x2  }
0xc3: {  	s3 =	sand.u32 $0x4000, s31;
	s1 =	sadd.s32 s1, s30  }
0xc4: {  	s0 =	sor.u32 s3, s0;
	s1 =	sshll.u32 s1, $0x11  }
0xc5: {  	s0 =	sor.u32 s1, s0  }
0xc6: {  	s0 =	sadd.s32 $0x8F2B, s0  }
0xc7: {  	[sflag:s0] =	ssyncadd.remote.s32 $0x1  }
0xc8: {  	_ =	sfence.sel $0xFFFF  }
0xc9: {  	[dreg:$0x0] =	wrdreg $0xFFFFFFFF;
	(pc) =	sbr.abs _section_cstart, $3  }
0xca: {  	[dreg:$0x1] =	wrdreg $0xFFFFFFFF  }
0xcb: {  	_ =	task.clear_ibuf [dreg:s10], $0x2FFFF;
	_ =	strace $0x9FFFFFFF  }
0xcc: {  	(tm) =	ssettm $0x7FFFFFFF  }
0xcd: {  	_ =	shalt  }
tec
execute0_lowered:
.L_overlay_start_1:
0x0: {  	(tag) =	ssettag $0x1  }
0x1: {  	s0 =	rddreg [dreg:$0x1]  }
0x2: {  	s3 =	rddreg [dreg:$0x3]  }
0x3: {  	s4 =	rddreg [dreg:$0x4]  }
0x4: {  	s9 =	rddreg [dreg:$0x5];
	s6 =	simm.s32 $0x0  }
0x5: {  	s1 =	srdreg.scid;
	s2 =	stileid.u32;
	s20 =	simm.s32 $0x80  }
0x6: {  	s21 =	simm.s32 $0x400;
	s22 =	simm.s32 $0x100;
	s23 =	simm.s32 $0x18700  }
0x7: {  	s24 =	simm.s32 $0x1;
	s28 =	simm.s32 $0x1A700;
	s29 =	simm.s32 $0x3  }
0x8: {  	s30 =	simm.s32 $0x1B700;
	s31 =	simm.s32 $0x4;
	[smem:$0x7FF] =	sst s6  }
0x9: {  	s1 =	sand.u32 $0x1, s1;
	s7 =	sshll.u32 s2, $0x1;
	s0 =	sadd.s32 $0x600, s0  }
0xa: {  	s8 =	sadd.s32 $0x80, s9;
	s10 =	sadd.s32 $0x2000, s9;
	s12 =	sadd.s32 $0x4000, s9  }
0xb: {  	s13 =	sadd.s32 $0x6000, s9;
	s14 =	sadd.s32 $0x2080, s9;
	s15 =	sadd.s32 $0x4080, s9  }
0xc: {  	s16 =	sadd.s32 $0x6080, s9;
	s5 =	ssub.s32 $0x2, s1;
	s1 =	sor.u32 s1, s7  }
0xd: {  	p0 =	sne.s32 s2, $0x0;
	s25 =	sshrl.u32 s5, $0x1;
	s26 =	smul.u32 $0xC3800, s1  }
0xe: {  	_ =	strace $0x80000047;
	[dreg:$0x7] =	wrdreg s0;
	s0 =	ssub.s32 s5, s25  }
0xf: {  	s2 =	simm.s32 $0x0;
	[dreg:$0x8] =	wrdreg s26;
	s0 =	smax.u32 s0, $0x1  }
0x10: {  	s11 =	sshll.u32 s1, $0x11;
	[dreg:$0x9] =	wrdreg s0;
	s0 =	sshrl.u32 @!p0 s9, $0x3  }
0x11: {  	s1 =	simm.s32 $0x5;
	[dreg:$0xa] =	wrdreg s0;
	s0 =	sshrl.u32 @!p0 s8, $0x3  }
0x12: {  	s25 =	simm.s32 $0x19700;
	s26 =	simm.s32 $0x2;
	[dreg:$0xb] =	wrdreg s0  }
.LBB2_1:
0x13: {  	[dreg:$0xc] =	wrdreg s2  }
0x14: {  	s0 =	simm.s32 @!p0 $0x1;
	s2 =	simm.s32 @!p0 $0x20;
	s9 =	rddreg [dreg:$0x7]  }
0x15: {  	s5 =	simm.s32 @!p0 $0x10;
	s7 =	simm.s32 @!p0 $0x1C06;
	s17 =	rddreg [dreg:$0xa]  }
0x16: {  	[spmem:s17@s2], [sflag:s7] =	dma.strided @!p0 [hbm:s9@s5], $0x800, s0, $0x10   }
0x17: {  	s9 =	simm.s32 @!p0 $0x6  }
0x18: {  	_ =	swait.ge @!p0 [sflag:s9], $0x800  }
0x19: {  	[sflag:s9] =	ssyncset.done @!p0 $0x0  }
0x1a: {  	s18 =	rddreg [dreg:$0xb];
	[sflag:s9] =	ssyncadd.s32 @!p0 $0xFFFFF800  }
0x1b: {  	s17 =	rddreg [dreg:$0x2]  }
0x1c: {  	[spmem:s18@s2], [sflag:s7] =	dma.strided @!p0 [hbm:s17@s5], $0x800, s0, $0x10   }
0x1d: {  	_ =	swait.ge @!p0 [sflag:s9], $0x800  }
0x1e: {  	[sflag:s9] =	ssyncset.done @!p0 $0x0  }
0x1f: {  	[sflag:s9] =	ssyncadd.s32 @!p0 $0xFFFFF800  }
0x20: {  	s7 =	simm.s32 $0x0;
	[bflag:$0x0] =	sbarrier.arrive $0xFFFF  }
.LBB2_2:
0x21: {  	s2 =	sshll.u32 s7, $0x7;
	s0 =	rddreg [dreg:$0x8]  }
0x22: {  	s0 =	sadd.s32 s0, s2  }
0x23: {  	s5 =	rddreg [dreg:$0x0];
	s0 =	sshrl.u32 s0, $0x3  }
0x24: {  	s18 =	simm.s32 $0x0;
	s0 =	sadd.s32 s5, s0  }
0x25: {  	[tilespmem:s18], [sflag:$0x1] =	stream.strided.gather [hbm4b:s0+s20], $0x18700, s21, s20, $0x38;
	[tilespmem:$0x1CF00] =	vst v63  }
0x26: {  	s19 =	rddreg [dreg:$0x5]  }
0x27: {  	[tilespmem:s23], [sflag:$0x2] =	stream.strided.gather [spmem:s19], $0x1000, s22, s20, $0x38;
	[tilespmem:$0x1CF00] =	vst v63  }
0x28: {  	_ =	swait.ge [sflag:s24], $0x18700  }
0x29: {  	[sflag:s24] =	ssyncset.done $0x0  }
0x2a: {  	[sflag:s24] =	ssyncadd.s32 $0xFFFE7900  }
0x2b: {  	[tilespmem:s25], [sflag:$0x3] =	stream.strided.gather [spmem:s10], $0x1000, s22, s20, $0x38;
	[tilespmem:$0x1CF00] =	vst v63  }
0x2c: {  	_ =	swait.ge [sflag:s26], $0x1000  }
0x2d: {  	[sflag:s26] =	ssyncset.done $0x0  }
0x2e: {  	s17 =	simm.s32 $0x0;
	[sflag:s26] =	ssyncadd.s32 $0xFFFFF000  }
0x2f: {  	v0 =	vld [tilespmem:s17+$0x18700];
	_ =	sdelay $0x5  }
0x30: {  	v1 =	vld [tilespmem:s17+$0x18710];
	_ =	sdelay $0x1  }
0x31: {  	v0 =	vld.idx.msk [tilespmem:v0+s6+$0x0], $0xffff;
	_ =	sdelay $0x4  }
0x32: {  	[tilespmem:s17+$0x1A700] =	vst v0;
	v0 =	vld [tilespmem:s17+$0x18720]  }
0x33: {  	v1 =	vld.idx.msk [tilespmem:v1+s6+$0x0], $0xffff;
	_ =	sdelay $0x4  }
0x34: {  	[tilespmem:s17+$0x1A710] =	vst v1;
	v1 =	vld [tilespmem:s17+$0x18730];
	_ =	sdelay $0x1  }
0x35: {  	v0 =	vld.idx.msk [tilespmem:v0+s6+$0x0], $0xffff;
	_ =	sdelay $0x4  }
0x36: {  	[tilespmem:s17+$0x1A720] =	vst v0;
	v0 =	vld [tilespmem:s17+$0x18740]  }
0x37: {  	v1 =	vld.idx.msk [tilespmem:v1+s6+$0x0], $0xffff;
	_ =	sdelay $0x4  }
0x38: {  	[tilespmem:s17+$0x1A730] =	vst v1;
	v1 =	vld [tilespmem:s17+$0x18750];
	_ =	sdelay $0x1  }
0x39: {  	v0 =	vld.idx.msk [tilespmem:v0+s6+$0x0], $0xffff;
	_ =	sdelay $0x4  }
0x3a: {  	[tilespmem:s17+$0x1A740] =	vst v0;
	v0 =	vld [tilespmem:s17+$0x18760]  }
0x3b: {  	v1 =	vld.idx.msk [tilespmem:v1+s6+$0x0], $0xffff;
	_ =	sdelay $0x4  }
0x3c: {  	[tilespmem:s17+$0x1A750] =	vst v1;
	v1 =	vld [tilespmem:s17+$0x18770];
	_ =	sdelay $0x1  }
0x3d: {  	v0 =	vld.idx.msk [tilespmem:v0+s6+$0x0], $0xffff;
	_ =	sdelay $0x4  }
0x3e: {  	[tilespmem:s17+$0x1A760] =	vst v0;
	v0 =	vld [tilespmem:s17+$0x18780]  }
0x3f: {  	v1 =	vld.idx.msk [tilespmem:v1+s6+$0x0], $0xffff;
	_ =	sdelay $0x4  }
0x40: {  	[tilespmem:s17+$0x1A770] =	vst v1;
	v1 =	vld [tilespmem:s17+$0x18790];
	_ =	sdelay $0x1  }
0x41: {  	v0 =	vld.idx.msk [tilespmem:v0+s6+$0x0], $0xffff;
	_ =	sdelay $0x4  }
0x42: {  	[tilespmem:s17+$0x1A780] =	vst v0;
	v0 =	vld [tilespmem:s17+$0x187A0]  }
0x43: {  	v1 =	vld.idx.msk [tilespmem:v1+s6+$0x0], $0xffff;
	_ =	sdelay $0x4  }
0x44: {  	[tilespmem:s17+$0x1A790] =	vst v1;
	v1 =	vld [tilespmem:s17+$0x187B0];
	_ =	sdelay $0x1  }
0x45: {  	v0 =	vld.idx.msk [tilespmem:v0+s6+$0x0], $0xffff;
	_ =	sdelay $0x4  }
0x46: {  	[tilespmem:s17+$0x1A7A0] =	vst v0;
	v0 =	vld [tilespmem:s17+$0x187C0]  }
0x47: {  	v1 =	vld.idx.msk [tilespmem:v1+s6+$0x0], $0xffff;
	_ =	sdelay $0x4  }
0x48: {  	[tilespmem:s17+$0x1A7B0] =	vst v1;
	v1 =	vld [tilespmem:s17+$0x187D0];
	_ =	sdelay $0x1  }
0x49: {  	v0 =	vld.idx.msk [tilespmem:v0+s6+$0x0], $0xffff;
	_ =	sdelay $0x4  }
0x4a: {  	v2 =	vld [tilespmem:s17+$0x187E0];
	[tilespmem:s17+$0x1A7C0] =	vst v0  }
0x4b: {  	v0 =	vld.idx.msk [tilespmem:v1+s6+$0x0], $0xffff;
	_ =	sdelay $0x4  }
0x4c: {  	[tilespmem:s17+$0x1A7D0] =	vst v0;
	v0 =	vld [tilespmem:s17+$0x187F0];
	_ =	sdelay $0x1  }
0x4d: {  	v1 =	vld.idx.msk [tilespmem:v2+s6+$0x0], $0xffff;
	_ =	sdelay $0x3  }
0x4e: {  	s5 =	simm.s32 $0x100;
	s0 =	simm.s32 $0x800  }
.LBB2_3:
0x4f: {  	p1 =	sne.s32 s0, $0x3C00;
	v2 =	vld [tilespmem:s5+$0x18700];
	[tilespmem:s17+$0x1A7E0] =	vst v1  }
0x50: {  	v0 =	vld.idx.msk [tilespmem:v0+s6+$0x0], $0xffff;
	_ =	sdelay $0x5  }
0x51: {  	v1 =	vld [tilespmem:s5+$0x18710];
	[tilespmem:s17+$0x1A7F0] =	vst v0;
	s17 =	smov.u32 s5  }
0x52: {  	v0 =	vld.idx.msk [tilespmem:v2+s6+$0x0], $0xffff;
	_ =	sdelay $0x5  }
0x53: {  	[tilespmem:s17+$0x1A700] =	vst v0;
	v0 =	vld [tilespmem:s17+$0x18720]  }
0x54: {  	v1 =	vld.idx.msk [tilespmem:v1+s6+$0x0], $0xffff;
	_ =	sdelay $0x5  }
0x55: {  	[tilespmem:s17+$0x1A710] =	vst v1;
	v1 =	vld [tilespmem:s17+$0x18730]  }
0x56: {  	v0 =	vld.idx.msk [tilespmem:v0+s6+$0x0], $0xffff;
	_ =	sdelay $0x5  }
0x57: {  	[tilespmem:s17+$0x1A720] =	vst v0;
	v0 =	vld [tilespmem:s17+$0x18740]  }
0x58: {  	v1 =	vld.idx.msk [tilespmem:v1+s6+$0x0], $0xffff;
	_ =	sdelay $0x5  }
0x59: {  	[tilespmem:s17+$0x1A730] =	vst v1;
	v1 =	vld [tilespmem:s17+$0x18750]  }
0x5a: {  	v0 =	vld.idx.msk [tilespmem:v0+s6+$0x0], $0xffff;
	_ =	sdelay $0x5  }
0x5b: {  	[tilespmem:s17+$0x1A740] =	vst v0;
	v0 =	vld [tilespmem:s17+$0x18760]  }
0x5c: {  	v1 =	vld.idx.msk [tilespmem:v1+s6+$0x0], $0xffff;
	_ =	sdelay $0x5  }
0x5d: {  	[tilespmem:s17+$0x1A750] =	vst v1;
	v1 =	vld [tilespmem:s17+$0x18770]  }
0x5e: {  	v0 =	vld.idx.msk [tilespmem:v0+s6+$0x0], $0xffff;
	_ =	sdelay $0x5  }
0x5f: {  	[tilespmem:s17+$0x1A760] =	vst v0;
	v0 =	vld [tilespmem:s17+$0x18780]  }
0x60: {  	v1 =	vld.idx.msk [tilespmem:v1+s6+$0x0], $0xffff;
	_ =	sdelay $0x5  }
0x61: {  	[tilespmem:s17+$0x1A770] =	vst v1;
	v1 =	vld [tilespmem:s17+$0x18790]  }
0x62: {  	v0 =	vld.idx.msk [tilespmem:v0+s6+$0x0], $0xffff;
	_ =	sdelay $0x5  }
0x63: {  	[tilespmem:s17+$0x1A780] =	vst v0;
	v0 =	vld [tilespmem:s17+$0x187A0]  }
0x64: {  	v1 =	vld.idx.msk [tilespmem:v1+s6+$0x0], $0xffff;
	_ =	sdelay $0x5  }
0x65: {  	[tilespmem:s17+$0x1A790] =	vst v1;
	v1 =	vld [tilespmem:s17+$0x187B0]  }
0x66: {  	v0 =	vld.idx.msk [tilespmem:v0+s6+$0x0], $0xffff;
	_ =	sdelay $0x5  }
0x67: {  	[tilespmem:s17+$0x1A7A0] =	vst v0;
	v0 =	vld [tilespmem:s17+$0x187C0]  }
0x68: {  	v1 =	vld.idx.msk [tilespmem:v1+s6+$0x0], $0xffff;
	_ =	sdelay $0x5  }
0x69: {  	[tilespmem:s17+$0x1A7B0] =	vst v1;
	v1 =	vld [tilespmem:s17+$0x187D0]  }
0x6a: {  	v0 =	vld.idx.msk [tilespmem:v0+s6+$0x0], $0xffff;
	_ =	sdelay $0x5  }
0x6b: {  	[tilespmem:s17+$0x1A7C0] =	vst v0;
	v2 =	vld [tilespmem:s17+$0x187E0]  }
0x6c: {  	v0 =	vld.idx.msk [tilespmem:v1+s6+$0x0], $0xffff;
	_ =	sdelay $0x5  }
0x6d: {  	[tilespmem:s17+$0x1A7D0] =	vst v0;
	v0 =	vld [tilespmem:s17+$0x187F0]  }
0x6e: {  	v1 =	vld.idx.msk [tilespmem:v2+s6+$0x0], $0xffff  }
.Ltmp0:
0x6f: {  	(pc) =	sbr.rel @p1 .LBB2_3-.Ltmp0, $2  }
0x70: {  	_ =	sdelay $0x2  }
0x71: {  	s5 =	sshra.s32 s0, $0x2;
	s0 =	sadd.s32 $0x400, s0  }
0x72: {  	_ =	sdelay $0x1  }
0x73: {  	v2 =	vld [tilespmem:s5+$0x18700]  }
0x74: {  	[tilespmem:s17+$0x1A7E0] =	vst v1  }
0x75: {  	v0 =	vld.idx.msk [tilespmem:v0+s6+$0x0], $0xffff;
	_ =	sdelay $0x3  }
0x76: {  	v1 =	vld [tilespmem:s5+$0x18710]  }
0x77: {  	[tilespmem:s17+$0x1A7F0] =	vst v0  }
0x78: {  	v0 =	vld.idx.msk [tilespmem:v2+s6+$0x0], $0xffff;
	_ =	sdelay $0x4  }
0x79: {  	[tilespmem:s5+$0x1A700] =	vst v0;
	v0 =	vld [tilespmem:s5+$0x18720]  }
0x7a: {  	v1 =	vld.idx.msk [tilespmem:v1+s6+$0x0], $0xffff;
	_ =	sdelay $0x4  }
0x7b: {  	[tilespmem:s5+$0x1A710] =	vst v1;
	v1 =	vld [tilespmem:s5+$0x18730];
	_ =	sdelay $0x1  }
0x7c: {  	v0 =	vld.idx.msk [tilespmem:v0+s6+$0x0], $0xffff;
	_ =	sdelay $0x4  }
0x7d: {  	[tilespmem:s5+$0x1A720] =	vst v0;
	v0 =	vld [tilespmem:s5+$0x18740]  }
0x7e: {  	v1 =	vld.idx.msk [tilespmem:v1+s6+$0x0], $0xffff;
	_ =	sdelay $0x4  }
0x7f: {  	[tilespmem:s5+$0x1A730] =	vst v1;
	v1 =	vld [tilespmem:s5+$0x18750];
	_ =	sdelay $0x1  }
0x80: {  	v0 =	vld.idx.msk [tilespmem:v0+s6+$0x0], $0xffff;
	_ =	sdelay $0x4  }
0x81: {  	[tilespmem:s5+$0x1A740] =	vst v0;
	v0 =	vld [tilespmem:s5+$0x18760]  }
0x82: {  	v1 =	vld.idx.msk [tilespmem:v1+s6+$0x0], $0xffff;
	_ =	sdelay $0x4  }
0x83: {  	[tilespmem:s5+$0x1A750] =	vst v1;
	v1 =	vld [tilespmem:s5+$0x18770];
	_ =	sdelay $0x1  }
0x84: {  	v0 =	vld.idx.msk [tilespmem:v0+s6+$0x0], $0xffff;
	_ =	sdelay $0x4  }
0x85: {  	[tilespmem:s5+$0x1A760] =	vst v0;
	v0 =	vld [tilespmem:s5+$0x18780]  }
0x86: {  	v1 =	vld.idx.msk [tilespmem:v1+s6+$0x0], $0xffff;
	_ =	sdelay $0x4  }
0x87: {  	[tilespmem:s5+$0x1A770] =	vst v1;
	v1 =	vld [tilespmem:s5+$0x18790];
	_ =	sdelay $0x1  }
0x88: {  	v0 =	vld.idx.msk [tilespmem:v0+s6+$0x0], $0xffff;
	_ =	sdelay $0x4  }
0x89: {  	[tilespmem:s5+$0x1A780] =	vst v0;
	v0 =	vld [tilespmem:s5+$0x187A0]  }
0x8a: {  	v1 =	vld.idx.msk [tilespmem:v1+s6+$0x0], $0xffff;
	_ =	sdelay $0x4  }
0x8b: {  	[tilespmem:s5+$0x1A790] =	vst v1;
	v1 =	vld [tilespmem:s5+$0x187B0];
	_ =	sdelay $0x1  }
0x8c: {  	v0 =	vld.idx.msk [tilespmem:v0+s6+$0x0], $0xffff;
	_ =	sdelay $0x4  }
0x8d: {  	[tilespmem:s5+$0x1A7A0] =	vst v0;
	v0 =	vld [tilespmem:s5+$0x187C0]  }
0x8e: {  	v1 =	vld.idx.msk [tilespmem:v1+s6+$0x0], $0xffff;
	_ =	sdelay $0x4  }
0x8f: {  	[tilespmem:s5+$0x1A7B0] =	vst v1;
	v1 =	vld [tilespmem:s5+$0x187D0];
	_ =	sdelay $0x1  }
0x90: {  	v0 =	vld.idx.msk [tilespmem:v0+s6+$0x0], $0xffff;
	_ =	sdelay $0x4  }
0x91: {  	[tilespmem:s5+$0x1A7C0] =	vst v0;
	v0 =	vld [tilespmem:s5+$0x187E0]  }
0x92: {  	v1 =	vld.idx.msk [tilespmem:v1+s6+$0x0], $0xffff;
	_ =	sdelay $0x4  }
0x93: {  	[tilespmem:s5+$0x1A7D0] =	vst v1;
	v1 =	vld [tilespmem:s5+$0x187F0];
	_ =	sdelay $0x1  }
0x94: {  	v0 =	vld.idx.msk [tilespmem:v0+s6+$0x0], $0xffff;
	_ =	sdelay $0x4  }
0x95: {  	[tilespmem:s5+$0x1A7E0] =	vst v0  }
0x96: {  	v0 =	vld.idx.msk [tilespmem:v1+s6+$0x0], $0xffff;
	_ =	sdelay $0x2  }
0x97: {  	s0 =	sadd.s32 s11, s2  }
0x98: {  	s19 =	sshrl.u32 s0, $0x3  }
0x99: {  	s0 =	sadd.s32 s3, s19;
	[tilespmem:s5+$0x1A7F0] =	vst v0  }
0x9a: {  	[hbm4b:s0+s20] =	stream.strided.scatter [tilespmem:s28], [sflag:$0x4], $0x1000, s21, s20, $0x38;
	[tilespmem:$0x1CF00] =	vst v63  }
0x9b: {  	_ = 	snop  }
0x9c: {  	[tilespmem:s23], [sflag:$0x2] =	stream.strided.gather [spmem:s12], $0x1000, s22, s20, $0x38;
	[tilespmem:$0x1CF00] =	vst v63  }
0x9d: {  	_ =	swait.ge [sflag:s29], $0x1000  }
0x9e: {  	[sflag:s29] =	ssyncset.done $0x0  }
0x9f: {  	s2 =	simm.s32 $0x0;
	[sflag:s29] =	ssyncadd.s32 $0xFFFFF000  }
0xa0: {  	v0 =	vld [tilespmem:s2+$0x19700];
	_ =	sdelay $0x5  }
0xa1: {  	v1 =	vld [tilespmem:s2+$0x19710];
	_ =	sdelay $0x1  }
0xa2: {  	v0 =	vld.idx.msk [tilespmem:v0+s6+$0x0], $0xffff;
	_ =	sdelay $0x4  }
0xa3: {  	[tilespmem:s2+$0x1B700] =	vst v0;
	v0 =	vld [tilespmem:s2+$0x19720]  }
0xa4: {  	v1 =	vld.idx.msk [tilespmem:v1+s6+$0x0], $0xffff;
	_ =	sdelay $0x4  }
0xa5: {  	[tilespmem:s2+$0x1B710] =	vst v1;
	v1 =	vld [tilespmem:s2+$0x19730];
	_ =	sdelay $0x1  }
0xa6: {  	v0 =	vld.idx.msk [tilespmem:v0+s6+$0x0], $0xffff;
	_ =	sdelay $0x4  }
0xa7: {  	[tilespmem:s2+$0x1B720] =	vst v0;
	v0 =	vld [tilespmem:s2+$0x19740]  }
0xa8: {  	v1 =	vld.idx.msk [tilespmem:v1+s6+$0x0], $0xffff;
	_ =	sdelay $0x4  }
0xa9: {  	[tilespmem:s2+$0x1B730] =	vst v1;
	v1 =	vld [tilespmem:s2+$0x19750];
	_ =	sdelay $0x1  }
0xaa: {  	v0 =	vld.idx.msk [tilespmem:v0+s6+$0x0], $0xffff;
	_ =	sdelay $0x4  }
0xab: {  	[tilespmem:s2+$0x1B740] =	vst v0;
	v0 =	vld [tilespmem:s2+$0x19760]  }
0xac: {  	v1 =	vld.idx.msk [tilespmem:v1+s6+$0x0], $0xffff;
	_ =	sdelay $0x4  }
0xad: {  	[tilespmem:s2+$0x1B750] =	vst v1;
	v1 =	vld [tilespmem:s2+$0x19770];
	_ =	sdelay $0x1  }
0xae: {  	v0 =	vld.idx.msk [tilespmem:v0+s6+$0x0], $0xffff;
	_ =	sdelay $0x4  }
0xaf: {  	[tilespmem:s2+$0x1B760] =	vst v0;
	v0 =	vld [tilespmem:s2+$0x19780]  }
0xb0: {  	v1 =	vld.idx.msk [tilespmem:v1+s6+$0x0], $0xffff;
	_ =	sdelay $0x4  }
0xb1: {  	[tilespmem:s2+$0x1B770] =	vst v1;
	v1 =	vld [tilespmem:s2+$0x19790];
	_ =	sdelay $0x1  }
0xb2: {  	v0 =	vld.idx.msk [tilespmem:v0+s6+$0x0], $0xffff;
	_ =	sdelay $0x4  }
0xb3: {  	[tilespmem:s2+$0x1B780] =	vst v0;
	v0 =	vld [tilespmem:s2+$0x197A0]  }
0xb4: {  	v1 =	vld.idx.msk [tilespmem:v1+s6+$0x0], $0xffff;
	_ =	sdelay $0x4  }
0xb5: {  	[tilespmem:s2+$0x1B790] =	vst v1;
	v1 =	vld [tilespmem:s2+$0x197B0];
	_ =	sdelay $0x1  }
0xb6: {  	v0 =	vld.idx.msk [tilespmem:v0+s6+$0x0], $0xffff;
	_ =	sdelay $0x4  }
0xb7: {  	[tilespmem:s2+$0x1B7A0] =	vst v0;
	v0 =	vld [tilespmem:s2+$0x197C0]  }
0xb8: {  	v1 =	vld.idx.msk [tilespmem:v1+s6+$0x0], $0xffff;
	_ =	sdelay $0x4  }
0xb9: {  	[tilespmem:s2+$0x1B7B0] =	vst v1;
	v1 =	vld [tilespmem:s2+$0x197D0];
	_ =	sdelay $0x1  }
0xba: {  	v0 =	vld.idx.msk [tilespmem:v0+s6+$0x0], $0xffff;
	_ =	sdelay $0x4  }
0xbb: {  	v2 =	vld [tilespmem:s2+$0x197E0];
	[tilespmem:s2+$0x1B7C0] =	vst v0  }
0xbc: {  	v0 =	vld.idx.msk [tilespmem:v1+s6+$0x0], $0xffff;
	_ =	sdelay $0x4  }
0xbd: {  	[tilespmem:s2+$0x1B7D0] =	vst v0;
	v0 =	vld [tilespmem:s2+$0x197F0];
	_ =	sdelay $0x1  }
0xbe: {  	v1 =	vld.idx.msk [tilespmem:v2+s6+$0x0], $0xffff;
	_ =	sdelay $0x3  }
0xbf: {  	s5 =	simm.s32 $0x100;
	s0 =	simm.s32 $0x800  }
.LBB2_5:
0xc0: {  	p1 =	sne.s32 s0, $0x3C00;
	v2 =	vld [tilespmem:s5+$0x19700];
	[tilespmem:s2+$0x1B7E0] =	vst v1  }
0xc1: {  	v0 =	vld.idx.msk [tilespmem:v0+s6+$0x0], $0xffff;
	_ =	sdelay $0x5  }
0xc2: {  	v1 =	vld [tilespmem:s5+$0x19710];
	[tilespmem:s2+$0x1B7F0] =	vst v0;
	s2 =	smov.u32 s5  }
0xc3: {  	v0 =	vld.idx.msk [tilespmem:v2+s6+$0x0], $0xffff;
	_ =	sdelay $0x5  }
0xc4: {  	[tilespmem:s2+$0x1B700] =	vst v0;
	v0 =	vld [tilespmem:s2+$0x19720]  }
0xc5: {  	v1 =	vld.idx.msk [tilespmem:v1+s6+$0x0], $0xffff;
	_ =	sdelay $0x5  }
0xc6: {  	[tilespmem:s2+$0x1B710] =	vst v1;
	v1 =	vld [tilespmem:s2+$0x19730]  }
0xc7: {  	v0 =	vld.idx.msk [tilespmem:v0+s6+$0x0], $0xffff;
	_ =	sdelay $0x5  }
0xc8: {  	[tilespmem:s2+$0x1B720] =	vst v0;
	v0 =	vld [tilespmem:s2+$0x19740]  }
0xc9: {  	v1 =	vld.idx.msk [tilespmem:v1+s6+$0x0], $0xffff;
	_ =	sdelay $0x5  }
0xca: {  	[tilespmem:s2+$0x1B730] =	vst v1;
	v1 =	vld [tilespmem:s2+$0x19750]  }
0xcb: {  	v0 =	vld.idx.msk [tilespmem:v0+s6+$0x0], $0xffff;
	_ =	sdelay $0x5  }
0xcc: {  	[tilespmem:s2+$0x1B740] =	vst v0;
	v0 =	vld [tilespmem:s2+$0x19760]  }
0xcd: {  	v1 =	vld.idx.msk [tilespmem:v1+s6+$0x0], $0xffff;
	_ =	sdelay $0x5  }
0xce: {  	[tilespmem:s2+$0x1B750] =	vst v1;
	v1 =	vld [tilespmem:s2+$0x19770]  }
0xcf: {  	v0 =	vld.idx.msk [tilespmem:v0+s6+$0x0], $0xffff;
	_ =	sdelay $0x5  }
0xd0: {  	[tilespmem:s2+$0x1B760] =	vst v0;
	v0 =	vld [tilespmem:s2+$0x19780]  }
0xd1: {  	v1 =	vld.idx.msk [tilespmem:v1+s6+$0x0], $0xffff;
	_ =	sdelay $0x5  }
0xd2: {  	[tilespmem:s2+$0x1B770] =	vst v1;
	v1 =	vld [tilespmem:s2+$0x19790]  }
0xd3: {  	v0 =	vld.idx.msk [tilespmem:v0+s6+$0x0], $0xffff;
	_ =	sdelay $0x5  }
0xd4: {  	[tilespmem:s2+$0x1B780] =	vst v0;
	v0 =	vld [tilespmem:s2+$0x197A0]  }
0xd5: {  	v1 =	vld.idx.msk [tilespmem:v1+s6+$0x0], $0xffff;
	_ =	sdelay $0x5  }
0xd6: {  	[tilespmem:s2+$0x1B790] =	vst v1;
	v1 =	vld [tilespmem:s2+$0x197B0]  }
0xd7: {  	v0 =	vld.idx.msk [tilespmem:v0+s6+$0x0], $0xffff;
	_ =	sdelay $0x5  }
0xd8: {  	[tilespmem:s2+$0x1B7A0] =	vst v0;
	v0 =	vld [tilespmem:s2+$0x197C0]  }
0xd9: {  	v1 =	vld.idx.msk [tilespmem:v1+s6+$0x0], $0xffff;
	_ =	sdelay $0x5  }
0xda: {  	[tilespmem:s2+$0x1B7B0] =	vst v1;
	v1 =	vld [tilespmem:s2+$0x197D0]  }
0xdb: {  	v0 =	vld.idx.msk [tilespmem:v0+s6+$0x0], $0xffff;
	_ =	sdelay $0x5  }
0xdc: {  	[tilespmem:s2+$0x1B7C0] =	vst v0;
	v2 =	vld [tilespmem:s2+$0x197E0]  }
0xdd: {  	v0 =	vld.idx.msk [tilespmem:v1+s6+$0x0], $0xffff;
	_ =	sdelay $0x5  }
0xde: {  	[tilespmem:s2+$0x1B7D0] =	vst v0;
	v0 =	vld [tilespmem:s2+$0x197F0]  }
0xdf: {  	v1 =	vld.idx.msk [tilespmem:v2+s6+$0x0], $0xffff  }
.Ltmp1:
0xe0: {  	(pc) =	sbr.rel @p1 .LBB2_5-.Ltmp1, $2  }
0xe1: {  	_ =	sdelay $0x2  }
0xe2: {  	s5 =	sshra.s32 s0, $0x2;
	s0 =	sadd.s32 $0x400, s0  }
0xe3: {  	_ =	sdelay $0x1  }
0xe4: {  	v2 =	vld [tilespmem:s5+$0x19700]  }
0xe5: {  	[tilespmem:s2+$0x1B7E0] =	vst v1  }
0xe6: {  	v0 =	vld.idx.msk [tilespmem:v0+s6+$0x0], $0xffff;
	_ =	sdelay $0x3  }
0xe7: {  	v1 =	vld [tilespmem:s5+$0x19710]  }
0xe8: {  	[tilespmem:s2+$0x1B7F0] =	vst v0  }
0xe9: {  	v0 =	vld.idx.msk [tilespmem:v2+s6+$0x0], $0xffff;
	_ =	sdelay $0x4  }
0xea: {  	[tilespmem:s5+$0x1B700] =	vst v0;
	v0 =	vld [tilespmem:s5+$0x19720]  }
0xeb: {  	v1 =	vld.idx.msk [tilespmem:v1+s6+$0x0], $0xffff;
	_ =	sdelay $0x4  }
0xec: {  	[tilespmem:s5+$0x1B710] =	vst v1;
	v1 =	vld [tilespmem:s5+$0x19730];
	_ =	sdelay $0x1  }
0xed: {  	v0 =	vld.idx.msk [tilespmem:v0+s6+$0x0], $0xffff;
	_ =	sdelay $0x4  }
0xee: {  	[tilespmem:s5+$0x1B720] =	vst v0;
	v0 =	vld [tilespmem:s5+$0x19740]  }
0xef: {  	v1 =	vld.idx.msk [tilespmem:v1+s6+$0x0], $0xffff;
	_ =	sdelay $0x4  }
0xf0: {  	[tilespmem:s5+$0x1B730] =	vst v1;
	v1 =	vld [tilespmem:s5+$0x19750];
	_ =	sdelay $0x1  }
0xf1: {  	v0 =	vld.idx.msk [tilespmem:v0+s6+$0x0], $0xffff;
	_ =	sdelay $0x4  }
0xf2: {  	[tilespmem:s5+$0x1B740] =	vst v0;
	v0 =	vld [tilespmem:s5+$0x19760]  }
0xf3: {  	v1 =	vld.idx.msk [tilespmem:v1+s6+$0x0], $0xffff;
	_ =	sdelay $0x4  }
0xf4: {  	[tilespmem:s5+$0x1B750] =	vst v1;
	v1 =	vld [tilespmem:s5+$0x19770];
	_ =	sdelay $0x1  }
0xf5: {  	v0 =	vld.idx.msk [tilespmem:v0+s6+$0x0], $0xffff;
	_ =	sdelay $0x4  }
0xf6: {  	[tilespmem:s5+$0x1B760] =	vst v0;
	v0 =	vld [tilespmem:s5+$0x19780]  }
0xf7: {  	v1 =	vld.idx.msk [tilespmem:v1+s6+$0x0], $0xffff;
	_ =	sdelay $0x4  }
0xf8: {  	[tilespmem:s5+$0x1B770] =	vst v1;
	v1 =	vld [tilespmem:s5+$0x19790];
	_ =	sdelay $0x1  }
0xf9: {  	v0 =	vld.idx.msk [tilespmem:v0+s6+$0x0], $0xffff;
	_ =	sdelay $0x4  }
0xfa: {  	[tilespmem:s5+$0x1B780] =	vst v0;
	v0 =	vld [tilespmem:s5+$0x197A0]  }
0xfb: {  	v1 =	vld.idx.msk [tilespmem:v1+s6+$0x0], $0xffff;
	_ =	sdelay $0x4  }
0xfc: {  	[tilespmem:s5+$0x1B790] =	vst v1;
	v1 =	vld [tilespmem:s5+$0x197B0];
	_ =	sdelay $0x1  }
0xfd: {  	v0 =	vld.idx.msk [tilespmem:v0+s6+$0x0], $0xffff;
	_ =	sdelay $0x4  }
0xfe: {  	[tilespmem:s5+$0x1B7A0] =	vst v0;
	v0 =	vld [tilespmem:s5+$0x197C0]  }
0xff: {  	v1 =	vld.idx.msk [tilespmem:v1+s6+$0x0], $0xffff;
	_ =	sdelay $0x4  }
0x100: {  	[tilespmem:s5+$0x1B7B0] =	vst v1;
	v1 =	vld [tilespmem:s5+$0x197D0];
	_ =	sdelay $0x1  }
0x101: {  	v0 =	vld.idx.msk [tilespmem:v0+s6+$0x0], $0xffff;
	_ =	sdelay $0x4  }
0x102: {  	[tilespmem:s5+$0x1B7C0] =	vst v0;
	v0 =	vld [tilespmem:s5+$0x197E0]  }
0x103: {  	v1 =	vld.idx.msk [tilespmem:v1+s6+$0x0], $0xffff;
	_ =	sdelay $0x4  }
0x104: {  	[tilespmem:s5+$0x1B7D0] =	vst v1;
	v1 =	vld [tilespmem:s5+$0x197F0];
	_ =	sdelay $0x1  }
0x105: {  	v0 =	vld.idx.msk [tilespmem:v0+s6+$0x0], $0xffff;
	_ =	sdelay $0x4  }
0x106: {  	[tilespmem:s5+$0x1B7E0] =	vst v0  }
0x107: {  	v0 =	vld.idx.msk [tilespmem:v1+s6+$0x0], $0xffff;
	_ =	sdelay $0x3  }
0x108: {  	s17 =	sor.u32 $0x1000, s19  }
0x109: {  	s0 =	sadd.s32 s3, s17;
	[tilespmem:s5+$0x1B7F0] =	vst v0  }
0x10a: {  	[hbm4b:s0+s20] =	stream.strided.scatter [tilespmem:s30], [sflag:$0x5], $0x1000, s21, s20, $0x38;
	[tilespmem:$0x1CF00] =	vst v63  }
0x10b: {  	_ = 	snop  }
0x10c: {  	[tilespmem:s25], [sflag:$0x3] =	stream.strided.gather [spmem:s13], $0x1000, s22, s20, $0x38;
	[tilespmem:$0x1CF00] =	vst v63  }
0x10d: {  	_ =	swait.ge [sflag:s26], $0x1000  }
0x10e: {  	[sflag:s26] =	ssyncset.done $0x0  }
0x10f: {  	[sflag:s26] =	ssyncadd.s32 $0xFFFFF000  }
0x110: {  	_ =	swait.ge [sflag:s31], $0x1000  }
0x111: {  	[sflag:s31] =	ssyncset.done $0x0  }
0x112: {  	s2 =	simm.s32 $0x0;
	[sflag:s31] =	ssyncadd.s32 $0xFFFFF000  }
0x113: {  	v0 =	vld [tilespmem:s2+$0x18700];
	_ =	sdelay $0x5  }
0x114: {  	v1 =	vld [tilespmem:s2+$0x18710];
	_ =	sdelay $0x1  }
0x115: {  	v0 =	vld.idx.msk [tilespmem:v0+s6+$0x0], $0xffff;
	_ =	sdelay $0x4  }
0x116: {  	[tilespmem:s2+$0x1A700] =	vst v0;
	v0 =	vld [tilespmem:s2+$0x18720]  }
0x117: {  	v1 =	vld.idx.msk [tilespmem:v1+s6+$0x0], $0xffff;
	_ =	sdelay $0x4  }
0x118: {  	[tilespmem:s2+$0x1A710] =	vst v1;
	v1 =	vld [tilespmem:s2+$0x18730];
	_ =	sdelay $0x1  }
0x119: {  	v0 =	vld.idx.msk [tilespmem:v0+s6+$0x0], $0xffff;
	_ =	sdelay $0x4  }
0x11a: {  	[tilespmem:s2+$0x1A720] =	vst v0;
	v0 =	vld [tilespmem:s2+$0x18740]  }
0x11b: {  	v1 =	vld.idx.msk [tilespmem:v1+s6+$0x0], $0xffff;
	_ =	sdelay $0x4  }
0x11c: {  	[tilespmem:s2+$0x1A730] =	vst v1;
	v1 =	vld [tilespmem:s2+$0x18750];
	_ =	sdelay $0x1  }
0x11d: {  	v0 =	vld.idx.msk [tilespmem:v0+s6+$0x0], $0xffff;
	_ =	sdelay $0x4  }
0x11e: {  	[tilespmem:s2+$0x1A740] =	vst v0;
	v0 =	vld [tilespmem:s2+$0x18760]  }
0x11f: {  	v1 =	vld.idx.msk [tilespmem:v1+s6+$0x0], $0xffff;
	_ =	sdelay $0x4  }
0x120: {  	[tilespmem:s2+$0x1A750] =	vst v1;
	v1 =	vld [tilespmem:s2+$0x18770];
	_ =	sdelay $0x1  }
0x121: {  	v0 =	vld.idx.msk [tilespmem:v0+s6+$0x0], $0xffff;
	_ =	sdelay $0x4  }
0x122: {  	[tilespmem:s2+$0x1A760] =	vst v0;
	v0 =	vld [tilespmem:s2+$0x18780]  }
0x123: {  	v1 =	vld.idx.msk [tilespmem:v1+s6+$0x0], $0xffff;
	_ =	sdelay $0x4  }
0x124: {  	[tilespmem:s2+$0x1A770] =	vst v1;
	v1 =	vld [tilespmem:s2+$0x18790];
	_ =	sdelay $0x1  }
0x125: {  	v0 =	vld.idx.msk [tilespmem:v0+s6+$0x0], $0xffff;
	_ =	sdelay $0x4  }
0x126: {  	[tilespmem:s2+$0x1A780] =	vst v0;
	v0 =	vld [tilespmem:s2+$0x187A0]  }
0x127: {  	v1 =	vld.idx.msk [tilespmem:v1+s6+$0x0], $0xffff;
	_ =	sdelay $0x4  }
0x128: {  	[tilespmem:s2+$0x1A790] =	vst v1;
	v1 =	vld [tilespmem:s2+$0x187B0];
	_ =	sdelay $0x1  }
0x129: {  	v0 =	vld.idx.msk [tilespmem:v0+s6+$0x0], $0xffff;
	_ =	sdelay $0x4  }
0x12a: {  	[tilespmem:s2+$0x1A7A0] =	vst v0;
	v0 =	vld [tilespmem:s2+$0x187C0]  }
0x12b: {  	v1 =	vld.idx.msk [tilespmem:v1+s6+$0x0], $0xffff;
	_ =	sdelay $0x4  }
0x12c: {  	[tilespmem:s2+$0x1A7B0] =	vst v1;
	v1 =	vld [tilespmem:s2+$0x187D0];
	_ =	sdelay $0x1  }
0x12d: {  	v0 =	vld.idx.msk [tilespmem:v0+s6+$0x0], $0xffff;
	_ =	sdelay $0x4  }
0x12e: {  	v2 =	vld [tilespmem:s2+$0x187E0];
	[tilespmem:s2+$0x1A7C0] =	vst v0  }
0x12f: {  	v0 =	vld.idx.msk [tilespmem:v1+s6+$0x0], $0xffff;
	_ =	sdelay $0x4  }
0x130: {  	[tilespmem:s2+$0x1A7D0] =	vst v0;
	v0 =	vld [tilespmem:s2+$0x187F0];
	_ =	sdelay $0x1  }
0x131: {  	v1 =	vld.idx.msk [tilespmem:v2+s6+$0x0], $0xffff;
	_ =	sdelay $0x3  }
0x132: {  	s5 =	simm.s32 $0x100;
	s0 =	simm.s32 $0x800  }
.LBB2_7:
0x133: {  	p1 =	sne.s32 s0, $0x3C00;
	v2 =	vld [tilespmem:s5+$0x18700];
	[tilespmem:s2+$0x1A7E0] =	vst v1  }
0x134: {  	v0 =	vld.idx.msk [tilespmem:v0+s6+$0x0], $0xffff;
	_ =	sdelay $0x5  }
0x135: {  	v1 =	vld [tilespmem:s5+$0x18710];
	[tilespmem:s2+$0x1A7F0] =	vst v0;
	s2 =	smov.u32 s5  }
0x136: {  	v0 =	vld.idx.msk [tilespmem:v2+s6+$0x0], $0xffff;
	_ =	sdelay $0x5  }
0x137: {  	[tilespmem:s2+$0x1A700] =	vst v0;
	v0 =	vld [tilespmem:s2+$0x18720]  }
0x138: {  	v1 =	vld.idx.msk [tilespmem:v1+s6+$0x0], $0xffff;
	_ =	sdelay $0x5  }
0x139: {  	[tilespmem:s2+$0x1A710] =	vst v1;
	v1 =	vld [tilespmem:s2+$0x18730]  }
0x13a: {  	v0 =	vld.idx.msk [tilespmem:v0+s6+$0x0], $0xffff;
	_ =	sdelay $0x5  }
0x13b: {  	[tilespmem:s2+$0x1A720] =	vst v0;
	v0 =	vld [tilespmem:s2+$0x18740]  }
0x13c: {  	v1 =	vld.idx.msk [tilespmem:v1+s6+$0x0], $0xffff;
	_ =	sdelay $0x5  }
0x13d: {  	[tilespmem:s2+$0x1A730] =	vst v1;
	v1 =	vld [tilespmem:s2+$0x18750]  }
0x13e: {  	v0 =	vld.idx.msk [tilespmem:v0+s6+$0x0], $0xffff;
	_ =	sdelay $0x5  }
0x13f: {  	[tilespmem:s2+$0x1A740] =	vst v0;
	v0 =	vld [tilespmem:s2+$0x18760]  }
0x140: {  	v1 =	vld.idx.msk [tilespmem:v1+s6+$0x0], $0xffff;
	_ =	sdelay $0x5  }
0x141: {  	[tilespmem:s2+$0x1A750] =	vst v1;
	v1 =	vld [tilespmem:s2+$0x18770]  }
0x142: {  	v0 =	vld.idx.msk [tilespmem:v0+s6+$0x0], $0xffff;
	_ =	sdelay $0x5  }
0x143: {  	[tilespmem:s2+$0x1A760] =	vst v0;
	v0 =	vld [tilespmem:s2+$0x18780]  }
0x144: {  	v1 =	vld.idx.msk [tilespmem:v1+s6+$0x0], $0xffff;
	_ =	sdelay $0x5  }
0x145: {  	[tilespmem:s2+$0x1A770] =	vst v1;
	v1 =	vld [tilespmem:s2+$0x18790]  }
0x146: {  	v0 =	vld.idx.msk [tilespmem:v0+s6+$0x0], $0xffff;
	_ =	sdelay $0x5  }
0x147: {  	[tilespmem:s2+$0x1A780] =	vst v0;
	v0 =	vld [tilespmem:s2+$0x187A0]  }
0x148: {  	v1 =	vld.idx.msk [tilespmem:v1+s6+$0x0], $0xffff;
	_ =	sdelay $0x5  }
0x149: {  	[tilespmem:s2+$0x1A790] =	vst v1;
	v1 =	vld [tilespmem:s2+$0x187B0]  }
0x14a: {  	v0 =	vld.idx.msk [tilespmem:v0+s6+$0x0], $0xffff;
	_ =	sdelay $0x5  }
0x14b: {  	[tilespmem:s2+$0x1A7A0] =	vst v0;
	v0 =	vld [tilespmem:s2+$0x187C0]  }
0x14c: {  	v1 =	vld.idx.msk [tilespmem:v1+s6+$0x0], $0xffff;
	_ =	sdelay $0x5  }
0x14d: {  	[tilespmem:s2+$0x1A7B0] =	vst v1;
	v1 =	vld [tilespmem:s2+$0x187D0]  }
0x14e: {  	v0 =	vld.idx.msk [tilespmem:v0+s6+$0x0], $0xffff;
	_ =	sdelay $0x5  }
0x14f: {  	[tilespmem:s2+$0x1A7C0] =	vst v0;
	v2 =	vld [tilespmem:s2+$0x187E0]  }
0x150: {  	v0 =	vld.idx.msk [tilespmem:v1+s6+$0x0], $0xffff;
	_ =	sdelay $0x5  }
0x151: {  	[tilespmem:s2+$0x1A7D0] =	vst v0;
	v0 =	vld [tilespmem:s2+$0x187F0]  }
0x152: {  	v1 =	vld.idx.msk [tilespmem:v2+s6+$0x0], $0xffff  }
.Ltmp2:
0x153: {  	(pc) =	sbr.rel @p1 .LBB2_7-.Ltmp2, $2  }
0x154: {  	_ =	sdelay $0x2  }
0x155: {  	s5 =	sshra.s32 s0, $0x2;
	s0 =	sadd.s32 $0x400, s0  }
0x156: {  	_ =	sdelay $0x1  }
0x157: {  	v2 =	vld [tilespmem:s5+$0x18700]  }
0x158: {  	[tilespmem:s2+$0x1A7E0] =	vst v1  }
0x159: {  	v0 =	vld.idx.msk [tilespmem:v0+s6+$0x0], $0xffff;
	_ =	sdelay $0x3  }
0x15a: {  	v1 =	vld [tilespmem:s5+$0x18710]  }
0x15b: {  	[tilespmem:s2+$0x1A7F0] =	vst v0  }
0x15c: {  	v0 =	vld.idx.msk [tilespmem:v2+s6+$0x0], $0xffff;
	_ =	sdelay $0x4  }
0x15d: {  	[tilespmem:s5+$0x1A700] =	vst v0;
	v0 =	vld [tilespmem:s5+$0x18720]  }
0x15e: {  	v1 =	vld.idx.msk [tilespmem:v1+s6+$0x0], $0xffff;
	_ =	sdelay $0x4  }
0x15f: {  	[tilespmem:s5+$0x1A710] =	vst v1;
	v1 =	vld [tilespmem:s5+$0x18730];
	_ =	sdelay $0x1  }
0x160: {  	v0 =	vld.idx.msk [tilespmem:v0+s6+$0x0], $0xffff;
	_ =	sdelay $0x4  }
0x161: {  	[tilespmem:s5+$0x1A720] =	vst v0;
	v0 =	vld [tilespmem:s5+$0x18740]  }
0x162: {  	v1 =	vld.idx.msk [tilespmem:v1+s6+$0x0], $0xffff;
	_ =	sdelay $0x4  }
0x163: {  	[tilespmem:s5+$0x1A730] =	vst v1;
	v1 =	vld [tilespmem:s5+$0x18750];
	_ =	sdelay $0x1  }
0x164: {  	v0 =	vld.idx.msk [tilespmem:v0+s6+$0x0], $0xffff;
	_ =	sdelay $0x4  }
0x165: {  	[tilespmem:s5+$0x1A740] =	vst v0;
	v0 =	vld [tilespmem:s5+$0x18760]  }
0x166: {  	v1 =	vld.idx.msk [tilespmem:v1+s6+$0x0], $0xffff;
	_ =	sdelay $0x4  }
0x167: {  	[tilespmem:s5+$0x1A750] =	vst v1;
	v1 =	vld [tilespmem:s5+$0x18770];
	_ =	sdelay $0x1  }
0x168: {  	v0 =	vld.idx.msk [tilespmem:v0+s6+$0x0], $0xffff;
	_ =	sdelay $0x4  }
0x169: {  	[tilespmem:s5+$0x1A760] =	vst v0;
	v0 =	vld [tilespmem:s5+$0x18780]  }
0x16a: {  	v1 =	vld.idx.msk [tilespmem:v1+s6+$0x0], $0xffff;
	_ =	sdelay $0x4  }
0x16b: {  	[tilespmem:s5+$0x1A770] =	vst v1;
	v1 =	vld [tilespmem:s5+$0x18790];
	_ =	sdelay $0x1  }
0x16c: {  	v0 =	vld.idx.msk [tilespmem:v0+s6+$0x0], $0xffff;
	_ =	sdelay $0x4  }
0x16d: {  	[tilespmem:s5+$0x1A780] =	vst v0;
	v0 =	vld [tilespmem:s5+$0x187A0]  }
0x16e: {  	v1 =	vld.idx.msk [tilespmem:v1+s6+$0x0], $0xffff;
	_ =	sdelay $0x4  }
0x16f: {  	[tilespmem:s5+$0x1A790] =	vst v1;
	v1 =	vld [tilespmem:s5+$0x187B0];
	_ =	sdelay $0x1  }
0x170: {  	v0 =	vld.idx.msk [tilespmem:v0+s6+$0x0], $0xffff;
	_ =	sdelay $0x4  }
0x171: {  	[tilespmem:s5+$0x1A7A0] =	vst v0;
	v0 =	vld [tilespmem:s5+$0x187C0]  }
0x172: {  	v1 =	vld.idx.msk [tilespmem:v1+s6+$0x0], $0xffff;
	_ =	sdelay $0x4  }
0x173: {  	[tilespmem:s5+$0x1A7B0] =	vst v1;
	v1 =	vld [tilespmem:s5+$0x187D0];
	_ =	sdelay $0x1  }
0x174: {  	v0 =	vld.idx.msk [tilespmem:v0+s6+$0x0], $0xffff;
	_ =	sdelay $0x4  }
0x175: {  	[tilespmem:s5+$0x1A7C0] =	vst v0;
	v0 =	vld [tilespmem:s5+$0x187E0]  }
0x176: {  	v1 =	vld.idx.msk [tilespmem:v1+s6+$0x0], $0xffff;
	_ =	sdelay $0x4  }
0x177: {  	[tilespmem:s5+$0x1A7D0] =	vst v1;
	v1 =	vld [tilespmem:s5+$0x187F0];
	_ =	sdelay $0x1  }
0x178: {  	v0 =	vld.idx.msk [tilespmem:v0+s6+$0x0], $0xffff;
	_ =	sdelay $0x4  }
0x179: {  	[tilespmem:s5+$0x1A7E0] =	vst v0  }
0x17a: {  	v0 =	vld.idx.msk [tilespmem:v1+s6+$0x0], $0xffff;
	_ =	sdelay $0x3  }
0x17b: {  	s18 =	sor.u32 $0x2000, s19  }
0x17c: {  	s0 =	sadd.s32 s3, s18;
	[tilespmem:s5+$0x1A7F0] =	vst v0  }
0x17d: {  	[hbm4b:s0+s20] =	stream.strided.scatter [tilespmem:s28], [sflag:$0x4], $0x1000, s21, s20, $0x38;
	[tilespmem:$0x1CF00] =	vst v63  }
0x17e: {  	_ = 	snop  }
0x17f: {  	[tilespmem:s23], [sflag:$0x2] =	stream.strided.gather [spmem:s8], $0x1000, s22, s20, $0x38;
	[tilespmem:$0x1CF00] =	vst v63  }
0x180: {  	_ =	swait.ge [sflag:s29], $0x1000  }
0x181: {  	[sflag:s29] =	ssyncset.done $0x0  }
0x182: {  	[sflag:s29] =	ssyncadd.s32 $0xFFFFF000  }
0x183: {  	_ =	swait.ge [sflag:s1], $0x1000  }
0x184: {  	[sflag:s1] =	ssyncset.done $0x0  }
0x185: {  	s2 =	simm.s32 $0x0;
	[sflag:s1] =	ssyncadd.s32 $0xFFFFF000  }
0x186: {  	v0 =	vld [tilespmem:s2+$0x19700];
	_ =	sdelay $0x5  }
0x187: {  	v1 =	vld [tilespmem:s2+$0x19710];
	_ =	sdelay $0x1  }
0x188: {  	v0 =	vld.idx.msk [tilespmem:v0+s6+$0x0], $0xffff;
	_ =	sdelay $0x4  }
0x189: {  	[tilespmem:s2+$0x1B700] =	vst v0;
	v0 =	vld [tilespmem:s2+$0x19720]  }
0x18a: {  	v1 =	vld.idx.msk [tilespmem:v1+s6+$0x0], $0xffff;
	_ =	sdelay $0x4  }
0x18b: {  	[tilespmem:s2+$0x1B710] =	vst v1;
	v1 =	vld [tilespmem:s2+$0x19730];
	_ =	sdelay $0x1  }
0x18c: {  	v0 =	vld.idx.msk [tilespmem:v0+s6+$0x0], $0xffff;
	_ =	sdelay $0x4  }
0x18d: {  	[tilespmem:s2+$0x1B720] =	vst v0;
	v0 =	vld [tilespmem:s2+$0x19740]  }
0x18e: {  	v1 =	vld.idx.msk [tilespmem:v1+s6+$0x0], $0xffff;
	_ =	sdelay $0x4  }
0x18f: {  	[tilespmem:s2+$0x1B730] =	vst v1;
	v1 =	vld [tilespmem:s2+$0x19750];
	_ =	sdelay $0x1  }
0x190: {  	v0 =	vld.idx.msk [tilespmem:v0+s6+$0x0], $0xffff;
	_ =	sdelay $0x4  }
0x191: {  	[tilespmem:s2+$0x1B740] =	vst v0;
	v0 =	vld [tilespmem:s2+$0x19760]  }
0x192: {  	v1 =	vld.idx.msk [tilespmem:v1+s6+$0x0], $0xffff;
	_ =	sdelay $0x4  }
0x193: {  	[tilespmem:s2+$0x1B750] =	vst v1;
	v1 =	vld [tilespmem:s2+$0x19770];
	_ =	sdelay $0x1  }
0x194: {  	v0 =	vld.idx.msk [tilespmem:v0+s6+$0x0], $0xffff;
	_ =	sdelay $0x4  }
0x195: {  	[tilespmem:s2+$0x1B760] =	vst v0;
	v0 =	vld [tilespmem:s2+$0x19780]  }
0x196: {  	v1 =	vld.idx.msk [tilespmem:v1+s6+$0x0], $0xffff;
	_ =	sdelay $0x4  }
0x197: {  	[tilespmem:s2+$0x1B770] =	vst v1;
	v1 =	vld [tilespmem:s2+$0x19790];
	_ =	sdelay $0x1  }
0x198: {  	v0 =	vld.idx.msk [tilespmem:v0+s6+$0x0], $0xffff;
	_ =	sdelay $0x4  }
0x199: {  	[tilespmem:s2+$0x1B780] =	vst v0;
	v0 =	vld [tilespmem:s2+$0x197A0]  }
0x19a: {  	v1 =	vld.idx.msk [tilespmem:v1+s6+$0x0], $0xffff;
	_ =	sdelay $0x4  }
0x19b: {  	[tilespmem:s2+$0x1B790] =	vst v1;
	v1 =	vld [tilespmem:s2+$0x197B0];
	_ =	sdelay $0x1  }
0x19c: {  	v0 =	vld.idx.msk [tilespmem:v0+s6+$0x0], $0xffff;
	_ =	sdelay $0x4  }
0x19d: {  	[tilespmem:s2+$0x1B7A0] =	vst v0;
	v0 =	vld [tilespmem:s2+$0x197C0]  }
0x19e: {  	v1 =	vld.idx.msk [tilespmem:v1+s6+$0x0], $0xffff;
	_ =	sdelay $0x4  }
0x19f: {  	[tilespmem:s2+$0x1B7B0] =	vst v1;
	v1 =	vld [tilespmem:s2+$0x197D0];
	_ =	sdelay $0x1  }
0x1a0: {  	v0 =	vld.idx.msk [tilespmem:v0+s6+$0x0], $0xffff;
	_ =	sdelay $0x4  }
0x1a1: {  	v2 =	vld [tilespmem:s2+$0x197E0];
	[tilespmem:s2+$0x1B7C0] =	vst v0  }
0x1a2: {  	v0 =	vld.idx.msk [tilespmem:v1+s6+$0x0], $0xffff;
	_ =	sdelay $0x4  }
0x1a3: {  	[tilespmem:s2+$0x1B7D0] =	vst v0;
	v0 =	vld [tilespmem:s2+$0x197F0];
	_ =	sdelay $0x1  }
0x1a4: {  	v1 =	vld.idx.msk [tilespmem:v2+s6+$0x0], $0xffff;
	_ =	sdelay $0x3  }
0x1a5: {  	s5 =	simm.s32 $0x100;
	s0 =	simm.s32 $0x800  }
.LBB2_9:
0x1a6: {  	p1 =	sne.s32 s0, $0x3C00;
	v2 =	vld [tilespmem:s5+$0x19700];
	[tilespmem:s2+$0x1B7E0] =	vst v1  }
0x1a7: {  	v0 =	vld.idx.msk [tilespmem:v0+s6+$0x0], $0xffff;
	_ =	sdelay $0x5  }
0x1a8: {  	v1 =	vld [tilespmem:s5+$0x19710];
	[tilespmem:s2+$0x1B7F0] =	vst v0;
	s2 =	smov.u32 s5  }
0x1a9: {  	v0 =	vld.idx.msk [tilespmem:v2+s6+$0x0], $0xffff;
	_ =	sdelay $0x5  }
0x1aa: {  	[tilespmem:s2+$0x1B700] =	vst v0;
	v0 =	vld [tilespmem:s2+$0x19720]  }
0x1ab: {  	v1 =	vld.idx.msk [tilespmem:v1+s6+$0x0], $0xffff;
	_ =	sdelay $0x5  }
0x1ac: {  	[tilespmem:s2+$0x1B710] =	vst v1;
	v1 =	vld [tilespmem:s2+$0x19730]  }
0x1ad: {  	v0 =	vld.idx.msk [tilespmem:v0+s6+$0x0], $0xffff;
	_ =	sdelay $0x5  }
0x1ae: {  	[tilespmem:s2+$0x1B720] =	vst v0;
	v0 =	vld [tilespmem:s2+$0x19740]  }
0x1af: {  	v1 =	vld.idx.msk [tilespmem:v1+s6+$0x0], $0xffff;
	_ =	sdelay $0x5  }
0x1b0: {  	[tilespmem:s2+$0x1B730] =	vst v1;
	v1 =	vld [tilespmem:s2+$0x19750]  }
0x1b1: {  	v0 =	vld.idx.msk [tilespmem:v0+s6+$0x0], $0xffff;
	_ =	sdelay $0x5  }
0x1b2: {  	[tilespmem:s2+$0x1B740] =	vst v0;
	v0 =	vld [tilespmem:s2+$0x19760]  }
0x1b3: {  	v1 =	vld.idx.msk [tilespmem:v1+s6+$0x0], $0xffff;
	_ =	sdelay $0x5  }
0x1b4: {  	[tilespmem:s2+$0x1B750] =	vst v1;
	v1 =	vld [tilespmem:s2+$0x19770]  }
0x1b5: {  	v0 =	vld.idx.msk [tilespmem:v0+s6+$0x0], $0xffff;
	_ =	sdelay $0x5  }
0x1b6: {  	[tilespmem:s2+$0x1B760] =	vst v0;
	v0 =	vld [tilespmem:s2+$0x19780]  }
0x1b7: {  	v1 =	vld.idx.msk [tilespmem:v1+s6+$0x0], $0xffff;
	_ =	sdelay $0x5  }
0x1b8: {  	[tilespmem:s2+$0x1B770] =	vst v1;
	v1 =	vld [tilespmem:s2+$0x19790]  }
0x1b9: {  	v0 =	vld.idx.msk [tilespmem:v0+s6+$0x0], $0xffff;
	_ =	sdelay $0x5  }
0x1ba: {  	[tilespmem:s2+$0x1B780] =	vst v0;
	v0 =	vld [tilespmem:s2+$0x197A0]  }
0x1bb: {  	v1 =	vld.idx.msk [tilespmem:v1+s6+$0x0], $0xffff;
	_ =	sdelay $0x5  }
0x1bc: {  	[tilespmem:s2+$0x1B790] =	vst v1;
	v1 =	vld [tilespmem:s2+$0x197B0]  }
0x1bd: {  	v0 =	vld.idx.msk [tilespmem:v0+s6+$0x0], $0xffff;
	_ =	sdelay $0x5  }
0x1be: {  	[tilespmem:s2+$0x1B7A0] =	vst v0;
	v0 =	vld [tilespmem:s2+$0x197C0]  }
0x1bf: {  	v1 =	vld.idx.msk [tilespmem:v1+s6+$0x0], $0xffff;
	_ =	sdelay $0x5  }
0x1c0: {  	[tilespmem:s2+$0x1B7B0] =	vst v1;
	v1 =	vld [tilespmem:s2+$0x197D0]  }
0x1c1: {  	v0 =	vld.idx.msk [tilespmem:v0+s6+$0x0], $0xffff;
	_ =	sdelay $0x5  }
0x1c2: {  	[tilespmem:s2+$0x1B7C0] =	vst v0;
	v2 =	vld [tilespmem:s2+$0x197E0]  }
0x1c3: {  	v0 =	vld.idx.msk [tilespmem:v1+s6+$0x0], $0xffff;
	_ =	sdelay $0x5  }
0x1c4: {  	[tilespmem:s2+$0x1B7D0] =	vst v0;
	v0 =	vld [tilespmem:s2+$0x197F0]  }
0x1c5: {  	v1 =	vld.idx.msk [tilespmem:v2+s6+$0x0], $0xffff  }
.Ltmp3:
0x1c6: {  	(pc) =	sbr.rel @p1 .LBB2_9-.Ltmp3, $2  }
0x1c7: {  	_ =	sdelay $0x2  }
0x1c8: {  	s5 =	sshra.s32 s0, $0x2;
	s0 =	sadd.s32 $0x400, s0  }
0x1c9: {  	_ =	sdelay $0x1  }
0x1ca: {  	v2 =	vld [tilespmem:s5+$0x19700]  }
0x1cb: {  	[tilespmem:s2+$0x1B7E0] =	vst v1  }
0x1cc: {  	v0 =	vld.idx.msk [tilespmem:v0+s6+$0x0], $0xffff;
	_ =	sdelay $0x3  }
0x1cd: {  	v1 =	vld [tilespmem:s5+$0x19710]  }
0x1ce: {  	[tilespmem:s2+$0x1B7F0] =	vst v0  }
0x1cf: {  	v0 =	vld.idx.msk [tilespmem:v2+s6+$0x0], $0xffff;
	_ =	sdelay $0x4  }
0x1d0: {  	[tilespmem:s5+$0x1B700] =	vst v0;
	v0 =	vld [tilespmem:s5+$0x19720]  }
0x1d1: {  	v1 =	vld.idx.msk [tilespmem:v1+s6+$0x0], $0xffff;
	_ =	sdelay $0x4  }
0x1d2: {  	[tilespmem:s5+$0x1B710] =	vst v1;
	v1 =	vld [tilespmem:s5+$0x19730];
	_ =	sdelay $0x1  }
0x1d3: {  	v0 =	vld.idx.msk [tilespmem:v0+s6+$0x0], $0xffff;
	_ =	sdelay $0x4  }
0x1d4: {  	[tilespmem:s5+$0x1B720] =	vst v0;
	v0 =	vld [tilespmem:s5+$0x19740]  }
0x1d5: {  	v1 =	vld.idx.msk [tilespmem:v1+s6+$0x0], $0xffff;
	_ =	sdelay $0x4  }
0x1d6: {  	[tilespmem:s5+$0x1B730] =	vst v1;
	v1 =	vld [tilespmem:s5+$0x19750];
	_ =	sdelay $0x1  }
0x1d7: {  	v0 =	vld.idx.msk [tilespmem:v0+s6+$0x0], $0xffff;
	_ =	sdelay $0x4  }
0x1d8: {  	[tilespmem:s5+$0x1B740] =	vst v0;
	v0 =	vld [tilespmem:s5+$0x19760]  }
0x1d9: {  	v1 =	vld.idx.msk [tilespmem:v1+s6+$0x0], $0xffff;
	_ =	sdelay $0x4  }
0x1da: {  	[tilespmem:s5+$0x1B750] =	vst v1;
	v1 =	vld [tilespmem:s5+$0x19770];
	_ =	sdelay $0x1  }
0x1db: {  	v0 =	vld.idx.msk [tilespmem:v0+s6+$0x0], $0xffff;
	_ =	sdelay $0x4  }
0x1dc: {  	[tilespmem:s5+$0x1B760] =	vst v0;
	v0 =	vld [tilespmem:s5+$0x19780]  }
0x1dd: {  	v1 =	vld.idx.msk [tilespmem:v1+s6+$0x0], $0xffff;
	_ =	sdelay $0x4  }
0x1de: {  	[tilespmem:s5+$0x1B770] =	vst v1;
	v1 =	vld [tilespmem:s5+$0x19790];
	_ =	sdelay $0x1  }
0x1df: {  	v0 =	vld.idx.msk [tilespmem:v0+s6+$0x0], $0xffff;
	_ =	sdelay $0x4  }
0x1e0: {  	[tilespmem:s5+$0x1B780] =	vst v0;
	v0 =	vld [tilespmem:s5+$0x197A0]  }
0x1e1: {  	v1 =	vld.idx.msk [tilespmem:v1+s6+$0x0], $0xffff;
	_ =	sdelay $0x4  }
0x1e2: {  	[tilespmem:s5+$0x1B790] =	vst v1;
	v1 =	vld [tilespmem:s5+$0x197B0];
	_ =	sdelay $0x1  }
0x1e3: {  	v0 =	vld.idx.msk [tilespmem:v0+s6+$0x0], $0xffff;
	_ =	sdelay $0x4  }
0x1e4: {  	[tilespmem:s5+$0x1B7A0] =	vst v0;
	v0 =	vld [tilespmem:s5+$0x197C0]  }
0x1e5: {  	v1 =	vld.idx.msk [tilespmem:v1+s6+$0x0], $0xffff;
	_ =	sdelay $0x4  }
0x1e6: {  	[tilespmem:s5+$0x1B7B0] =	vst v1;
	v1 =	vld [tilespmem:s5+$0x197D0];
	_ =	sdelay $0x1  }
0x1e7: {  	v0 =	vld.idx.msk [tilespmem:v0+s6+$0x0], $0xffff;
	_ =	sdelay $0x4  }
0x1e8: {  	[tilespmem:s5+$0x1B7C0] =	vst v0;
	v0 =	vld [tilespmem:s5+$0x197E0]  }
0x1e9: {  	v1 =	vld.idx.msk [tilespmem:v1+s6+$0x0], $0xffff;
	_ =	sdelay $0x4  }
0x1ea: {  	[tilespmem:s5+$0x1B7D0] =	vst v1;
	v1 =	vld [tilespmem:s5+$0x197F0];
	_ =	sdelay $0x1  }
0x1eb: {  	v0 =	vld.idx.msk [tilespmem:v0+s6+$0x0], $0xffff;
	_ =	sdelay $0x4  }
0x1ec: {  	[tilespmem:s5+$0x1B7E0] =	vst v0  }
0x1ed: {  	v0 =	vld.idx.msk [tilespmem:v1+s6+$0x0], $0xffff;
	_ =	sdelay $0x3  }
0x1ee: {  	s2 =	sor.u32 $0x3000, s19  }
0x1ef: {  	s0 =	sadd.s32 s3, s2;
	[tilespmem:s5+$0x1B7F0] =	vst v0  }
0x1f0: {  	[hbm4b:s0+s20] =	stream.strided.scatter [tilespmem:s30], [sflag:$0x5], $0x1000, s21, s20, $0x38;
	[tilespmem:$0x1CF00] =	vst v63  }
0x1f1: {  	_ = 	snop  }
0x1f2: {  	[tilespmem:s25], [sflag:$0x3] =	stream.strided.gather [spmem:s14], $0x1000, s22, s20, $0x38;
	[tilespmem:$0x1CF00] =	vst v63  }
0x1f3: {  	_ =	swait.ge [sflag:s26], $0x1000  }
0x1f4: {  	[sflag:s26] =	ssyncset.done $0x0  }
0x1f5: {  	[sflag:s26] =	ssyncadd.s32 $0xFFFFF000  }
0x1f6: {  	_ =	swait.ge [sflag:s31], $0x1000  }
0x1f7: {  	[sflag:s31] =	ssyncset.done $0x0  }
0x1f8: {  	s0 =	simm.s32 $0x0;
	[sflag:s31] =	ssyncadd.s32 $0xFFFFF000  }
0x1f9: {  	v0 =	vld [tilespmem:s0+$0x18700];
	_ =	sdelay $0x5  }
0x1fa: {  	v1 =	vld [tilespmem:s0+$0x18710];
	_ =	sdelay $0x1  }
0x1fb: {  	v0 =	vld.idx.msk [tilespmem:v0+s6+$0x0], $0xffff;
	_ =	sdelay $0x4  }
0x1fc: {  	[tilespmem:s0+$0x1A700] =	vst v0;
	v0 =	vld [tilespmem:s0+$0x18720]  }
0x1fd: {  	v1 =	vld.idx.msk [tilespmem:v1+s6+$0x0], $0xffff;
	_ =	sdelay $0x4  }
0x1fe: {  	[tilespmem:s0+$0x1A710] =	vst v1;
	v1 =	vld [tilespmem:s0+$0x18730];
	_ =	sdelay $0x1  }
0x1ff: {  	v0 =	vld.idx.msk [tilespmem:v0+s6+$0x0], $0xffff;
	_ =	sdelay $0x4  }
0x200: {  	[tilespmem:s0+$0x1A720] =	vst v0;
	v0 =	vld [tilespmem:s0+$0x18740]  }
0x201: {  	v1 =	vld.idx.msk [tilespmem:v1+s6+$0x0], $0xffff;
	_ =	sdelay $0x4  }
0x202: {  	[tilespmem:s0+$0x1A730] =	vst v1;
	v1 =	vld [tilespmem:s0+$0x18750];
	_ =	sdelay $0x1  }
0x203: {  	v0 =	vld.idx.msk [tilespmem:v0+s6+$0x0], $0xffff;
	_ =	sdelay $0x4  }
0x204: {  	[tilespmem:s0+$0x1A740] =	vst v0;
	v0 =	vld [tilespmem:s0+$0x18760]  }
0x205: {  	v1 =	vld.idx.msk [tilespmem:v1+s6+$0x0], $0xffff;
	_ =	sdelay $0x4  }
0x206: {  	[tilespmem:s0+$0x1A750] =	vst v1;
	v1 =	vld [tilespmem:s0+$0x18770];
	_ =	sdelay $0x1  }
0x207: {  	v0 =	vld.idx.msk [tilespmem:v0+s6+$0x0], $0xffff;
	_ =	sdelay $0x4  }
0x208: {  	[tilespmem:s0+$0x1A760] =	vst v0;
	v0 =	vld [tilespmem:s0+$0x18780]  }
0x209: {  	v1 =	vld.idx.msk [tilespmem:v1+s6+$0x0], $0xffff;
	_ =	sdelay $0x4  }
0x20a: {  	[tilespmem:s0+$0x1A770] =	vst v1;
	v1 =	vld [tilespmem:s0+$0x18790];
	_ =	sdelay $0x1  }
0x20b: {  	v0 =	vld.idx.msk [tilespmem:v0+s6+$0x0], $0xffff;
	_ =	sdelay $0x4  }
0x20c: {  	[tilespmem:s0+$0x1A780] =	vst v0;
	v0 =	vld [tilespmem:s0+$0x187A0]  }
0x20d: {  	v1 =	vld.idx.msk [tilespmem:v1+s6+$0x0], $0xffff;
	_ =	sdelay $0x4  }
0x20e: {  	[tilespmem:s0+$0x1A790] =	vst v1;
	v1 =	vld [tilespmem:s0+$0x187B0];
	_ =	sdelay $0x1  }
0x20f: {  	v0 =	vld.idx.msk [tilespmem:v0+s6+$0x0], $0xffff;
	_ =	sdelay $0x4  }
0x210: {  	[tilespmem:s0+$0x1A7A0] =	vst v0;
	v0 =	vld [tilespmem:s0+$0x187C0]  }
0x211: {  	v1 =	vld.idx.msk [tilespmem:v1+s6+$0x0], $0xffff;
	_ =	sdelay $0x4  }
0x212: {  	[tilespmem:s0+$0x1A7B0] =	vst v1;
	v1 =	vld [tilespmem:s0+$0x187D0];
	_ =	sdelay $0x1  }
0x213: {  	v0 =	vld.idx.msk [tilespmem:v0+s6+$0x0], $0xffff;
	_ =	sdelay $0x4  }
0x214: {  	v2 =	vld [tilespmem:s0+$0x187E0];
	[tilespmem:s0+$0x1A7C0] =	vst v0  }
0x215: {  	v0 =	vld.idx.msk [tilespmem:v1+s6+$0x0], $0xffff;
	_ =	sdelay $0x4  }
0x216: {  	[tilespmem:s0+$0x1A7D0] =	vst v0;
	v0 =	vld [tilespmem:s0+$0x187F0];
	_ =	sdelay $0x1  }
0x217: {  	v1 =	vld.idx.msk [tilespmem:v2+s6+$0x0], $0xffff;
	_ =	sdelay $0x3  }
0x218: {  	s9 =	simm.s32 $0x100;
	s5 =	simm.s32 $0x800  }
.LBB2_11:
0x219: {  	p1 =	sne.s32 s5, $0x3C00;
	v2 =	vld [tilespmem:s9+$0x18700];
	[tilespmem:s0+$0x1A7E0] =	vst v1  }
0x21a: {  	v0 =	vld.idx.msk [tilespmem:v0+s6+$0x0], $0xffff;
	_ =	sdelay $0x5  }
0x21b: {  	v1 =	vld [tilespmem:s9+$0x18710];
	[tilespmem:s0+$0x1A7F0] =	vst v0;
	s0 =	smov.u32 s9  }
0x21c: {  	v0 =	vld.idx.msk [tilespmem:v2+s6+$0x0], $0xffff;
	_ =	sdelay $0x5  }
0x21d: {  	[tilespmem:s0+$0x1A700] =	vst v0;
	v0 =	vld [tilespmem:s0+$0x18720]  }
0x21e: {  	v1 =	vld.idx.msk [tilespmem:v1+s6+$0x0], $0xffff;
	_ =	sdelay $0x5  }
0x21f: {  	[tilespmem:s0+$0x1A710] =	vst v1;
	v1 =	vld [tilespmem:s0+$0x18730]  }
0x220: {  	v0 =	vld.idx.msk [tilespmem:v0+s6+$0x0], $0xffff;
	_ =	sdelay $0x5  }
0x221: {  	[tilespmem:s0+$0x1A720] =	vst v0;
	v0 =	vld [tilespmem:s0+$0x18740]  }
0x222: {  	v1 =	vld.idx.msk [tilespmem:v1+s6+$0x0], $0xffff;
	_ =	sdelay $0x5  }
0x223: {  	[tilespmem:s0+$0x1A730] =	vst v1;
	v1 =	vld [tilespmem:s0+$0x18750]  }
0x224: {  	v0 =	vld.idx.msk [tilespmem:v0+s6+$0x0], $0xffff;
	_ =	sdelay $0x5  }
0x225: {  	[tilespmem:s0+$0x1A740] =	vst v0;
	v0 =	vld [tilespmem:s0+$0x18760]  }
0x226: {  	v1 =	vld.idx.msk [tilespmem:v1+s6+$0x0], $0xffff;
	_ =	sdelay $0x5  }
0x227: {  	[tilespmem:s0+$0x1A750] =	vst v1;
	v1 =	vld [tilespmem:s0+$0x18770]  }
0x228: {  	v0 =	vld.idx.msk [tilespmem:v0+s6+$0x0], $0xffff;
	_ =	sdelay $0x5  }
0x229: {  	[tilespmem:s0+$0x1A760] =	vst v0;
	v0 =	vld [tilespmem:s0+$0x18780]  }
0x22a: {  	v1 =	vld.idx.msk [tilespmem:v1+s6+$0x0], $0xffff;
	_ =	sdelay $0x5  }
0x22b: {  	[tilespmem:s0+$0x1A770] =	vst v1;
	v1 =	vld [tilespmem:s0+$0x18790]  }
0x22c: {  	v0 =	vld.idx.msk [tilespmem:v0+s6+$0x0], $0xffff;
	_ =	sdelay $0x5  }
0x22d: {  	[tilespmem:s0+$0x1A780] =	vst v0;
	v0 =	vld [tilespmem:s0+$0x187A0]  }
0x22e: {  	v1 =	vld.idx.msk [tilespmem:v1+s6+$0x0], $0xffff;
	_ =	sdelay $0x5  }
0x22f: {  	[tilespmem:s0+$0x1A790] =	vst v1;
	v1 =	vld [tilespmem:s0+$0x187B0]  }
0x230: {  	v0 =	vld.idx.msk [tilespmem:v0+s6+$0x0], $0xffff;
	_ =	sdelay $0x5  }
0x231: {  	[tilespmem:s0+$0x1A7A0] =	vst v0;
	v0 =	vld [tilespmem:s0+$0x187C0]  }
0x232: {  	v1 =	vld.idx.msk [tilespmem:v1+s6+$0x0], $0xffff;
	_ =	sdelay $0x5  }
0x233: {  	[tilespmem:s0+$0x1A7B0] =	vst v1;
	v1 =	vld [tilespmem:s0+$0x187D0]  }
0x234: {  	v0 =	vld.idx.msk [tilespmem:v0+s6+$0x0], $0xffff;
	_ =	sdelay $0x5  }
0x235: {  	[tilespmem:s0+$0x1A7C0] =	vst v0;
	v2 =	vld [tilespmem:s0+$0x187E0]  }
0x236: {  	v0 =	vld.idx.msk [tilespmem:v1+s6+$0x0], $0xffff;
	_ =	sdelay $0x5  }
0x237: {  	[tilespmem:s0+$0x1A7D0] =	vst v0;
	v0 =	vld [tilespmem:s0+$0x187F0]  }
0x238: {  	v1 =	vld.idx.msk [tilespmem:v2+s6+$0x0], $0xffff  }
.Ltmp4:
0x239: {  	(pc) =	sbr.rel @p1 .LBB2_11-.Ltmp4, $2  }
0x23a: {  	_ =	sdelay $0x2  }
0x23b: {  	s9 =	sshra.s32 s5, $0x2;
	s5 =	sadd.s32 $0x400, s5  }
0x23c: {  	_ =	sdelay $0x1  }
0x23d: {  	v2 =	vld [tilespmem:s9+$0x18700]  }
0x23e: {  	[tilespmem:s0+$0x1A7E0] =	vst v1  }
0x23f: {  	v0 =	vld.idx.msk [tilespmem:v0+s6+$0x0], $0xffff;
	_ =	sdelay $0x3  }
0x240: {  	v1 =	vld [tilespmem:s9+$0x18710]  }
0x241: {  	[tilespmem:s0+$0x1A7F0] =	vst v0  }
0x242: {  	v0 =	vld.idx.msk [tilespmem:v2+s6+$0x0], $0xffff;
	_ =	sdelay $0x4  }
0x243: {  	[tilespmem:s9+$0x1A700] =	vst v0;
	v0 =	vld [tilespmem:s9+$0x18720]  }
0x244: {  	v1 =	vld.idx.msk [tilespmem:v1+s6+$0x0], $0xffff;
	_ =	sdelay $0x4  }
0x245: {  	[tilespmem:s9+$0x1A710] =	vst v1;
	v1 =	vld [tilespmem:s9+$0x18730];
	_ =	sdelay $0x1  }
0x246: {  	v0 =	vld.idx.msk [tilespmem:v0+s6+$0x0], $0xffff;
	_ =	sdelay $0x4  }
0x247: {  	[tilespmem:s9+$0x1A720] =	vst v0;
	v0 =	vld [tilespmem:s9+$0x18740]  }
0x248: {  	v1 =	vld.idx.msk [tilespmem:v1+s6+$0x0], $0xffff;
	_ =	sdelay $0x4  }
0x249: {  	[tilespmem:s9+$0x1A730] =	vst v1;
	v1 =	vld [tilespmem:s9+$0x18750];
	_ =	sdelay $0x1  }
0x24a: {  	v0 =	vld.idx.msk [tilespmem:v0+s6+$0x0], $0xffff;
	_ =	sdelay $0x4  }
0x24b: {  	[tilespmem:s9+$0x1A740] =	vst v0;
	v0 =	vld [tilespmem:s9+$0x18760]  }
0x24c: {  	v1 =	vld.idx.msk [tilespmem:v1+s6+$0x0], $0xffff;
	_ =	sdelay $0x4  }
0x24d: {  	[tilespmem:s9+$0x1A750] =	vst v1;
	v1 =	vld [tilespmem:s9+$0x18770];
	_ =	sdelay $0x1  }
0x24e: {  	v0 =	vld.idx.msk [tilespmem:v0+s6+$0x0], $0xffff;
	_ =	sdelay $0x4  }
0x24f: {  	[tilespmem:s9+$0x1A760] =	vst v0;
	v0 =	vld [tilespmem:s9+$0x18780]  }
0x250: {  	v1 =	vld.idx.msk [tilespmem:v1+s6+$0x0], $0xffff;
	_ =	sdelay $0x4  }
0x251: {  	[tilespmem:s9+$0x1A770] =	vst v1;
	v1 =	vld [tilespmem:s9+$0x18790];
	_ =	sdelay $0x1  }
0x252: {  	v0 =	vld.idx.msk [tilespmem:v0+s6+$0x0], $0xffff;
	_ =	sdelay $0x4  }
0x253: {  	[tilespmem:s9+$0x1A780] =	vst v0;
	v0 =	vld [tilespmem:s9+$0x187A0]  }
0x254: {  	v1 =	vld.idx.msk [tilespmem:v1+s6+$0x0], $0xffff;
	_ =	sdelay $0x4  }
0x255: {  	[tilespmem:s9+$0x1A790] =	vst v1;
	v1 =	vld [tilespmem:s9+$0x187B0];
	_ =	sdelay $0x1  }
0x256: {  	v0 =	vld.idx.msk [tilespmem:v0+s6+$0x0], $0xffff;
	_ =	sdelay $0x4  }
0x257: {  	[tilespmem:s9+$0x1A7A0] =	vst v0;
	v0 =	vld [tilespmem:s9+$0x187C0]  }
0x258: {  	v1 =	vld.idx.msk [tilespmem:v1+s6+$0x0], $0xffff;
	_ =	sdelay $0x4  }
0x259: {  	[tilespmem:s9+$0x1A7B0] =	vst v1;
	v1 =	vld [tilespmem:s9+$0x187D0];
	_ =	sdelay $0x1  }
0x25a: {  	v0 =	vld.idx.msk [tilespmem:v0+s6+$0x0], $0xffff;
	_ =	sdelay $0x4  }
0x25b: {  	[tilespmem:s9+$0x1A7C0] =	vst v0;
	v0 =	vld [tilespmem:s9+$0x187E0]  }
0x25c: {  	v1 =	vld.idx.msk [tilespmem:v1+s6+$0x0], $0xffff;
	_ =	sdelay $0x4  }
0x25d: {  	[tilespmem:s9+$0x1A7D0] =	vst v1;
	v1 =	vld [tilespmem:s9+$0x187F0];
	_ =	sdelay $0x1  }
0x25e: {  	v0 =	vld.idx.msk [tilespmem:v0+s6+$0x0], $0xffff;
	_ =	sdelay $0x4  }
0x25f: {  	[tilespmem:s9+$0x1A7E0] =	vst v0  }
0x260: {  	v0 =	vld.idx.msk [tilespmem:v1+s6+$0x0], $0xffff;
	_ =	sdelay $0x4  }
0x261: {  	s19 =	sadd.s32 s4, s19;
	[tilespmem:s9+$0x1A7F0] =	vst v0  }
0x262: {  	[hbm4b:s19+s20] =	stream.strided.scatter [tilespmem:s28], [sflag:$0x4], $0x1000, s21, s20, $0x38;
	[tilespmem:$0x1CF00] =	vst v63  }
0x263: {  	_ = 	snop  }
0x264: {  	[tilespmem:s23], [sflag:$0x2] =	stream.strided.gather [spmem:s15], $0x1000, s22, s20, $0x38;
	[tilespmem:$0x1CF00] =	vst v63  }
0x265: {  	_ =	swait.ge [sflag:s29], $0x1000  }
0x266: {  	[sflag:s29] =	ssyncset.done $0x0  }
0x267: {  	[sflag:s29] =	ssyncadd.s32 $0xFFFFF000  }
0x268: {  	_ =	swait.ge [sflag:s1], $0x1000  }
0x269: {  	[sflag:s1] =	ssyncset.done $0x0  }
0x26a: {  	s0 =	simm.s32 $0x0;
	[sflag:s1] =	ssyncadd.s32 $0xFFFFF000  }
0x26b: {  	v0 =	vld [tilespmem:s0+$0x19700];
	_ =	sdelay $0x5  }
0x26c: {  	v1 =	vld [tilespmem:s0+$0x19710];
	_ =	sdelay $0x1  }
0x26d: {  	v0 =	vld.idx.msk [tilespmem:v0+s6+$0x0], $0xffff;
	_ =	sdelay $0x4  }
0x26e: {  	[tilespmem:s0+$0x1B700] =	vst v0;
	v0 =	vld [tilespmem:s0+$0x19720]  }
0x26f: {  	v1 =	vld.idx.msk [tilespmem:v1+s6+$0x0], $0xffff;
	_ =	sdelay $0x4  }
0x270: {  	[tilespmem:s0+$0x1B710] =	vst v1;
	v1 =	vld [tilespmem:s0+$0x19730];
	_ =	sdelay $0x1  }
0x271: {  	v0 =	vld.idx.msk [tilespmem:v0+s6+$0x0], $0xffff;
	_ =	sdelay $0x4  }
0x272: {  	[tilespmem:s0+$0x1B720] =	vst v0;
	v0 =	vld [tilespmem:s0+$0x19740]  }
0x273: {  	v1 =	vld.idx.msk [tilespmem:v1+s6+$0x0], $0xffff;
	_ =	sdelay $0x4  }
0x274: {  	[tilespmem:s0+$0x1B730] =	vst v1;
	v1 =	vld [tilespmem:s0+$0x19750];
	_ =	sdelay $0x1  }
0x275: {  	v0 =	vld.idx.msk [tilespmem:v0+s6+$0x0], $0xffff;
	_ =	sdelay $0x4  }
0x276: {  	[tilespmem:s0+$0x1B740] =	vst v0;
	v0 =	vld [tilespmem:s0+$0x19760]  }
0x277: {  	v1 =	vld.idx.msk [tilespmem:v1+s6+$0x0], $0xffff;
	_ =	sdelay $0x4  }
0x278: {  	[tilespmem:s0+$0x1B750] =	vst v1;
	v1 =	vld [tilespmem:s0+$0x19770];
	_ =	sdelay $0x1  }
0x279: {  	v0 =	vld.idx.msk [tilespmem:v0+s6+$0x0], $0xffff;
	_ =	sdelay $0x4  }
0x27a: {  	[tilespmem:s0+$0x1B760] =	vst v0;
	v0 =	vld [tilespmem:s0+$0x19780]  }
0x27b: {  	v1 =	vld.idx.msk [tilespmem:v1+s6+$0x0], $0xffff;
	_ =	sdelay $0x4  }
0x27c: {  	[tilespmem:s0+$0x1B770] =	vst v1;
	v1 =	vld [tilespmem:s0+$0x19790];
	_ =	sdelay $0x1  }
0x27d: {  	v0 =	vld.idx.msk [tilespmem:v0+s6+$0x0], $0xffff;
	_ =	sdelay $0x4  }
0x27e: {  	[tilespmem:s0+$0x1B780] =	vst v0;
	v0 =	vld [tilespmem:s0+$0x197A0]  }
0x27f: {  	v1 =	vld.idx.msk [tilespmem:v1+s6+$0x0], $0xffff;
	_ =	sdelay $0x4  }
0x280: {  	[tilespmem:s0+$0x1B790] =	vst v1;
	v1 =	vld [tilespmem:s0+$0x197B0];
	_ =	sdelay $0x1  }
0x281: {  	v0 =	vld.idx.msk [tilespmem:v0+s6+$0x0], $0xffff;
	_ =	sdelay $0x4  }
0x282: {  	[tilespmem:s0+$0x1B7A0] =	vst v0;
	v0 =	vld [tilespmem:s0+$0x197C0]  }
0x283: {  	v1 =	vld.idx.msk [tilespmem:v1+s6+$0x0], $0xffff;
	_ =	sdelay $0x4  }
0x284: {  	[tilespmem:s0+$0x1B7B0] =	vst v1;
	v1 =	vld [tilespmem:s0+$0x197D0];
	_ =	sdelay $0x1  }
0x285: {  	v0 =	vld.idx.msk [tilespmem:v0+s6+$0x0], $0xffff;
	_ =	sdelay $0x4  }
0x286: {  	v2 =	vld [tilespmem:s0+$0x197E0];
	[tilespmem:s0+$0x1B7C0] =	vst v0  }
0x287: {  	v0 =	vld.idx.msk [tilespmem:v1+s6+$0x0], $0xffff;
	_ =	sdelay $0x4  }
0x288: {  	[tilespmem:s0+$0x1B7D0] =	vst v0;
	v0 =	vld [tilespmem:s0+$0x197F0];
	_ =	sdelay $0x1  }
0x289: {  	v1 =	vld.idx.msk [tilespmem:v2+s6+$0x0], $0xffff;
	_ =	sdelay $0x3  }
0x28a: {  	s5 =	simm.s32 $0x800;
	s9 =	simm.s32 $0x100  }
.LBB2_13:
0x28b: {  	p1 =	sne.s32 s5, $0x3C00;
	v2 =	vld [tilespmem:s9+$0x19700];
	[tilespmem:s0+$0x1B7E0] =	vst v1  }
0x28c: {  	v0 =	vld.idx.msk [tilespmem:v0+s6+$0x0], $0xffff;
	_ =	sdelay $0x5  }
0x28d: {  	v1 =	vld [tilespmem:s9+$0x19710];
	[tilespmem:s0+$0x1B7F0] =	vst v0;
	s0 =	smov.u32 s9  }
0x28e: {  	v0 =	vld.idx.msk [tilespmem:v2+s6+$0x0], $0xffff;
	_ =	sdelay $0x5  }
0x28f: {  	[tilespmem:s0+$0x1B700] =	vst v0;
	v0 =	vld [tilespmem:s0+$0x19720]  }
0x290: {  	v1 =	vld.idx.msk [tilespmem:v1+s6+$0x0], $0xffff;
	_ =	sdelay $0x5  }
0x291: {  	[tilespmem:s0+$0x1B710] =	vst v1;
	v1 =	vld [tilespmem:s0+$0x19730]  }
0x292: {  	v0 =	vld.idx.msk [tilespmem:v0+s6+$0x0], $0xffff;
	_ =	sdelay $0x5  }
0x293: {  	[tilespmem:s0+$0x1B720] =	vst v0;
	v0 =	vld [tilespmem:s0+$0x19740]  }
0x294: {  	v1 =	vld.idx.msk [tilespmem:v1+s6+$0x0], $0xffff;
	_ =	sdelay $0x5  }
0x295: {  	[tilespmem:s0+$0x1B730] =	vst v1;
	v1 =	vld [tilespmem:s0+$0x19750]  }
0x296: {  	v0 =	vld.idx.msk [tilespmem:v0+s6+$0x0], $0xffff;
	_ =	sdelay $0x5  }
0x297: {  	[tilespmem:s0+$0x1B740] =	vst v0;
	v0 =	vld [tilespmem:s0+$0x19760]  }
0x298: {  	v1 =	vld.idx.msk [tilespmem:v1+s6+$0x0], $0xffff;
	_ =	sdelay $0x5  }
0x299: {  	[tilespmem:s0+$0x1B750] =	vst v1;
	v1 =	vld [tilespmem:s0+$0x19770]  }
0x29a: {  	v0 =	vld.idx.msk [tilespmem:v0+s6+$0x0], $0xffff;
	_ =	sdelay $0x5  }
0x29b: {  	[tilespmem:s0+$0x1B760] =	vst v0;
	v0 =	vld [tilespmem:s0+$0x19780]  }
0x29c: {  	v1 =	vld.idx.msk [tilespmem:v1+s6+$0x0], $0xffff;
	_ =	sdelay $0x5  }
0x29d: {  	[tilespmem:s0+$0x1B770] =	vst v1;
	v1 =	vld [tilespmem:s0+$0x19790]  }
0x29e: {  	v0 =	vld.idx.msk [tilespmem:v0+s6+$0x0], $0xffff;
	_ =	sdelay $0x5  }
0x29f: {  	[tilespmem:s0+$0x1B780] =	vst v0;
	v0 =	vld [tilespmem:s0+$0x197A0]  }
0x2a0: {  	v1 =	vld.idx.msk [tilespmem:v1+s6+$0x0], $0xffff;
	_ =	sdelay $0x5  }
0x2a1: {  	[tilespmem:s0+$0x1B790] =	vst v1;
	v1 =	vld [tilespmem:s0+$0x197B0]  }
0x2a2: {  	v0 =	vld.idx.msk [tilespmem:v0+s6+$0x0], $0xffff;
	_ =	sdelay $0x5  }
0x2a3: {  	[tilespmem:s0+$0x1B7A0] =	vst v0;
	v0 =	vld [tilespmem:s0+$0x197C0]  }
0x2a4: {  	v1 =	vld.idx.msk [tilespmem:v1+s6+$0x0], $0xffff;
	_ =	sdelay $0x5  }
0x2a5: {  	[tilespmem:s0+$0x1B7B0] =	vst v1;
	v1 =	vld [tilespmem:s0+$0x197D0]  }
0x2a6: {  	v0 =	vld.idx.msk [tilespmem:v0+s6+$0x0], $0xffff;
	_ =	sdelay $0x5  }
0x2a7: {  	[tilespmem:s0+$0x1B7C0] =	vst v0;
	v2 =	vld [tilespmem:s0+$0x197E0]  }
0x2a8: {  	v0 =	vld.idx.msk [tilespmem:v1+s6+$0x0], $0xffff;
	_ =	sdelay $0x5  }
0x2a9: {  	[tilespmem:s0+$0x1B7D0] =	vst v0;
	v0 =	vld [tilespmem:s0+$0x197F0]  }
0x2aa: {  	v1 =	vld.idx.msk [tilespmem:v2+s6+$0x0], $0xffff  }
.Ltmp5:
0x2ab: {  	(pc) =	sbr.rel @p1 .LBB2_13-.Ltmp5, $2  }
0x2ac: {  	_ =	sdelay $0x2  }
0x2ad: {  	s9 =	sshra.s32 s5, $0x2;
	s5 =	sadd.s32 $0x400, s5  }
0x2ae: {  	_ =	sdelay $0x1  }
0x2af: {  	v2 =	vld [tilespmem:s9+$0x19700]  }
0x2b0: {  	[tilespmem:s0+$0x1B7E0] =	vst v1  }
0x2b1: {  	v0 =	vld.idx.msk [tilespmem:v0+s6+$0x0], $0xffff;
	_ =	sdelay $0x3  }
0x2b2: {  	v1 =	vld [tilespmem:s9+$0x19710]  }
0x2b3: {  	[tilespmem:s0+$0x1B7F0] =	vst v0  }
0x2b4: {  	v0 =	vld.idx.msk [tilespmem:v2+s6+$0x0], $0xffff;
	_ =	sdelay $0x4  }
0x2b5: {  	[tilespmem:s9+$0x1B700] =	vst v0;
	v0 =	vld [tilespmem:s9+$0x19720]  }
0x2b6: {  	v1 =	vld.idx.msk [tilespmem:v1+s6+$0x0], $0xffff;
	_ =	sdelay $0x4  }
0x2b7: {  	[tilespmem:s9+$0x1B710] =	vst v1;
	v1 =	vld [tilespmem:s9+$0x19730];
	_ =	sdelay $0x1  }
0x2b8: {  	v0 =	vld.idx.msk [tilespmem:v0+s6+$0x0], $0xffff;
	_ =	sdelay $0x4  }
0x2b9: {  	[tilespmem:s9+$0x1B720] =	vst v0;
	v0 =	vld [tilespmem:s9+$0x19740]  }
0x2ba: {  	v1 =	vld.idx.msk [tilespmem:v1+s6+$0x0], $0xffff;
	_ =	sdelay $0x4  }
0x2bb: {  	[tilespmem:s9+$0x1B730] =	vst v1;
	v1 =	vld [tilespmem:s9+$0x19750];
	_ =	sdelay $0x1  }
0x2bc: {  	v0 =	vld.idx.msk [tilespmem:v0+s6+$0x0], $0xffff;
	_ =	sdelay $0x4  }
0x2bd: {  	[tilespmem:s9+$0x1B740] =	vst v0;
	v0 =	vld [tilespmem:s9+$0x19760]  }
0x2be: {  	v1 =	vld.idx.msk [tilespmem:v1+s6+$0x0], $0xffff;
	_ =	sdelay $0x4  }
0x2bf: {  	[tilespmem:s9+$0x1B750] =	vst v1;
	v1 =	vld [tilespmem:s9+$0x19770];
	_ =	sdelay $0x1  }
0x2c0: {  	v0 =	vld.idx.msk [tilespmem:v0+s6+$0x0], $0xffff;
	_ =	sdelay $0x4  }
0x2c1: {  	[tilespmem:s9+$0x1B760] =	vst v0;
	v0 =	vld [tilespmem:s9+$0x19780]  }
0x2c2: {  	v1 =	vld.idx.msk [tilespmem:v1+s6+$0x0], $0xffff;
	_ =	sdelay $0x4  }
0x2c3: {  	[tilespmem:s9+$0x1B770] =	vst v1;
	v1 =	vld [tilespmem:s9+$0x19790];
	_ =	sdelay $0x1  }
0x2c4: {  	v0 =	vld.idx.msk [tilespmem:v0+s6+$0x0], $0xffff;
	_ =	sdelay $0x4  }
0x2c5: {  	[tilespmem:s9+$0x1B780] =	vst v0;
	v0 =	vld [tilespmem:s9+$0x197A0]  }
0x2c6: {  	v1 =	vld.idx.msk [tilespmem:v1+s6+$0x0], $0xffff;
	_ =	sdelay $0x4  }
0x2c7: {  	[tilespmem:s9+$0x1B790] =	vst v1;
	v1 =	vld [tilespmem:s9+$0x197B0];
	_ =	sdelay $0x1  }
0x2c8: {  	v0 =	vld.idx.msk [tilespmem:v0+s6+$0x0], $0xffff;
	_ =	sdelay $0x4  }
0x2c9: {  	[tilespmem:s9+$0x1B7A0] =	vst v0;
	v0 =	vld [tilespmem:s9+$0x197C0]  }
0x2ca: {  	v1 =	vld.idx.msk [tilespmem:v1+s6+$0x0], $0xffff;
	_ =	sdelay $0x4  }
0x2cb: {  	[tilespmem:s9+$0x1B7B0] =	vst v1;
	v1 =	vld [tilespmem:s9+$0x197D0];
	_ =	sdelay $0x1  }
0x2cc: {  	v0 =	vld.idx.msk [tilespmem:v0+s6+$0x0], $0xffff;
	_ =	sdelay $0x4  }
0x2cd: {  	[tilespmem:s9+$0x1B7C0] =	vst v0;
	v0 =	vld [tilespmem:s9+$0x197E0]  }
0x2ce: {  	v1 =	vld.idx.msk [tilespmem:v1+s6+$0x0], $0xffff;
	_ =	sdelay $0x4  }
0x2cf: {  	[tilespmem:s9+$0x1B7D0] =	vst v1;
	v1 =	vld [tilespmem:s9+$0x197F0];
	_ =	sdelay $0x1  }
0x2d0: {  	v0 =	vld.idx.msk [tilespmem:v0+s6+$0x0], $0xffff;
	_ =	sdelay $0x4  }
0x2d1: {  	[tilespmem:s9+$0x1B7E0] =	vst v0  }
0x2d2: {  	v0 =	vld.idx.msk [tilespmem:v1+s6+$0x0], $0xffff;
	_ =	sdelay $0x4  }
0x2d3: {  	s19 =	sadd.s32 s4, s17;
	[tilespmem:s9+$0x1B7F0] =	vst v0  }
0x2d4: {  	[hbm4b:s19+s20] =	stream.strided.scatter [tilespmem:s30], [sflag:$0x5], $0x1000, s21, s20, $0x38;
	[tilespmem:$0x1CF00] =	vst v63  }
0x2d5: {  	_ = 	snop  }
0x2d6: {  	[tilespmem:s25], [sflag:$0x3] =	stream.strided.gather [spmem:s16], $0x1000, s22, s20, $0x38;
	[tilespmem:$0x1CF00] =	vst v63  }
0x2d7: {  	_ =	swait.ge [sflag:s26], $0x1000  }
0x2d8: {  	[sflag:s26] =	ssyncset.done $0x0  }
0x2d9: {  	[sflag:s26] =	ssyncadd.s32 $0xFFFFF000  }
0x2da: {  	_ =	swait.ge [sflag:s31], $0x1000  }
0x2db: {  	[sflag:s31] =	ssyncset.done $0x0  }
0x2dc: {  	s0 =	simm.s32 $0x0;
	[sflag:s31] =	ssyncadd.s32 $0xFFFFF000  }
0x2dd: {  	v0 =	vld [tilespmem:s0+$0x18700];
	_ =	sdelay $0x5  }
0x2de: {  	v1 =	vld [tilespmem:s0+$0x18710];
	_ =	sdelay $0x1  }
0x2df: {  	v0 =	vld.idx.msk [tilespmem:v0+s6+$0x0], $0xffff;
	_ =	sdelay $0x4  }
0x2e0: {  	[tilespmem:s0+$0x1A700] =	vst v0;
	v0 =	vld [tilespmem:s0+$0x18720]  }
0x2e1: {  	v1 =	vld.idx.msk [tilespmem:v1+s6+$0x0], $0xffff;
	_ =	sdelay $0x4  }
0x2e2: {  	[tilespmem:s0+$0x1A710] =	vst v1;
	v1 =	vld [tilespmem:s0+$0x18730];
	_ =	sdelay $0x1  }
0x2e3: {  	v0 =	vld.idx.msk [tilespmem:v0+s6+$0x0], $0xffff;
	_ =	sdelay $0x4  }
0x2e4: {  	[tilespmem:s0+$0x1A720] =	vst v0;
	v0 =	vld [tilespmem:s0+$0x18740]  }
0x2e5: {  	v1 =	vld.idx.msk [tilespmem:v1+s6+$0x0], $0xffff;
	_ =	sdelay $0x4  }
0x2e6: {  	[tilespmem:s0+$0x1A730] =	vst v1;
	v1 =	vld [tilespmem:s0+$0x18750];
	_ =	sdelay $0x1  }
0x2e7: {  	v0 =	vld.idx.msk [tilespmem:v0+s6+$0x0], $0xffff;
	_ =	sdelay $0x4  }
0x2e8: {  	[tilespmem:s0+$0x1A740] =	vst v0;
	v0 =	vld [tilespmem:s0+$0x18760]  }
0x2e9: {  	v1 =	vld.idx.msk [tilespmem:v1+s6+$0x0], $0xffff;
	_ =	sdelay $0x4  }
0x2ea: {  	[tilespmem:s0+$0x1A750] =	vst v1;
	v1 =	vld [tilespmem:s0+$0x18770];
	_ =	sdelay $0x1  }
0x2eb: {  	v0 =	vld.idx.msk [tilespmem:v0+s6+$0x0], $0xffff;
	_ =	sdelay $0x4  }
0x2ec: {  	[tilespmem:s0+$0x1A760] =	vst v0;
	v0 =	vld [tilespmem:s0+$0x18780]  }
0x2ed: {  	v1 =	vld.idx.msk [tilespmem:v1+s6+$0x0], $0xffff;
	_ =	sdelay $0x4  }
0x2ee: {  	[tilespmem:s0+$0x1A770] =	vst v1;
	v1 =	vld [tilespmem:s0+$0x18790];
	_ =	sdelay $0x1  }
0x2ef: {  	v0 =	vld.idx.msk [tilespmem:v0+s6+$0x0], $0xffff;
	_ =	sdelay $0x4  }
0x2f0: {  	[tilespmem:s0+$0x1A780] =	vst v0;
	v0 =	vld [tilespmem:s0+$0x187A0]  }
0x2f1: {  	v1 =	vld.idx.msk [tilespmem:v1+s6+$0x0], $0xffff;
	_ =	sdelay $0x4  }
0x2f2: {  	[tilespmem:s0+$0x1A790] =	vst v1;
	v1 =	vld [tilespmem:s0+$0x187B0];
	_ =	sdelay $0x1  }
0x2f3: {  	v0 =	vld.idx.msk [tilespmem:v0+s6+$0x0], $0xffff;
	_ =	sdelay $0x4  }
0x2f4: {  	[tilespmem:s0+$0x1A7A0] =	vst v0;
	v0 =	vld [tilespmem:s0+$0x187C0]  }
0x2f5: {  	v1 =	vld.idx.msk [tilespmem:v1+s6+$0x0], $0xffff;
	_ =	sdelay $0x4  }
0x2f6: {  	[tilespmem:s0+$0x1A7B0] =	vst v1;
	v1 =	vld [tilespmem:s0+$0x187D0];
	_ =	sdelay $0x1  }
0x2f7: {  	v0 =	vld.idx.msk [tilespmem:v0+s6+$0x0], $0xffff;
	_ =	sdelay $0x4  }
0x2f8: {  	v2 =	vld [tilespmem:s0+$0x187E0];
	[tilespmem:s0+$0x1A7C0] =	vst v0  }
0x2f9: {  	v0 =	vld.idx.msk [tilespmem:v1+s6+$0x0], $0xffff;
	_ =	sdelay $0x4  }
0x2fa: {  	[tilespmem:s0+$0x1A7D0] =	vst v0;
	v0 =	vld [tilespmem:s0+$0x187F0];
	_ =	sdelay $0x1  }
0x2fb: {  	v1 =	vld.idx.msk [tilespmem:v2+s6+$0x0], $0xffff;
	_ =	sdelay $0x3  }
0x2fc: {  	s5 =	simm.s32 $0x800;
	s9 =	simm.s32 $0x100  }
.LBB2_15:
0x2fd: {  	p1 =	sne.s32 s5, $0x3C00;
	v2 =	vld [tilespmem:s9+$0x18700];
	[tilespmem:s0+$0x1A7E0] =	vst v1  }
0x2fe: {  	v0 =	vld.idx.msk [tilespmem:v0+s6+$0x0], $0xffff;
	_ =	sdelay $0x5  }
0x2ff: {  	v1 =	vld [tilespmem:s9+$0x18710];
	[tilespmem:s0+$0x1A7F0] =	vst v0;
	s0 =	smov.u32 s9  }
0x300: {  	v0 =	vld.idx.msk [tilespmem:v2+s6+$0x0], $0xffff;
	_ =	sdelay $0x5  }
0x301: {  	[tilespmem:s0+$0x1A700] =	vst v0;
	v0 =	vld [tilespmem:s0+$0x18720]  }
0x302: {  	v1 =	vld.idx.msk [tilespmem:v1+s6+$0x0], $0xffff;
	_ =	sdelay $0x5  }
0x303: {  	[tilespmem:s0+$0x1A710] =	vst v1;
	v1 =	vld [tilespmem:s0+$0x18730]  }
0x304: {  	v0 =	vld.idx.msk [tilespmem:v0+s6+$0x0], $0xffff;
	_ =	sdelay $0x5  }
0x305: {  	[tilespmem:s0+$0x1A720] =	vst v0;
	v0 =	vld [tilespmem:s0+$0x18740]  }
0x306: {  	v1 =	vld.idx.msk [tilespmem:v1+s6+$0x0], $0xffff;
	_ =	sdelay $0x5  }
0x307: {  	[tilespmem:s0+$0x1A730] =	vst v1;
	v1 =	vld [tilespmem:s0+$0x18750]  }
0x308: {  	v0 =	vld.idx.msk [tilespmem:v0+s6+$0x0], $0xffff;
	_ =	sdelay $0x5  }
0x309: {  	[tilespmem:s0+$0x1A740] =	vst v0;
	v0 =	vld [tilespmem:s0+$0x18760]  }
0x30a: {  	v1 =	vld.idx.msk [tilespmem:v1+s6+$0x0], $0xffff;
	_ =	sdelay $0x5  }
0x30b: {  	[tilespmem:s0+$0x1A750] =	vst v1;
	v1 =	vld [tilespmem:s0+$0x18770]  }
0x30c: {  	v0 =	vld.idx.msk [tilespmem:v0+s6+$0x0], $0xffff;
	_ =	sdelay $0x5  }
0x30d: {  	[tilespmem:s0+$0x1A760] =	vst v0;
	v0 =	vld [tilespmem:s0+$0x18780]  }
0x30e: {  	v1 =	vld.idx.msk [tilespmem:v1+s6+$0x0], $0xffff;
	_ =	sdelay $0x5  }
0x30f: {  	[tilespmem:s0+$0x1A770] =	vst v1;
	v1 =	vld [tilespmem:s0+$0x18790]  }
0x310: {  	v0 =	vld.idx.msk [tilespmem:v0+s6+$0x0], $0xffff;
	_ =	sdelay $0x5  }
0x311: {  	[tilespmem:s0+$0x1A780] =	vst v0;
	v0 =	vld [tilespmem:s0+$0x187A0]  }
0x312: {  	v1 =	vld.idx.msk [tilespmem:v1+s6+$0x0], $0xffff;
	_ =	sdelay $0x5  }
0x313: {  	[tilespmem:s0+$0x1A790] =	vst v1;
	v1 =	vld [tilespmem:s0+$0x187B0]  }
0x314: {  	v0 =	vld.idx.msk [tilespmem:v0+s6+$0x0], $0xffff;
	_ =	sdelay $0x5  }
0x315: {  	[tilespmem:s0+$0x1A7A0] =	vst v0;
	v0 =	vld [tilespmem:s0+$0x187C0]  }
0x316: {  	v1 =	vld.idx.msk [tilespmem:v1+s6+$0x0], $0xffff;
	_ =	sdelay $0x5  }
0x317: {  	[tilespmem:s0+$0x1A7B0] =	vst v1;
	v1 =	vld [tilespmem:s0+$0x187D0]  }
0x318: {  	v0 =	vld.idx.msk [tilespmem:v0+s6+$0x0], $0xffff;
	_ =	sdelay $0x5  }
0x319: {  	[tilespmem:s0+$0x1A7C0] =	vst v0;
	v2 =	vld [tilespmem:s0+$0x187E0]  }
0x31a: {  	v0 =	vld.idx.msk [tilespmem:v1+s6+$0x0], $0xffff;
	_ =	sdelay $0x5  }
0x31b: {  	[tilespmem:s0+$0x1A7D0] =	vst v0;
	v0 =	vld [tilespmem:s0+$0x187F0]  }
0x31c: {  	v1 =	vld.idx.msk [tilespmem:v2+s6+$0x0], $0xffff  }
.Ltmp6:
0x31d: {  	(pc) =	sbr.rel @p1 .LBB2_15-.Ltmp6, $2  }
0x31e: {  	_ =	sdelay $0x2  }
0x31f: {  	s9 =	sshra.s32 s5, $0x2;
	s5 =	sadd.s32 $0x400, s5  }
0x320: {  	_ =	sdelay $0x1  }
0x321: {  	v2 =	vld [tilespmem:s9+$0x18700]  }
0x322: {  	[tilespmem:s0+$0x1A7E0] =	vst v1  }
0x323: {  	v0 =	vld.idx.msk [tilespmem:v0+s6+$0x0], $0xffff;
	_ =	sdelay $0x3  }
0x324: {  	v1 =	vld [tilespmem:s9+$0x18710]  }
0x325: {  	[tilespmem:s0+$0x1A7F0] =	vst v0  }
0x326: {  	v0 =	vld.idx.msk [tilespmem:v2+s6+$0x0], $0xffff;
	_ =	sdelay $0x4  }
0x327: {  	[tilespmem:s9+$0x1A700] =	vst v0;
	v0 =	vld [tilespmem:s9+$0x18720]  }
0x328: {  	v1 =	vld.idx.msk [tilespmem:v1+s6+$0x0], $0xffff;
	_ =	sdelay $0x4  }
0x329: {  	[tilespmem:s9+$0x1A710] =	vst v1;
	v1 =	vld [tilespmem:s9+$0x18730];
	_ =	sdelay $0x1  }
0x32a: {  	v0 =	vld.idx.msk [tilespmem:v0+s6+$0x0], $0xffff;
	_ =	sdelay $0x4  }
0x32b: {  	[tilespmem:s9+$0x1A720] =	vst v0;
	v0 =	vld [tilespmem:s9+$0x18740]  }
0x32c: {  	v1 =	vld.idx.msk [tilespmem:v1+s6+$0x0], $0xffff;
	_ =	sdelay $0x4  }
0x32d: {  	[tilespmem:s9+$0x1A730] =	vst v1;
	v1 =	vld [tilespmem:s9+$0x18750];
	_ =	sdelay $0x1  }
0x32e: {  	v0 =	vld.idx.msk [tilespmem:v0+s6+$0x0], $0xffff;
	_ =	sdelay $0x4  }
0x32f: {  	[tilespmem:s9+$0x1A740] =	vst v0;
	v0 =	vld [tilespmem:s9+$0x18760]  }
0x330: {  	v1 =	vld.idx.msk [tilespmem:v1+s6+$0x0], $0xffff;
	_ =	sdelay $0x4  }
0x331: {  	[tilespmem:s9+$0x1A750] =	vst v1;
	v1 =	vld [tilespmem:s9+$0x18770];
	_ =	sdelay $0x1  }
0x332: {  	v0 =	vld.idx.msk [tilespmem:v0+s6+$0x0], $0xffff;
	_ =	sdelay $0x4  }
0x333: {  	[tilespmem:s9+$0x1A760] =	vst v0;
	v0 =	vld [tilespmem:s9+$0x18780]  }
0x334: {  	v1 =	vld.idx.msk [tilespmem:v1+s6+$0x0], $0xffff;
	_ =	sdelay $0x4  }
0x335: {  	[tilespmem:s9+$0x1A770] =	vst v1;
	v1 =	vld [tilespmem:s9+$0x18790];
	_ =	sdelay $0x1  }
0x336: {  	v0 =	vld.idx.msk [tilespmem:v0+s6+$0x0], $0xffff;
	_ =	sdelay $0x4  }
0x337: {  	[tilespmem:s9+$0x1A780] =	vst v0;
	v0 =	vld [tilespmem:s9+$0x187A0]  }
0x338: {  	v1 =	vld.idx.msk [tilespmem:v1+s6+$0x0], $0xffff;
	_ =	sdelay $0x4  }
0x339: {  	[tilespmem:s9+$0x1A790] =	vst v1;
	v1 =	vld [tilespmem:s9+$0x187B0];
	_ =	sdelay $0x1  }
0x33a: {  	v0 =	vld.idx.msk [tilespmem:v0+s6+$0x0], $0xffff;
	_ =	sdelay $0x4  }
0x33b: {  	[tilespmem:s9+$0x1A7A0] =	vst v0;
	v0 =	vld [tilespmem:s9+$0x187C0]  }
0x33c: {  	v1 =	vld.idx.msk [tilespmem:v1+s6+$0x0], $0xffff;
	_ =	sdelay $0x4  }
0x33d: {  	[tilespmem:s9+$0x1A7B0] =	vst v1;
	v1 =	vld [tilespmem:s9+$0x187D0];
	_ =	sdelay $0x1  }
0x33e: {  	v0 =	vld.idx.msk [tilespmem:v0+s6+$0x0], $0xffff;
	_ =	sdelay $0x4  }
0x33f: {  	[tilespmem:s9+$0x1A7C0] =	vst v0;
	v0 =	vld [tilespmem:s9+$0x187E0]  }
0x340: {  	v1 =	vld.idx.msk [tilespmem:v1+s6+$0x0], $0xffff;
	_ =	sdelay $0x4  }
0x341: {  	[tilespmem:s9+$0x1A7D0] =	vst v1;
	v1 =	vld [tilespmem:s9+$0x187F0];
	_ =	sdelay $0x1  }
0x342: {  	v0 =	vld.idx.msk [tilespmem:v0+s6+$0x0], $0xffff;
	_ =	sdelay $0x4  }
0x343: {  	[tilespmem:s9+$0x1A7E0] =	vst v0  }
0x344: {  	v0 =	vld.idx.msk [tilespmem:v1+s6+$0x0], $0xffff;
	_ =	sdelay $0x4  }
0x345: {  	s19 =	sadd.s32 s4, s18;
	[tilespmem:s9+$0x1A7F0] =	vst v0  }
0x346: {  	[hbm4b:s19+s20] =	stream.strided.scatter [tilespmem:s28], [sflag:$0x4], $0x1000, s21, s20, $0x38;
	[tilespmem:$0x1CF00] =	vst v63  }
0x347: {  	_ =	swait.ge [sflag:s29], $0x1000  }
0x348: {  	[sflag:s29] =	ssyncset.done $0x0  }
0x349: {  	[sflag:s29] =	ssyncadd.s32 $0xFFFFF000  }
0x34a: {  	_ =	swait.ge [sflag:s1], $0x1000  }
0x34b: {  	[sflag:s1] =	ssyncset.done $0x0  }
0x34c: {  	s0 =	simm.s32 $0x0;
	[sflag:s1] =	ssyncadd.s32 $0xFFFFF000  }
0x34d: {  	v0 =	vld [tilespmem:s0+$0x19700];
	_ =	sdelay $0x5  }
0x34e: {  	v1 =	vld [tilespmem:s0+$0x19710];
	_ =	sdelay $0x1  }
0x34f: {  	v0 =	vld.idx.msk [tilespmem:v0+s6+$0x0], $0xffff;
	_ =	sdelay $0x4  }
0x350: {  	[tilespmem:s0+$0x1B700] =	vst v0;
	v0 =	vld [tilespmem:s0+$0x19720]  }
0x351: {  	v1 =	vld.idx.msk [tilespmem:v1+s6+$0x0], $0xffff;
	_ =	sdelay $0x4  }
0x352: {  	[tilespmem:s0+$0x1B710] =	vst v1;
	v1 =	vld [tilespmem:s0+$0x19730];
	_ =	sdelay $0x1  }
0x353: {  	v0 =	vld.idx.msk [tilespmem:v0+s6+$0x0], $0xffff;
	_ =	sdelay $0x4  }
0x354: {  	[tilespmem:s0+$0x1B720] =	vst v0;
	v0 =	vld [tilespmem:s0+$0x19740]  }
0x355: {  	v1 =	vld.idx.msk [tilespmem:v1+s6+$0x0], $0xffff;
	_ =	sdelay $0x4  }
0x356: {  	[tilespmem:s0+$0x1B730] =	vst v1;
	v1 =	vld [tilespmem:s0+$0x19750];
	_ =	sdelay $0x1  }
0x357: {  	v0 =	vld.idx.msk [tilespmem:v0+s6+$0x0], $0xffff;
	_ =	sdelay $0x4  }
0x358: {  	[tilespmem:s0+$0x1B740] =	vst v0;
	v0 =	vld [tilespmem:s0+$0x19760]  }
0x359: {  	v1 =	vld.idx.msk [tilespmem:v1+s6+$0x0], $0xffff;
	_ =	sdelay $0x4  }
0x35a: {  	[tilespmem:s0+$0x1B750] =	vst v1;
	v1 =	vld [tilespmem:s0+$0x19770];
	_ =	sdelay $0x1  }
0x35b: {  	v0 =	vld.idx.msk [tilespmem:v0+s6+$0x0], $0xffff;
	_ =	sdelay $0x4  }
0x35c: {  	[tilespmem:s0+$0x1B760] =	vst v0;
	v0 =	vld [tilespmem:s0+$0x19780]  }
0x35d: {  	v1 =	vld.idx.msk [tilespmem:v1+s6+$0x0], $0xffff;
	_ =	sdelay $0x4  }
0x35e: {  	[tilespmem:s0+$0x1B770] =	vst v1;
	v1 =	vld [tilespmem:s0+$0x19790];
	_ =	sdelay $0x1  }
0x35f: {  	v0 =	vld.idx.msk [tilespmem:v0+s6+$0x0], $0xffff;
	_ =	sdelay $0x4  }
0x360: {  	[tilespmem:s0+$0x1B780] =	vst v0;
	v0 =	vld [tilespmem:s0+$0x197A0]  }
0x361: {  	v1 =	vld.idx.msk [tilespmem:v1+s6+$0x0], $0xffff;
	_ =	sdelay $0x4  }
0x362: {  	[tilespmem:s0+$0x1B790] =	vst v1;
	v1 =	vld [tilespmem:s0+$0x197B0];
	_ =	sdelay $0x1  }
0x363: {  	v0 =	vld.idx.msk [tilespmem:v0+s6+$0x0], $0xffff;
	_ =	sdelay $0x4  }
0x364: {  	[tilespmem:s0+$0x1B7A0] =	vst v0;
	v0 =	vld [tilespmem:s0+$0x197C0]  }
0x365: {  	v1 =	vld.idx.msk [tilespmem:v1+s6+$0x0], $0xffff;
	_ =	sdelay $0x4  }
0x366: {  	[tilespmem:s0+$0x1B7B0] =	vst v1;
	v1 =	vld [tilespmem:s0+$0x197D0];
	_ =	sdelay $0x1  }
0x367: {  	v0 =	vld.idx.msk [tilespmem:v0+s6+$0x0], $0xffff;
	_ =	sdelay $0x4  }
0x368: {  	v2 =	vld [tilespmem:s0+$0x197E0];
	[tilespmem:s0+$0x1B7C0] =	vst v0  }
0x369: {  	v0 =	vld.idx.msk [tilespmem:v1+s6+$0x0], $0xffff;
	_ =	sdelay $0x4  }
0x36a: {  	[tilespmem:s0+$0x1B7D0] =	vst v0;
	v0 =	vld [tilespmem:s0+$0x197F0];
	_ =	sdelay $0x1  }
0x36b: {  	v1 =	vld.idx.msk [tilespmem:v2+s6+$0x0], $0xffff;
	_ =	sdelay $0x3  }
0x36c: {  	s5 =	simm.s32 $0x800;
	s9 =	simm.s32 $0x100  }
.LBB2_17:
0x36d: {  	p1 =	sne.s32 s5, $0x3C00;
	v2 =	vld [tilespmem:s9+$0x19700];
	[tilespmem:s0+$0x1B7E0] =	vst v1  }
0x36e: {  	v0 =	vld.idx.msk [tilespmem:v0+s6+$0x0], $0xffff;
	_ =	sdelay $0x5  }
0x36f: {  	v1 =	vld [tilespmem:s9+$0x19710];
	[tilespmem:s0+$0x1B7F0] =	vst v0;
	s0 =	smov.u32 s9  }
0x370: {  	v0 =	vld.idx.msk [tilespmem:v2+s6+$0x0], $0xffff;
	_ =	sdelay $0x5  }
0x371: {  	[tilespmem:s0+$0x1B700] =	vst v0;
	v0 =	vld [tilespmem:s0+$0x19720]  }
0x372: {  	v1 =	vld.idx.msk [tilespmem:v1+s6+$0x0], $0xffff;
	_ =	sdelay $0x5  }
0x373: {  	[tilespmem:s0+$0x1B710] =	vst v1;
	v1 =	vld [tilespmem:s0+$0x19730]  }
0x374: {  	v0 =	vld.idx.msk [tilespmem:v0+s6+$0x0], $0xffff;
	_ =	sdelay $0x5  }
0x375: {  	[tilespmem:s0+$0x1B720] =	vst v0;
	v0 =	vld [tilespmem:s0+$0x19740]  }
0x376: {  	v1 =	vld.idx.msk [tilespmem:v1+s6+$0x0], $0xffff;
	_ =	sdelay $0x5  }
0x377: {  	[tilespmem:s0+$0x1B730] =	vst v1;
	v1 =	vld [tilespmem:s0+$0x19750]  }
0x378: {  	v0 =	vld.idx.msk [tilespmem:v0+s6+$0x0], $0xffff;
	_ =	sdelay $0x5  }
0x379: {  	[tilespmem:s0+$0x1B740] =	vst v0;
	v0 =	vld [tilespmem:s0+$0x19760]  }
0x37a: {  	v1 =	vld.idx.msk [tilespmem:v1+s6+$0x0], $0xffff;
	_ =	sdelay $0x5  }
0x37b: {  	[tilespmem:s0+$0x1B750] =	vst v1;
	v1 =	vld [tilespmem:s0+$0x19770]  }
0x37c: {  	v0 =	vld.idx.msk [tilespmem:v0+s6+$0x0], $0xffff;
	_ =	sdelay $0x5  }
0x37d: {  	[tilespmem:s0+$0x1B760] =	vst v0;
	v0 =	vld [tilespmem:s0+$0x19780]  }
0x37e: {  	v1 =	vld.idx.msk [tilespmem:v1+s6+$0x0], $0xffff;
	_ =	sdelay $0x5  }
0x37f: {  	[tilespmem:s0+$0x1B770] =	vst v1;
	v1 =	vld [tilespmem:s0+$0x19790]  }
0x380: {  	v0 =	vld.idx.msk [tilespmem:v0+s6+$0x0], $0xffff;
	_ =	sdelay $0x5  }
0x381: {  	[tilespmem:s0+$0x1B780] =	vst v0;
	v0 =	vld [tilespmem:s0+$0x197A0]  }
0x382: {  	v1 =	vld.idx.msk [tilespmem:v1+s6+$0x0], $0xffff;
	_ =	sdelay $0x5  }
0x383: {  	[tilespmem:s0+$0x1B790] =	vst v1;
	v1 =	vld [tilespmem:s0+$0x197B0]  }
0x384: {  	v0 =	vld.idx.msk [tilespmem:v0+s6+$0x0], $0xffff;
	_ =	sdelay $0x5  }
0x385: {  	[tilespmem:s0+$0x1B7A0] =	vst v0;
	v0 =	vld [tilespmem:s0+$0x197C0]  }
0x386: {  	v1 =	vld.idx.msk [tilespmem:v1+s6+$0x0], $0xffff;
	_ =	sdelay $0x5  }
0x387: {  	[tilespmem:s0+$0x1B7B0] =	vst v1;
	v1 =	vld [tilespmem:s0+$0x197D0]  }
0x388: {  	v0 =	vld.idx.msk [tilespmem:v0+s6+$0x0], $0xffff;
	_ =	sdelay $0x5  }
0x389: {  	[tilespmem:s0+$0x1B7C0] =	vst v0;
	v2 =	vld [tilespmem:s0+$0x197E0]  }
0x38a: {  	v0 =	vld.idx.msk [tilespmem:v1+s6+$0x0], $0xffff;
	_ =	sdelay $0x5  }
0x38b: {  	[tilespmem:s0+$0x1B7D0] =	vst v0;
	v0 =	vld [tilespmem:s0+$0x197F0]  }
0x38c: {  	v1 =	vld.idx.msk [tilespmem:v2+s6+$0x0], $0xffff  }
.Ltmp7:
0x38d: {  	(pc) =	sbr.rel @p1 .LBB2_17-.Ltmp7, $2  }
0x38e: {  	_ =	sdelay $0x2  }
0x38f: {  	s9 =	sshra.s32 s5, $0x2;
	s5 =	sadd.s32 $0x400, s5  }
0x390: {  	_ =	sdelay $0x1  }
0x391: {  	v2 =	vld [tilespmem:s9+$0x19700]  }
0x392: {  	[tilespmem:s0+$0x1B7E0] =	vst v1  }
0x393: {  	v0 =	vld.idx.msk [tilespmem:v0+s6+$0x0], $0xffff;
	_ =	sdelay $0x3  }
0x394: {  	v1 =	vld [tilespmem:s9+$0x19710]  }
0x395: {  	[tilespmem:s0+$0x1B7F0] =	vst v0  }
0x396: {  	v0 =	vld.idx.msk [tilespmem:v2+s6+$0x0], $0xffff;
	_ =	sdelay $0x3  }
0x397: {  	v50 =	vld [tilespmem:s9+$0x19720]  }
0x398: {  	[tilespmem:s9+$0x1B700] =	vst v0  }
0x399: {  	v1 =	vld.idx.msk [tilespmem:v1+s6+$0x0], $0xffff;
	_ =	sdelay $0x3  }
0x39a: {  	v51 =	vld [tilespmem:s9+$0x19730]  }
0x39b: {  	[tilespmem:s9+$0x1B710] =	vst v1  }
0x39c: {  	v0 =	vld.idx.msk [tilespmem:v50+s6+$0x0], $0xffff;
	_ =	sdelay $0x3  }
0x39d: {  	v52 =	vld [tilespmem:s9+$0x19740]  }
0x39e: {  	[tilespmem:s9+$0x1B720] =	vst v0  }
0x39f: {  	v1 =	vld.idx.msk [tilespmem:v51+s6+$0x0], $0xffff;
	_ =	sdelay $0x3  }
0x3a0: {  	v53 =	vld [tilespmem:s9+$0x19750]  }
0x3a1: {  	[tilespmem:s9+$0x1B730] =	vst v1  }
0x3a2: {  	v0 =	vld.idx.msk [tilespmem:v52+s6+$0x0], $0xffff;
	_ =	sdelay $0x3  }
0x3a3: {  	v54 =	vld [tilespmem:s9+$0x19760]  }
0x3a4: {  	[tilespmem:s9+$0x1B740] =	vst v0  }
0x3a5: {  	v1 =	vld.idx.msk [tilespmem:v53+s6+$0x0], $0xffff;
	_ =	sdelay $0x3  }
0x3a6: {  	v55 =	vld [tilespmem:s9+$0x19770]  }
0x3a7: {  	[tilespmem:s9+$0x1B750] =	vst v1  }
0x3a8: {  	v0 =	vld.idx.msk [tilespmem:v54+s6+$0x0], $0xffff;
	_ =	sdelay $0x3  }
0x3a9: {  	v56 =	vld [tilespmem:s9+$0x19780]  }
0x3aa: {  	[tilespmem:s9+$0x1B760] =	vst v0  }
0x3ab: {  	v1 =	vld.idx.msk [tilespmem:v55+s6+$0x0], $0xffff;
	_ =	sdelay $0x3  }
0x3ac: {  	v57 =	vld [tilespmem:s9+$0x19790]  }
0x3ad: {  	[tilespmem:s9+$0x1B770] =	vst v1  }
0x3ae: {  	v0 =	vld.idx.msk [tilespmem:v56+s6+$0x0], $0xffff;
	_ =	sdelay $0x3  }
0x3af: {  	v58 =	vld [tilespmem:s9+$0x197A0]  }
0x3b0: {  	[tilespmem:s9+$0x1B780] =	vst v0  }
0x3b1: {  	v1 =	vld.idx.msk [tilespmem:v57+s6+$0x0], $0xffff;
	_ =	sdelay $0x3  }
0x3b2: {  	v59 =	vld [tilespmem:s9+$0x197B0]  }
0x3b3: {  	[tilespmem:s9+$0x1B790] =	vst v1  }
0x3b4: {  	v0 =	vld.idx.msk [tilespmem:v58+s6+$0x0], $0xffff;
	_ =	sdelay $0x3  }
0x3b5: {  	v60 =	vld [tilespmem:s9+$0x197C0]  }
0x3b6: {  	[tilespmem:s9+$0x1B7A0] =	vst v0  }
0x3b7: {  	v1 =	vld.idx.msk [tilespmem:v59+s6+$0x0], $0xffff;
	_ =	sdelay $0x3  }
0x3b8: {  	v61 =	vld [tilespmem:s9+$0x197D0]  }
0x3b9: {  	[tilespmem:s9+$0x1B7B0] =	vst v1  }
0x3ba: {  	v0 =	vld.idx.msk [tilespmem:v60+s6+$0x0], $0xffff;
	_ =	sdelay $0x3  }
0x3bb: {  	v62 =	vld [tilespmem:s9+$0x197E0]  }
0x3bc: {  	[tilespmem:s9+$0x1B7C0] =	vst v0  }
0x3bd: {  	v1 =	vld.idx.msk [tilespmem:v61+s6+$0x0], $0xffff;
	_ =	sdelay $0x3  }
0x3be: {  	v63 =	vld [tilespmem:s9+$0x197F0]  }
0x3bf: {  	[tilespmem:s9+$0x1B7D0] =	vst v1  }
0x3c0: {  	v0 =	vld.idx.msk [tilespmem:v62+s6+$0x0], $0xffff;
	_ =	sdelay $0x4  }
0x3c1: {  	[tilespmem:s9+$0x1B7E0] =	vst v0  }
0x3c2: {  	v0 =	vld.idx.msk [tilespmem:v63+s6+$0x0], $0xffff;
	_ =	sdelay $0x4  }
0x3c3: {  	s19 =	sadd.s32 s4, s2;
	s7 =	sadd.s32 $0x1, s7;
	[tilespmem:s9+$0x1B7F0] =	vst v0  }
0x3c4: {  	[hbm4b:s19+s20] =	stream.strided.scatter [tilespmem:s30], [sflag:$0x5], $0x1000, s21, s20, $0x38;
	[tilespmem:$0x1CF00] =	vst v63  }
0x3c5: {  	p1 =	sne.s32 s7, $0x8;
	_ =	swait.ge [sflag:s31], $0x1000  }
.Ltmp8:
0x3c6: {  	[sflag:s31] =	ssyncset.done $0x0;
	(pc) =	sbr.rel @p1 .LBB2_2-.Ltmp8, $4  }
0x3c7: {  	[sflag:s31] =	ssyncadd.s32 $0xFFFFF000  }
0x3c8: {  	_ =	swait.ge [sflag:s1], $0x1000  }
0x3c9: {  	[sflag:s1] =	ssyncset.done $0x0  }
0x3ca: {  	[sflag:s1] =	ssyncadd.s32 $0xFFFFF000  }
0x3cb: {  	s2 =	rddreg [dreg:$0xc]  }
0x3cc: {  	s0 =	rddreg [dreg:$0x9];
	s2 =	sadd.s32 $0x1, s2  }
0x3cd: {  	p1 =	sne.s32 s2, s0  }
.Ltmp9:
0x3ce: {  	_ = 	snop;
	(pc) =	sbr.rel @p1 .LBB2_1-.Ltmp9, $1  }
0x3cf: {  	_ =	sdelay $0x3  }
0x3d0: {  	_ =	sfence.sel $0x180000  }
0x3d1: {  	[bflag:$0x0] =	sbarrier.arrive $0xFFFF  }
0x3d2: {  	_ =	strace $0x90000047  }
0x3d3: {  	[bflag:$0x2] =	sbarrier.arrive $0xFFFF  }
0x3d4: {  	s0 =	rddreg [dreg:$0x6]  }
0x3d5: {  	s0 =	sadd.s32 @!p0 $0x100000, s0  }
0x3d6: {  	[sflag:s0] =	ssyncadd.tile.s32 @!p0 $0x1;
	_ =	shalt  }
.Lfunc_end2:
_tile_overlayer_lowered:
.L_overlay_start_2:
0x3d7: {  	(tag) =	ssettag $0x2  }
0x3d8: {  	s0 =	rddreg [dreg:$0x0];
	s2 =	stileid.u32  }
0x3d9: {  	s1 =	rddreg [dreg:$0x1];
	p0 =	sne.s32 s2, $0x0  }
0x3da: {  	s3 =	rddreg [dreg:$0x2];
	[bflag:$0x3] =	sbarrier.arrive $0xFFFF;
	s2 =	simm.s32 @!p0 $0x1C06  }
0x3db: {  	[timem:s3], [sflag:s2] =	dma.local @!p0 [hbm:s0], s1  }
0x3dc: {  	s0 =	simm.s32 @!p0 $0x6  }
0x3dd: {  	_ =	swait.ge @!p0 [sflag:s0], s1  }
0x3de: {  	s1 =	ssub.s32 @!p0 $0x0, s1;
	[sflag:s0] =	ssyncset.done @!p0 $0x0  }
0x3df: {  	[sflag:s0] =	ssyncadd.s32 @!p0 s1  }
0x3e0: {  	[bflag:$0x3] =	sbarrier.arrive $0xFFFF  }
0x3e1: {  	_ =	shalt  }

</sc_bundles>
